<compile_context>
chip_gen: v7x
topology: tpu7x:2x2x1
jax: 0.10.2.dev20260603
libtpu: 0.0.44.dev20260713+nightly
codegen_flags: <defaults>
</compile_context>

<pallas_src>
import jax
import jax.numpy as jnp
from jax import lax
from jax.experimental import pallas as pl
from jax.experimental.pallas import tpu as pltpu
from jax.experimental.pallas import tpu_sc as plsc

_EMBED = 32
_BATCH = 16384
_HIST = 50
_TSTRIDE = 33

_NW = 32
_BCOLS = 128
_HCHUNK = 5
_CROWS = _HCHUNK * _EMBED
_NBUF = 2
_L = 16


def _gather_kernel(idx_hbm, table_hbm, out_hbm,
                   tbl_v, idx_v, out_v, tsem, isem, osem):
    cols_per_w = _BATCH // _NW
    bgroups = cols_per_w // _BCOLS
    cchunks = (_HIST * _EMBED) // _CROWS
    wid = lax.axis_index("s") * 2 + lax.axis_index("c")
    col0 = wid * cols_per_w

    pltpu.make_async_copy(table_hbm, tbl_v, tsem).start()
    pltpu.make_async_copy(table_hbm, tbl_v, tsem).wait()

    viota50 = lax.iota(jnp.int32, _L) * _HIST

    pltpu.make_async_copy(
        idx_hbm.at[pl.ds(col0 * _HIST, cols_per_w * _HIST)], idx_v,
        isem).start()
    pltpu.make_async_copy(
        idx_hbm.at[pl.ds(col0 * _HIST, cols_per_w * _HIST)], idx_v,
        isem).wait()

    def writeout_copy(bg, cc, b):
        return pltpu.make_async_copy(
            out_v.at[b],
            out_hbm.at[pl.ds(cc * _CROWS, _CROWS),
                       pl.ds(col0 + bg * _BCOLS, _BCOLS)],
            osem.at[b])

    def compute_chunk(bg, cc, b):
        @plsc.parallel_loop(0, _HCHUNK * (_BCOLS // _L))
        def _(t):
            h = cc * _HCHUNK + t // (_BCOLS // _L)
            bg16 = t % (_BCOLS // _L)
            pos = viota50 + ((bg * _BCOLS + bg16 * _L) * _HIST + h)
            idxv = plsc.load_gather(idx_v, [pos])
            tbase = idxv * _TSTRIDE
            r0 = (t // (_BCOLS // _L)) * _EMBED
            for e in range(_EMBED):
                val = plsc.load_gather(tbl_v, [tbase + e])
                out_v[b, r0 + e, pl.ds(bg16 * _L, _L)] = val

    @pl.loop(0, bgroups)
    def _(bg):
        @pl.loop(0, cchunks, step=_NBUF)
        def _(g):
            for b in range(_NBUF):
                cc = g + b

                @pl.when(jnp.logical_or(bg > 0, cc >= _NBUF))
                def _():
                    writeout_copy(bg, cc, b).wait()

                compute_chunk(bg, cc, b)
                writeout_copy(bg, cc, b).start()

    for b in range(_NBUF):
        writeout_copy(bgroups - 1, cchunks - _NBUF + b, b).wait()


def kernel(indices, table):
    nflat = indices.shape[0] * indices.shape[1]
    idx_flat = indices.reshape(nflat)
    tbl_pad = jnp.pad(table, ((0, 0), (0, _TSTRIDE - _EMBED))).reshape(-1)
    tbl_pad = jnp.pad(tbl_pad, (0, 4096 - tbl_pad.shape[0]))
    mesh = plsc.VectorSubcoreMesh(core_axis_name="c", subcore_axis_name="s")
    call = pl.kernel(
        _gather_kernel,
        mesh=mesh,
        out_type=jax.ShapeDtypeStruct((_HIST * _EMBED, _BATCH), jnp.float32),
        scratch_types=[
            pltpu.VMEM((4096,), jnp.float32),
            pltpu.VMEM((_BATCH // _NW * _HIST,), jnp.int32),
            pltpu.VMEM((_NBUF, _CROWS, _BCOLS), jnp.float32),
            pltpu.SemaphoreType.DMA,
            pltpu.SemaphoreType.DMA,
            pltpu.SemaphoreType.DMA((_NBUF,)),
        ],
        compiler_params=pltpu.CompilerParams(use_tc_tiling_on_sc=True,
                                             needs_layout_passes=False),
    )
    out_t = call(idx_flat, tbl_pad)
    return out_t.T

# --- scband reference (transcript-rebuilt; emitter-appended) ---
"""Pipeline reference for scband-string-embedding-4174708211927 (READ-ONLY COPY).

The authoritative reference and input builder live on the scoring server;
editing this copy changes nothing except your own understanding.
"""

import jax, jax.numpy as jnp
import numpy as np

VOCAB = 100  # len(unique_elements)
EMBED = 32
BATCH = 16384
HIST = 50


def setup_inputs(seed: int = 0) -> dict:
    key = jax.random.key(seed)
    k1, k2 = jax.random.split(key)
    # StringLookup maps strings -> ints in [0, VOCAB]; index 0 is the OOV token,
    # so the effective integer id range is [0, VOCAB] (VOCAB+1 distinct ids).
    # We model the post-lookup integer indices directly.
    indices = jax.random.randint(k1, (BATCH, HIST), 0, VOCAB + 1, dtype=jnp.int32)
    # Embedding table: input_dim = len(unique_elements) + 1 rows.
    table = jax.random.normal(k2, (VOCAB + 1, EMBED), dtype=jnp.float32) * 0.05
    return {"indices": indices, "table": table}


def reference(indices, table):
    # tf.keras.layers.Embedding: gather rows of the table.
    emb = jnp.take(table, indices, axis=0)  # [B, HIST, EMBED]
    # tf.keras.layers.Flatten(): flatten all non-batch dims.
    return emb.reshape(emb.shape[0], -1)  # [B, HIST*EMBED]

if __name__ == "__main__":
    import jax
    _d = setup_inputs()
    print(jax.jit(kernel)(*tuple(_d.values())))

</pallas_src>

<mosaic_0001>
#map = affine_map<(d0, d1) -> (0)>
#map1 = affine_map<(d0, d1) -> (0, 0)>
module attributes {stable_mosaic.version = 14 : i64} {
  func.func @_gather_kernel(%arg0: i32, %arg1: i32, %arg2: memref<819200xi32, #tpu.memory_space<hbm>>, %arg3: memref<4096xf32, #tpu.memory_space<hbm>>, %arg4: memref<1600x16384xf32, #tpu.memory_space<hbm>>, %arg5: memref<4096xf32, #tpu.memory_space<vmem>>, %arg6: memref<25600xi32, #tpu.memory_space<vmem>>, %arg7: memref<2x160x128xf32, #tpu.memory_space<vmem>>, %arg8: memref<!tpu.dma_semaphore, #tpu.memory_space<semaphore_mem>>, %arg9: memref<!tpu.dma_semaphore, #tpu.memory_space<semaphore_mem>>, %arg10: memref<2x!tpu.dma_semaphore, #tpu.memory_space<semaphore_mem>>) attributes {dimension_semantics = [#tpu.dimension_semantics<core_parallel>, #tpu.dimension_semantics<subcore_parallel>], iteration_bounds = array<i64: 2, 16>, scalar_prefetch = 0 : i64, scratch_operands = 6 : i64, tpu.core_type = #tpu.core_type<sc_vector_subcore>, window_params = [{transform_indices = #map}, {transform_indices = #map}, {transform_indices = #map1}]} {
    %mul3A = arith.constant 2 : i32
    %mul3A_0 = arith.muli %arg1, %mul3A : i32
    %add3A = arith.addi %mul3A_0, %arg0 : i32
    %mul3A_1 = arith.constant 512 : i32
    %mul3A_2 = arith.muli %add3A, %mul3A_1 : i32
    tpu.enqueue_dma source(%arg3 : memref<4096xf32, #tpu.memory_space<hbm>>) target(%arg5 : memref<4096xf32, #tpu.memory_space<vmem>>) target_semaphore(%arg8 : memref<!tpu.dma_semaphore, #tpu.memory_space<semaphore_mem>>)
    tpu.wait_dma2 semaphore(%arg8 : memref<!tpu.dma_semaphore, #tpu.memory_space<semaphore_mem>>) src(%arg3 : memref<4096xf32, #tpu.memory_space<hbm>>) dst(%arg5 : memref<4096xf32, #tpu.memory_space<vmem>>)
    %iota3A = tpu.iota {dimensions = array<i32: 0>} : vector<16xi32>
    %mul3A_3 = arith.constant 50 : i32
    %mul3A_4 = vector.broadcast %mul3A_3 : i32 to vector<16xi32>
    %mul3A_5 = arith.muli %iota3A, %mul3A_4 : vector<16xi32>
    %mul3A_6 = arith.constant 50 : i32
    %mul3A_7 = arith.muli %mul3A_2, %mul3A_6 : i32
    %dma_start3A = tpu.memref_slice %arg2[%mul3A_7] : memref<819200xi32, #tpu.memory_space<hbm>> -> memref<25600xi32, #tpu.memory_space<hbm>>
    %dma_start3A_8 = tpu.memref_slice %arg2[%mul3A_7] : memref<819200xi32, #tpu.memory_space<hbm>> -> memref<25600xi32, #tpu.memory_space<hbm>>
    tpu.enqueue_dma source(%dma_start3A_8 : memref<25600xi32, #tpu.memory_space<hbm>>) target(%arg6 : memref<25600xi32, #tpu.memory_space<vmem>>) target_semaphore(%arg9 : memref<!tpu.dma_semaphore, #tpu.memory_space<semaphore_mem>>)
    %mul3A_9 = arith.constant 50 : i32
    %mul3A_10 = arith.muli %mul3A_2, %mul3A_9 : i32
    %dma_wait3A = tpu.memref_slice %arg2[%mul3A_10] : memref<819200xi32, #tpu.memory_space<hbm>> -> memref<25600xi32, #tpu.memory_space<hbm>>
    %dma_wait3A_11 = tpu.memref_slice %arg2[%mul3A_10] : memref<819200xi32, #tpu.memory_space<hbm>> -> memref<25600xi32, #tpu.memory_space<hbm>>
    tpu.wait_dma2 semaphore(%arg9 : memref<!tpu.dma_semaphore, #tpu.memory_space<semaphore_mem>>) src(%dma_wait3A_11 : memref<25600xi32, #tpu.memory_space<hbm>>) dst(%arg6 : memref<25600xi32, #tpu.memory_space<vmem>>)
    %scan3A = arith.constant 0 : i32
    %scan3A_12 = arith.constant 4 : i32
    %scan3A_13 = arith.addi %scan3A, %scan3A_12 : i32
    %scan3A_14 = arith.constant 1 : i32
    scf.for %scan3A_52 = %scan3A to %scan3A_13 step %scan3A_14  : i32 {
      %mul3A_53 = arith.constant 1 : i32
      %mul3A_54 = arith.muli %scan3A_52, %mul3A_53 : i32
      %add3A_55 = arith.constant 0 : i32
      %add3A_56 = arith.addi %add3A_55, %mul3A_54 : i32
      %scan3A_57 = arith.constant 0 : i32
      %scan3A_58 = arith.constant 5 : i32
      %scan3A_59 = arith.addi %scan3A_57, %scan3A_58 : i32
      %scan3A_60 = arith.constant 1 : i32
      scf.for %scan3A_62 = %scan3A_57 to %scan3A_59 step %scan3A_60  : i32 {
        %mul3A_63 = arith.constant 2 : i32
        %mul3A_64 = arith.muli %scan3A_62, %mul3A_63 : i32
        %add3A_65 = arith.constant 0 : i32
        %add3A_66 = arith.addi %add3A_65, %mul3A_64 : i32
        %add3A_67 = arith.constant 0 : i32
        %add3A_68 = arith.addi %add3A_66, %add3A_67 : i32
        %gt3A = arith.constant 0 : i32
        %gt3A_69 = arith.cmpi sgt, %add3A_56, %gt3A : i32
        %ge3A = arith.constant 2 : i32
        %ge3A_70 = arith.cmpi sge, %add3A_68, %ge3A : i32
        %or3A = arith.ori %gt3A_69, %ge3A_70 : i1
        %convert_element_type3A = arith.extui %or3A : i1 to i32
        %cond3A = arith.constant 0 : i32
        %cond3A_71 = arith.cmpi ne, %convert_element_type3A, %cond3A : i32
        scf.if %cond3A_71 {
          %mul3A_125 = arith.constant 160 : i32
          %mul3A_126 = arith.muli %add3A_68, %mul3A_125 : i32
          %mul3A_127 = arith.constant 128 : i32
          %mul3A_128 = arith.muli %add3A_56, %mul3A_127 : i32
          %add3A_129 = arith.addi %mul3A_2, %mul3A_128 : i32
          %dma_wait3A_130 = arith.constant 0 : i32
          %dma_wait3A_131 = arith.constant 0 : i32
          %dma_wait3A_132 = arith.constant 0 : i32
          %dma_wait3A_133 = arith.constant 0 : i32
          %dma_wait3A_134 = tpu.memref_slice %arg7[%dma_wait3A_130, %dma_wait3A_132, %dma_wait3A_133] : memref<2x160x128xf32, #tpu.memory_space<vmem>> -> memref<1x160x128xf32, #tpu.memory_space<vmem>>
          %dma_wait3A_135 = tpu.memref_squeeze %dma_wait3A_134 : memref<1x160x128xf32, #tpu.memory_space<vmem>> -> memref<160x128xf32, #tpu.memory_space<vmem>>
          %dma_wait3A_136 = tpu.memref_slice %arg4[%mul3A_126, %add3A_129] : memref<1600x16384xf32, #tpu.memory_space<hbm>> -> memref<160x128xf32, #tpu.memory_space<hbm>>
          %dma_wait3A_137 = tpu.memref_slice %arg10[%dma_wait3A_131] : memref<2x!tpu.dma_semaphore, #tpu.memory_space<semaphore_mem>> -> memref<1x!tpu.dma_semaphore, #tpu.memory_space<semaphore_mem>>
          %dma_wait3A_138 = tpu.memref_squeeze %dma_wait3A_137 : memref<1x!tpu.dma_semaphore, #tpu.memory_space<semaphore_mem>> -> memref<!tpu.dma_semaphore, #tpu.memory_space<semaphore_mem>>
          %dma_wait3A_139 = tpu.memref_slice %arg4[%mul3A_126, %add3A_129] : memref<1600x16384xf32, #tpu.memory_space<hbm>> -> memref<160x128xf32, #tpu.memory_space<hbm>>
          %dma_wait3A_140 = arith.constant 0 : i32
          %dma_wait3A_141 = arith.constant 0 : i32
          %dma_wait3A_142 = tpu.memref_slice %arg7[%dma_wait3A_130, %dma_wait3A_140, %dma_wait3A_141] : memref<2x160x128xf32, #tpu.memory_space<vmem>> -> memref<1x160x128xf32, #tpu.memory_space<vmem>>
          %dma_wait3A_143 = tpu.memref_squeeze %dma_wait3A_142 : memref<1x160x128xf32, #tpu.memory_space<vmem>> -> memref<160x128xf32, #tpu.memory_space<vmem>>
          tpu.wait_dma2 semaphore(%dma_wait3A_138 : memref<!tpu.dma_semaphore, #tpu.memory_space<semaphore_mem>>) src(%dma_wait3A_143 : memref<160x128xf32, #tpu.memory_space<vmem>>) dst(%dma_wait3A_139 : memref<160x128xf32, #tpu.memory_space<hbm>>)
        } else {
        }
        %parallel_loop3A = arith.constant 0 : i32
        %parallel_loop3A_72 = arith.constant 40 : i32
        %parallel_loop3A_73 = arith.constant 1 : i32
        scf.for %parallel_loop3A_125 = %parallel_loop3A to %parallel_loop3A_72 step %parallel_loop3A_73  : i32 {
          %parallel_loop3A_126 = arith.constant 5 : i32
          %parallel_loop3A_127 = arith.muli %add3A_68, %parallel_loop3A_126 : i32
          %parallel_loop3A_128 = arith.constant 8 : i32
          %parallel_loop3A_129 = arith.divsi %parallel_loop3A_125, %parallel_loop3A_128 : i32
          %parallel_loop3A_130 = arith.constant 0 : i32
          %parallel_loop3A_131 = arith.cmpi sgt, %parallel_loop3A_125, %parallel_loop3A_130 : i32
          %parallel_loop3A_132 = arith.extui %parallel_loop3A_131 : i1 to i32
          %parallel_loop3A_133 = arith.constant 0 : i32
          %parallel_loop3A_134 = arith.cmpi slt, %parallel_loop3A_125, %parallel_loop3A_133 : i32
          %parallel_loop3A_135 = arith.extui %parallel_loop3A_134 : i1 to i32
          %parallel_loop3A_136 = arith.subi %parallel_loop3A_132, %parallel_loop3A_135 : i32
          %parallel_loop3A_137 = arith.constant 0 : i32
          %parallel_loop3A_138 = arith.cmpi sgt, %parallel_loop3A_128, %parallel_loop3A_137 : i32
          %parallel_loop3A_139 = arith.extui %parallel_loop3A_138 : i1 to i32
          %parallel_loop3A_140 = arith.constant 0 : i32
          %parallel_loop3A_141 = arith.cmpi slt, %parallel_loop3A_128, %parallel_loop3A_140 : i32
          %parallel_loop3A_142 = arith.extui %parallel_loop3A_141 : i1 to i32
          %parallel_loop3A_143 = arith.subi %parallel_loop3A_139, %parallel_loop3A_142 : i32
          %parallel_loop3A_144 = arith.cmpi ne, %parallel_loop3A_136, %parallel_loop3A_143 : i32
          %parallel_loop3A_145 = arith.remsi %parallel_loop3A_125, %parallel_loop3A_128 : i32
          %parallel_loop3A_146 = arith.constant 0 : i32
          %parallel_loop3A_147 = arith.cmpi ne, %parallel_loop3A_145, %parallel_loop3A_146 : i32
          %parallel_loop3A_148 = arith.andi %parallel_loop3A_144, %parallel_loop3A_147 : i1
          %parallel_loop3A_149 = arith.constant 1 : i32
          %parallel_loop3A_150 = arith.subi %parallel_loop3A_129, %parallel_loop3A_149 : i32
          %parallel_loop3A_151 = arith.select %parallel_loop3A_148, %parallel_loop3A_150, %parallel_loop3A_129 : i32
          %parallel_loop3A_152 = arith.addi %parallel_loop3A_127, %parallel_loop3A_151 : i32
          %parallel_loop3A_153 = arith.constant 8 : i32
          %parallel_loop3A_154 = arith.constant 0 : i32
          %parallel_loop3A_155 = arith.cmpi eq, %parallel_loop3A_153, %parallel_loop3A_154 : i32
          %parallel_loop3A_156 = arith.constant 1 : i32
          %parallel_loop3A_157 = arith.select %parallel_loop3A_155, %parallel_loop3A_156, %parallel_loop3A_153 : i32
          %parallel_loop3A_158 = arith.remsi %parallel_loop3A_125, %parallel_loop3A_157 : i32
          %parallel_loop3A_159 = arith.constant 0 : i32
          %parallel_loop3A_160 = arith.cmpi ne, %parallel_loop3A_158, %parallel_loop3A_159 : i32
          %parallel_loop3A_161 = arith.constant 0 : i32
          %parallel_loop3A_162 = arith.cmpi slt, %parallel_loop3A_158, %parallel_loop3A_161 : i32
          %parallel_loop3A_163 = arith.constant 0 : i32
          %parallel_loop3A_164 = arith.cmpi slt, %parallel_loop3A_157, %parallel_loop3A_163 : i32
          %parallel_loop3A_165 = arith.xori %parallel_loop3A_162, %parallel_loop3A_164 : i1
          %parallel_loop3A_166 = arith.andi %parallel_loop3A_165, %parallel_loop3A_160 : i1
          %parallel_loop3A_167 = arith.addi %parallel_loop3A_158, %parallel_loop3A_157 : i32
          %parallel_loop3A_168 = arith.select %parallel_loop3A_166, %parallel_loop3A_167, %parallel_loop3A_158 : i32
          %parallel_loop3A_169 = arith.constant 128 : i32
          %parallel_loop3A_170 = arith.muli %add3A_56, %parallel_loop3A_169 : i32
          %parallel_loop3A_171 = arith.constant 16 : i32
          %parallel_loop3A_172 = arith.muli %parallel_loop3A_168, %parallel_loop3A_171 : i32
          %parallel_loop3A_173 = arith.addi %parallel_loop3A_170, %parallel_loop3A_172 : i32
          %parallel_loop3A_174 = arith.constant 50 : i32
          %parallel_loop3A_175 = arith.muli %parallel_loop3A_173, %parallel_loop3A_174 : i32
          %parallel_loop3A_176 = arith.addi %parallel_loop3A_175, %parallel_loop3A_152 : i32
          %parallel_loop3A_177 = vector.broadcast %parallel_loop3A_176 : i32 to vector<16xi32>
          %parallel_loop3A_178 = arith.addi %mul3A_5, %parallel_loop3A_177 : vector<16xi32>
          %parallel_loop3A_179 = tpu.vector_load_idx %arg6[%parallel_loop3A_178] : memref<25600xi32, #tpu.memory_space<vmem>>[vector<16xi32>], vector<16xi32>,
          %parallel_loop3A_180 = arith.constant 33 : i32
          %parallel_loop3A_181 = vector.broadcast %parallel_loop3A_180 : i32 to vector<16xi32>
          %parallel_loop3A_182 = arith.muli %parallel_loop3A_179, %parallel_loop3A_181 : vector<16xi32>
          %parallel_loop3A_183 = arith.constant 8 : i32
          %parallel_loop3A_184 = arith.divsi %parallel_loop3A_125, %parallel_loop3A_183 : i32
          %parallel_loop3A_185 = arith.constant 0 : i32
          %parallel_loop3A_186 = arith.cmpi sgt, %parallel_loop3A_125, %parallel_loop3A_185 : i32
          %parallel_loop3A_187 = arith.extui %parallel_loop3A_186 : i1 to i32
          %parallel_loop3A_188 = arith.constant 0 : i32
          %parallel_loop3A_189 = arith.cmpi slt, %parallel_loop3A_125, %parallel_loop3A_188 : i32
          %parallel_loop3A_190 = arith.extui %parallel_loop3A_189 : i1 to i32
          %parallel_loop3A_191 = arith.subi %parallel_loop3A_187, %parallel_loop3A_190 : i32
          %parallel_loop3A_192 = arith.constant 0 : i32
          %parallel_loop3A_193 = arith.cmpi sgt, %parallel_loop3A_183, %parallel_loop3A_192 : i32
          %parallel_loop3A_194 = arith.extui %parallel_loop3A_193 : i1 to i32
          %parallel_loop3A_195 = arith.constant 0 : i32
          %parallel_loop3A_196 = arith.cmpi slt, %parallel_loop3A_183, %parallel_loop3A_195 : i32
          %parallel_loop3A_197 = arith.extui %parallel_loop3A_196 : i1 to i32
          %parallel_loop3A_198 = arith.subi %parallel_loop3A_194, %parallel_loop3A_197 : i32
          %parallel_loop3A_199 = arith.cmpi ne, %parallel_loop3A_191, %parallel_loop3A_198 : i32
          %parallel_loop3A_200 = arith.remsi %parallel_loop3A_125, %parallel_loop3A_183 : i32
          %parallel_loop3A_201 = arith.constant 0 : i32
          %parallel_loop3A_202 = arith.cmpi ne, %parallel_loop3A_200, %parallel_loop3A_201 : i32
          %parallel_loop3A_203 = arith.andi %parallel_loop3A_199, %parallel_loop3A_202 : i1
          %parallel_loop3A_204 = arith.constant 1 : i32
          %parallel_loop3A_205 = arith.subi %parallel_loop3A_184, %parallel_loop3A_204 : i32
          %parallel_loop3A_206 = arith.select %parallel_loop3A_203, %parallel_loop3A_205, %parallel_loop3A_184 : i32
          %parallel_loop3A_207 = arith.constant 32 : i32
          %parallel_loop3A_208 = arith.muli %parallel_loop3A_206, %parallel_loop3A_207 : i32
          %parallel_loop3A_209 = arith.constant 0 : i32
          %parallel_loop3A_210 = vector.broadcast %parallel_loop3A_209 : i32 to vector<16xi32>
          %parallel_loop3A_211 = arith.addi %parallel_loop3A_182, %parallel_loop3A_210 : vector<16xi32>
          %parallel_loop3A_212 = tpu.vector_load_idx %arg5[%parallel_loop3A_211] : memref<4096xf32, #tpu.memory_space<vmem>>[vector<16xi32>], vector<16xf32>,
          %parallel_loop3A_213 = arith.constant 0 : i32
          %parallel_loop3A_214 = arith.addi %parallel_loop3A_208, %parallel_loop3A_213 : i32
          %parallel_loop3A_215 = arith.constant 16 : i32
          %parallel_loop3A_216 = arith.muli %parallel_loop3A_168, %parallel_loop3A_215 : i32
          %parallel_loop3A_217 = arith.constant 0 : i32
          %parallel_loop3A_218 = arith.index_cast %parallel_loop3A_217 : i32 to index
          %parallel_loop3A_219 = arith.index_cast %parallel_loop3A_214 : i32 to index
          %parallel_loop3A_220 = arith.index_cast %parallel_loop3A_216 : i32 to index
          %parallel_loop3A_221 = tpu.vector_load %arg7[%parallel_loop3A_218, %parallel_loop3A_219, %parallel_loop3A_220] {strides = array<i32>} : memref<2x160x128xf32, #tpu.memory_space<vmem>>, vector<16xf32>,
          tpu.vector_store %arg7[%parallel_loop3A_218, %parallel_loop3A_219, %parallel_loop3A_220], %parallel_loop3A_212 {strides = array<i32>} : memref<2x160x128xf32, #tpu.memory_space<vmem>>, vector<16xf32>,
          %parallel_loop3A_222 = arith.constant 1 : i32
          %parallel_loop3A_223 = vector.broadcast %parallel_loop3A_222 : i32 to vector<16xi32>
          %parallel_loop3A_224 = arith.addi %parallel_loop3A_182, %parallel_loop3A_223 : vector<16xi32>
          %parallel_loop3A_225 = tpu.vector_load_idx %arg5[%parallel_loop3A_224] : memref<4096xf32, #tpu.memory_space<vmem>>[vector<16xi32>], vector<16xf32>,
          %parallel_loop3A_226 = arith.constant 1 : i32
          %parallel_loop3A_227 = arith.addi %parallel_loop3A_208, %parallel_loop3A_226 : i32
          %parallel_loop3A_228 = arith.constant 16 : i32
          %parallel_loop3A_229 = arith.muli %parallel_loop3A_168, %parallel_loop3A_228 : i32
          %parallel_loop3A_230 = arith.constant 0 : i32
          %parallel_loop3A_231 = arith.index_cast %parallel_loop3A_230 : i32 to index
          %parallel_loop3A_232 = arith.index_cast %parallel_loop3A_227 : i32 to index
          %parallel_loop3A_233 = arith.index_cast %parallel_loop3A_229 : i32 to index
          %parallel_loop3A_234 = tpu.vector_load %arg7[%parallel_loop3A_231, %parallel_loop3A_232, %parallel_loop3A_233] {strides = array<i32>} : memref<2x160x128xf32, #tpu.memory_space<vmem>>, vector<16xf32>,
          tpu.vector_store %arg7[%parallel_loop3A_231, %parallel_loop3A_232, %parallel_loop3A_233], %parallel_loop3A_225 {strides = array<i32>} : memref<2x160x128xf32, #tpu.memory_space<vmem>>, vector<16xf32>,
          %parallel_loop3A_235 = arith.constant 2 : i32
          %parallel_loop3A_236 = vector.broadcast %parallel_loop3A_235 : i32 to vector<16xi32>
          %parallel_loop3A_237 = arith.addi %parallel_loop3A_182, %parallel_loop3A_236 : vector<16xi32>
          %parallel_loop3A_238 = tpu.vector_load_idx %arg5[%parallel_loop3A_237] : memref<4096xf32, #tpu.memory_space<vmem>>[vector<16xi32>], vector<16xf32>,
          %parallel_loop3A_239 = arith.constant 2 : i32
          %parallel_loop3A_240 = arith.addi %parallel_loop3A_208, %parallel_loop3A_239 : i32
          %parallel_loop3A_241 = arith.constant 16 : i32
          %parallel_loop3A_242 = arith.muli %parallel_loop3A_168, %parallel_loop3A_241 : i32
          %parallel_loop3A_243 = arith.constant 0 : i32
          %parallel_loop3A_244 = arith.index_cast %parallel_loop3A_243 : i32 to index
          %parallel_loop3A_245 = arith.index_cast %parallel_loop3A_240 : i32 to index
          %parallel_loop3A_246 = arith.index_cast %parallel_loop3A_242 : i32 to index
          %parallel_loop3A_247 = tpu.vector_load %arg7[%parallel_loop3A_244, %parallel_loop3A_245, %parallel_loop3A_246] {strides = array<i32>} : memref<2x160x128xf32, #tpu.memory_space<vmem>>, vector<16xf32>,
          tpu.vector_store %arg7[%parallel_loop3A_244, %parallel_loop3A_245, %parallel_loop3A_246], %parallel_loop3A_238 {strides = array<i32>} : memref<2x160x128xf32, #tpu.memory_space<vmem>>, vector<16xf32>,
          %parallel_loop3A_248 = arith.constant 3 : i32
          %parallel_loop3A_249 = vector.broadcast %parallel_loop3A_248 : i32 to vector<16xi32>
          %parallel_loop3A_250 = arith.addi %parallel_loop3A_182, %parallel_loop3A_249 : vector<16xi32>
          %parallel_loop3A_251 = tpu.vector_load_idx %arg5[%parallel_loop3A_250] : memref<4096xf32, #tpu.memory_space<vmem>>[vector<16xi32>], vector<16xf32>,
          %parallel_loop3A_252 = arith.constant 3 : i32
          %parallel_loop3A_253 = arith.addi %parallel_loop3A_208, %parallel_loop3A_252 : i32
          %parallel_loop3A_254 = arith.constant 16 : i32
          %parallel_loop3A_255 = arith.muli %parallel_loop3A_168, %parallel_loop3A_254 : i32
          %parallel_loop3A_256 = arith.constant 0 : i32
          %parallel_loop3A_257 = arith.index_cast %parallel_loop3A_256 : i32 to index
          %parallel_loop3A_258 = arith.index_cast %parallel_loop3A_253 : i32 to index
          %parallel_loop3A_259 = arith.index_cast %parallel_loop3A_255 : i32 to index
          %parallel_loop3A_260 = tpu.vector_load %arg7[%parallel_loop3A_257, %parallel_loop3A_258, %parallel_loop3A_259] {strides = array<i32>} : memref<2x160x128xf32, #tpu.memory_space<vmem>>, vector<16xf32>,
          tpu.vector_store %arg7[%parallel_loop3A_257, %parallel_loop3A_258, %parallel_loop3A_259], %parallel_loop3A_251 {strides = array<i32>} : memref<2x160x128xf32, #tpu.memory_space<vmem>>, vector<16xf32>,
          %parallel_loop3A_261 = arith.constant 4 : i32
          %parallel_loop3A_262 = vector.broadcast %parallel_loop3A_261 : i32 to vector<16xi32>
          %parallel_loop3A_263 = arith.addi %parallel_loop3A_182, %parallel_loop3A_262 : vector<16xi32>
          %parallel_loop3A_264 = tpu.vector_load_idx %arg5[%parallel_loop3A_263] : memref<4096xf32, #tpu.memory_space<vmem>>[vector<16xi32>], vector<16xf32>,
          %parallel_loop3A_265 = arith.constant 4 : i32
          %parallel_loop3A_266 = arith.addi %parallel_loop3A_208, %parallel_loop3A_265 : i32
          %parallel_loop3A_267 = arith.constant 16 : i32
          %parallel_loop3A_268 = arith.muli %parallel_loop3A_168, %parallel_loop3A_267 : i32
          %parallel_loop3A_269 = arith.constant 0 : i32
          %parallel_loop3A_270 = arith.index_cast %parallel_loop3A_269 : i32 to index
          %parallel_loop3A_271 = arith.index_cast %parallel_loop3A_266 : i32 to index
          %parallel_loop3A_272 = arith.index_cast %parallel_loop3A_268 : i32 to index
          %parallel_loop3A_273 = tpu.vector_load %arg7[%parallel_loop3A_270, %parallel_loop3A_271, %parallel_loop3A_272] {strides = array<i32>} : memref<2x160x128xf32, #tpu.memory_space<vmem>>, vector<16xf32>,
          tpu.vector_store %arg7[%parallel_loop3A_270, %parallel_loop3A_271, %parallel_loop3A_272], %parallel_loop3A_264 {strides = array<i32>} : memref<2x160x128xf32, #tpu.memory_space<vmem>>, vector<16xf32>,
          %parallel_loop3A_274 = arith.constant 5 : i32
          %parallel_loop3A_275 = vector.broadcast %parallel_loop3A_274 : i32 to vector<16xi32>
          %parallel_loop3A_276 = arith.addi %parallel_loop3A_182, %parallel_loop3A_275 : vector<16xi32>
          %parallel_loop3A_277 = tpu.vector_load_idx %arg5[%parallel_loop3A_276] : memref<4096xf32, #tpu.memory_space<vmem>>[vector<16xi32>], vector<16xf32>,
          %parallel_loop3A_278 = arith.constant 5 : i32
          %parallel_loop3A_279 = arith.addi %parallel_loop3A_208, %parallel_loop3A_278 : i32
          %parallel_loop3A_280 = arith.constant 16 : i32
          %parallel_loop3A_281 = arith.muli %parallel_loop3A_168, %parallel_loop3A_280 : i32
          %parallel_loop3A_282 = arith.constant 0 : i32
          %parallel_loop3A_283 = arith.index_cast %parallel_loop3A_282 : i32 to index
          %parallel_loop3A_284 = arith.index_cast %parallel_loop3A_279 : i32 to index
          %parallel_loop3A_285 = arith.index_cast %parallel_loop3A_281 : i32 to index
          %parallel_loop3A_286 = tpu.vector_load %arg7[%parallel_loop3A_283, %parallel_loop3A_284, %parallel_loop3A_285] {strides = array<i32>} : memref<2x160x128xf32, #tpu.memory_space<vmem>>, vector<16xf32>,
          tpu.vector_store %arg7[%parallel_loop3A_283, %parallel_loop3A_284, %parallel_loop3A_285], %parallel_loop3A_277 {strides = array<i32>} : memref<2x160x128xf32, #tpu.memory_space<vmem>>, vector<16xf32>,
          %parallel_loop3A_287 = arith.constant 6 : i32
          %parallel_loop3A_288 = vector.broadcast %parallel_loop3A_287 : i32 to vector<16xi32>
          %parallel_loop3A_289 = arith.addi %parallel_loop3A_182, %parallel_loop3A_288 : vector<16xi32>
          %parallel_loop3A_290 = tpu.vector_load_idx %arg5[%parallel_loop3A_289] : memref<4096xf32, #tpu.memory_space<vmem>>[vector<16xi32>], vector<16xf32>,
          %parallel_loop3A_291 = arith.constant 6 : i32
          %parallel_loop3A_292 = arith.addi %parallel_loop3A_208, %parallel_loop3A_291 : i32
          %parallel_loop3A_293 = arith.constant 16 : i32
          %parallel_loop3A_294 = arith.muli %parallel_loop3A_168, %parallel_loop3A_293 : i32
          %parallel_loop3A_295 = arith.constant 0 : i32
          %parallel_loop3A_296 = arith.index_cast %parallel_loop3A_295 : i32 to index
          %parallel_loop3A_297 = arith.index_cast %parallel_loop3A_292 : i32 to index
          %parallel_loop3A_298 = arith.index_cast %parallel_loop3A_294 : i32 to index
          %parallel_loop3A_299 = tpu.vector_load %arg7[%parallel_loop3A_296, %parallel_loop3A_297, %parallel_loop3A_298] {strides = array<i32>} : memref<2x160x128xf32, #tpu.memory_space<vmem>>, vector<16xf32>,
          tpu.vector_store %arg7[%parallel_loop3A_296, %parallel_loop3A_297, %parallel_loop3A_298], %parallel_loop3A_290 {strides = array<i32>} : memref<2x160x128xf32, #tpu.memory_space<vmem>>, vector<16xf32>,
          %parallel_loop3A_300 = arith.constant 7 : i32
          %parallel_loop3A_301 = vector.broadcast %parallel_loop3A_300 : i32 to vector<16xi32>
          %parallel_loop3A_302 = arith.addi %parallel_loop3A_182, %parallel_loop3A_301 : vector<16xi32>
          %parallel_loop3A_303 = tpu.vector_load_idx %arg5[%parallel_loop3A_302] : memref<4096xf32, #tpu.memory_space<vmem>>[vector<16xi32>], vector<16xf32>,
          %parallel_loop3A_304 = arith.constant 7 : i32
          %parallel_loop3A_305 = arith.addi %parallel_loop3A_208, %parallel_loop3A_304 : i32
          %parallel_loop3A_306 = arith.constant 16 : i32
          %parallel_loop3A_307 = arith.muli %parallel_loop3A_168, %parallel_loop3A_306 : i32
          %parallel_loop3A_308 = arith.constant 0 : i32
          %parallel_loop3A_309 = arith.index_cast %parallel_loop3A_308 : i32 to index
          %parallel_loop3A_310 = arith.index_cast %parallel_loop3A_305 : i32 to index
          %parallel_loop3A_311 = arith.index_cast %parallel_loop3A_307 : i32 to index
          %parallel_loop3A_312 = tpu.vector_load %arg7[%parallel_loop3A_309, %parallel_loop3A_310, %parallel_loop3A_311] {strides = array<i32>} : memref<2x160x128xf32, #tpu.memory_space<vmem>>, vector<16xf32>,
          tpu.vector_store %arg7[%parallel_loop3A_309, %parallel_loop3A_310, %parallel_loop3A_311], %parallel_loop3A_303 {strides = array<i32>} : memref<2x160x128xf32, #tpu.memory_space<vmem>>, vector<16xf32>,
          %parallel_loop3A_313 = arith.constant 8 : i32
          %parallel_loop3A_314 = vector.broadcast %parallel_loop3A_313 : i32 to vector<16xi32>
          %parallel_loop3A_315 = arith.addi %parallel_loop3A_182, %parallel_loop3A_314 : vector<16xi32>
          %parallel_loop3A_316 = tpu.vector_load_idx %arg5[%parallel_loop3A_315] : memref<4096xf32, #tpu.memory_space<vmem>>[vector<16xi32>], vector<16xf32>,
          %parallel_loop3A_317 = arith.constant 8 : i32
          %parallel_loop3A_318 = arith.addi %parallel_loop3A_208, %parallel_loop3A_317 : i32
          %parallel_loop3A_319 = arith.constant 16 : i32
          %parallel_loop3A_320 = arith.muli %parallel_loop3A_168, %parallel_loop3A_319 : i32
          %parallel_loop3A_321 = arith.constant 0 : i32
          %parallel_loop3A_322 = arith.index_cast %parallel_loop3A_321 : i32 to index
          %parallel_loop3A_323 = arith.index_cast %parallel_loop3A_318 : i32 to index
          %parallel_loop3A_324 = arith.index_cast %parallel_loop3A_320 : i32 to index
          %parallel_loop3A_325 = tpu.vector_load %arg7[%parallel_loop3A_322, %parallel_loop3A_323, %parallel_loop3A_324] {strides = array<i32>} : memref<2x160x128xf32, #tpu.memory_space<vmem>>, vector<16xf32>,
          tpu.vector_store %arg7[%parallel_loop3A_322, %parallel_loop3A_323, %parallel_loop3A_324], %parallel_loop3A_316 {strides = array<i32>} : memref<2x160x128xf32, #tpu.memory_space<vmem>>, vector<16xf32>,
          %parallel_loop3A_326 = arith.constant 9 : i32
          %parallel_loop3A_327 = vector.broadcast %parallel_loop3A_326 : i32 to vector<16xi32>
          %parallel_loop3A_328 = arith.addi %parallel_loop3A_182, %parallel_loop3A_327 : vector<16xi32>
          %parallel_loop3A_329 = tpu.vector_load_idx %arg5[%parallel_loop3A_328] : memref<4096xf32, #tpu.memory_space<vmem>>[vector<16xi32>], vector<16xf32>,
          %parallel_loop3A_330 = arith.constant 9 : i32
          %parallel_loop3A_331 = arith.addi %parallel_loop3A_208, %parallel_loop3A_330 : i32
          %parallel_loop3A_332 = arith.constant 16 : i32
          %parallel_loop3A_333 = arith.muli %parallel_loop3A_168, %parallel_loop3A_332 : i32
          %parallel_loop3A_334 = arith.constant 0 : i32
          %parallel_loop3A_335 = arith.index_cast %parallel_loop3A_334 : i32 to index
          %parallel_loop3A_336 = arith.index_cast %parallel_loop3A_331 : i32 to index
          %parallel_loop3A_337 = arith.index_cast %parallel_loop3A_333 : i32 to index
          %parallel_loop3A_338 = tpu.vector_load %arg7[%parallel_loop3A_335, %parallel_loop3A_336, %parallel_loop3A_337] {strides = array<i32>} : memref<2x160x128xf32, #tpu.memory_space<vmem>>, vector<16xf32>,
          tpu.vector_store %arg7[%parallel_loop3A_335, %parallel_loop3A_336, %parallel_loop3A_337], %parallel_loop3A_329 {strides = array<i32>} : memref<2x160x128xf32, #tpu.memory_space<vmem>>, vector<16xf32>,
          %parallel_loop3A_339 = arith.constant 10 : i32
          %parallel_loop3A_340 = vector.broadcast %parallel_loop3A_339 : i32 to vector<16xi32>
          %parallel_loop3A_341 = arith.addi %parallel_loop3A_182, %parallel_loop3A_340 : vector<16xi32>
          %parallel_loop3A_342 = tpu.vector_load_idx %arg5[%parallel_loop3A_341] : memref<4096xf32, #tpu.memory_space<vmem>>[vector<16xi32>], vector<16xf32>,
          %parallel_loop3A_343 = arith.constant 10 : i32
          %parallel_loop3A_344 = arith.addi %parallel_loop3A_208, %parallel_loop3A_343 : i32
          %parallel_loop3A_345 = arith.constant 16 : i32
          %parallel_loop3A_346 = arith.muli %parallel_loop3A_168, %parallel_loop3A_345 : i32
          %parallel_loop3A_347 = arith.constant 0 : i32
          %parallel_loop3A_348 = arith.index_cast %parallel_loop3A_347 : i32 to index
          %parallel_loop3A_349 = arith.index_cast %parallel_loop3A_344 : i32 to index
          %parallel_loop3A_350 = arith.index_cast %parallel_loop3A_346 : i32 to index
          %parallel_loop3A_351 = tpu.vector_load %arg7[%parallel_loop3A_348, %parallel_loop3A_349, %parallel_loop3A_350] {strides = array<i32>} : memref<2x160x128xf32, #tpu.memory_space<vmem>>, vector<16xf32>,
          tpu.vector_store %arg7[%parallel_loop3A_348, %parallel_loop3A_349, %parallel_loop3A_350], %parallel_loop3A_342 {strides = array<i32>} : memref<2x160x128xf32, #tpu.memory_space<vmem>>, vector<16xf32>,
          %parallel_loop3A_352 = arith.constant 11 : i32
          %parallel_loop3A_353 = vector.broadcast %parallel_loop3A_352 : i32 to vector<16xi32>
          %parallel_loop3A_354 = arith.addi %parallel_loop3A_182, %parallel_loop3A_353 : vector<16xi32>
          %parallel_loop3A_355 = tpu.vector_load_idx %arg5[%parallel_loop3A_354] : memref<4096xf32, #tpu.memory_space<vmem>>[vector<16xi32>], vector<16xf32>,
          %parallel_loop3A_356 = arith.constant 11 : i32
          %parallel_loop3A_357 = arith.addi %parallel_loop3A_208, %parallel_loop3A_356 : i32
          %parallel_loop3A_358 = arith.constant 16 : i32
          %parallel_loop3A_359 = arith.muli %parallel_loop3A_168, %parallel_loop3A_358 : i32
          %parallel_loop3A_360 = arith.constant 0 : i32
          %parallel_loop3A_361 = arith.index_cast %parallel_loop3A_360 : i32 to index
          %parallel_loop3A_362 = arith.index_cast %parallel_loop3A_357 : i32 to index
          %parallel_loop3A_363 = arith.index_cast %parallel_loop3A_359 : i32 to index
          %parallel_loop3A_364 = tpu.vector_load %arg7[%parallel_loop3A_361, %parallel_loop3A_362, %parallel_loop3A_363] {strides = array<i32>} : memref<2x160x128xf32, #tpu.memory_space<vmem>>, vector<16xf32>,
          tpu.vector_store %arg7[%parallel_loop3A_361, %parallel_loop3A_362, %parallel_loop3A_363], %parallel_loop3A_355 {strides = array<i32>} : memref<2x160x128xf32, #tpu.memory_space<vmem>>, vector<16xf32>,
          %parallel_loop3A_365 = arith.constant 12 : i32
          %parallel_loop3A_366 = vector.broadcast %parallel_loop3A_365 : i32 to vector<16xi32>
          %parallel_loop3A_367 = arith.addi %parallel_loop3A_182, %parallel_loop3A_366 : vector<16xi32>
          %parallel_loop3A_368 = tpu.vector_load_idx %arg5[%parallel_loop3A_367] : memref<4096xf32, #tpu.memory_space<vmem>>[vector<16xi32>], vector<16xf32>,
          %parallel_loop3A_369 = arith.constant 12 : i32
          %parallel_loop3A_370 = arith.addi %parallel_loop3A_208, %parallel_loop3A_369 : i32
          %parallel_loop3A_371 = arith.constant 16 : i32
          %parallel_loop3A_372 = arith.muli %parallel_loop3A_168, %parallel_loop3A_371 : i32
          %parallel_loop3A_373 = arith.constant 0 : i32
          %parallel_loop3A_374 = arith.index_cast %parallel_loop3A_373 : i32 to index
          %parallel_loop3A_375 = arith.index_cast %parallel_loop3A_370 : i32 to index
          %parallel_loop3A_376 = arith.index_cast %parallel_loop3A_372 : i32 to index
          %parallel_loop3A_377 = tpu.vector_load %arg7[%parallel_loop3A_374, %parallel_loop3A_375, %parallel_loop3A_376] {strides = array<i32>} : memref<2x160x128xf32, #tpu.memory_space<vmem>>, vector<16xf32>,
          tpu.vector_store %arg7[%parallel_loop3A_374, %parallel_loop3A_375, %parallel_loop3A_376], %parallel_loop3A_368 {strides = array<i32>} : memref<2x160x128xf32, #tpu.memory_space<vmem>>, vector<16xf32>,
          %parallel_loop3A_378 = arith.constant 13 : i32
          %parallel_loop3A_379 = vector.broadcast %parallel_loop3A_378 : i32 to vector<16xi32>
          %parallel_loop3A_380 = arith.addi %parallel_loop3A_182, %parallel_loop3A_379 : vector<16xi32>
          %parallel_loop3A_381 = tpu.vector_load_idx %arg5[%parallel_loop3A_380] : memref<4096xf32, #tpu.memory_space<vmem>>[vector<16xi32>], vector<16xf32>,
          %parallel_loop3A_382 = arith.constant 13 : i32
          %parallel_loop3A_383 = arith.addi %parallel_loop3A_208, %parallel_loop3A_382 : i32
          %parallel_loop3A_384 = arith.constant 16 : i32
          %parallel_loop3A_385 = arith.muli %parallel_loop3A_168, %parallel_loop3A_384 : i32
          %parallel_loop3A_386 = arith.constant 0 : i32
          %parallel_loop3A_387 = arith.index_cast %parallel_loop3A_386 : i32 to index
          %parallel_loop3A_388 = arith.index_cast %parallel_loop3A_383 : i32 to index
          %parallel_loop3A_389 = arith.index_cast %parallel_loop3A_385 : i32 to index
          %parallel_loop3A_390 = tpu.vector_load %arg7[%parallel_loop3A_387, %parallel_loop3A_388, %parallel_loop3A_389] {strides = array<i32>} : memref<2x160x128xf32, #tpu.memory_space<vmem>>, vector<16xf32>,
          tpu.vector_store %arg7[%parallel_loop3A_387, %parallel_loop3A_388, %parallel_loop3A_389], %parallel_loop3A_381 {strides = array<i32>} : memref<2x160x128xf32, #tpu.memory_space<vmem>>, vector<16xf32>,
          %parallel_loop3A_391 = arith.constant 14 : i32
          %parallel_loop3A_392 = vector.broadcast %parallel_loop3A_391 : i32 to vector<16xi32>
          %parallel_loop3A_393 = arith.addi %parallel_loop3A_182, %parallel_loop3A_392 : vector<16xi32>
          %parallel_loop3A_394 = tpu.vector_load_idx %arg5[%parallel_loop3A_393] : memref<4096xf32, #tpu.memory_space<vmem>>[vector<16xi32>], vector<16xf32>,
          %parallel_loop3A_395 = arith.constant 14 : i32
          %parallel_loop3A_396 = arith.addi %parallel_loop3A_208, %parallel_loop3A_395 : i32
          %parallel_loop3A_397 = arith.constant 16 : i32
          %parallel_loop3A_398 = arith.muli %parallel_loop3A_168, %parallel_loop3A_397 : i32
          %parallel_loop3A_399 = arith.constant 0 : i32
          %parallel_loop3A_400 = arith.index_cast %parallel_loop3A_399 : i32 to index
          %parallel_loop3A_401 = arith.index_cast %parallel_loop3A_396 : i32 to index
          %parallel_loop3A_402 = arith.index_cast %parallel_loop3A_398 : i32 to index
          %parallel_loop3A_403 = tpu.vector_load %arg7[%parallel_loop3A_400, %parallel_loop3A_401, %parallel_loop3A_402] {strides = array<i32>} : memref<2x160x128xf32, #tpu.memory_space<vmem>>, vector<16xf32>,
          tpu.vector_store %arg7[%parallel_loop3A_400, %parallel_loop3A_401, %parallel_loop3A_402], %parallel_loop3A_394 {strides = array<i32>} : memref<2x160x128xf32, #tpu.memory_space<vmem>>, vector<16xf32>,
          %parallel_loop3A_404 = arith.constant 15 : i32
          %parallel_loop3A_405 = vector.broadcast %parallel_loop3A_404 : i32 to vector<16xi32>
          %parallel_loop3A_406 = arith.addi %parallel_loop3A_182, %parallel_loop3A_405 : vector<16xi32>
          %parallel_loop3A_407 = tpu.vector_load_idx %arg5[%parallel_loop3A_406] : memref<4096xf32, #tpu.memory_space<vmem>>[vector<16xi32>], vector<16xf32>,
          %parallel_loop3A_408 = arith.constant 15 : i32
          %parallel_loop3A_409 = arith.addi %parallel_loop3A_208, %parallel_loop3A_408 : i32
          %parallel_loop3A_410 = arith.constant 16 : i32
          %parallel_loop3A_411 = arith.muli %parallel_loop3A_168, %parallel_loop3A_410 : i32
          %parallel_loop3A_412 = arith.constant 0 : i32
          %parallel_loop3A_413 = arith.index_cast %parallel_loop3A_412 : i32 to index
          %parallel_loop3A_414 = arith.index_cast %parallel_loop3A_409 : i32 to index
          %parallel_loop3A_415 = arith.index_cast %parallel_loop3A_411 : i32 to index
          %parallel_loop3A_416 = tpu.vector_load %arg7[%parallel_loop3A_413, %parallel_loop3A_414, %parallel_loop3A_415] {strides = array<i32>} : memref<2x160x128xf32, #tpu.memory_space<vmem>>, vector<16xf32>,
          tpu.vector_store %arg7[%parallel_loop3A_413, %parallel_loop3A_414, %parallel_loop3A_415], %parallel_loop3A_407 {strides = array<i32>} : memref<2x160x128xf32, #tpu.memory_space<vmem>>, vector<16xf32>,
          %parallel_loop3A_417 = arith.constant 16 : i32
          %parallel_loop3A_418 = vector.broadcast %parallel_loop3A_417 : i32 to vector<16xi32>
          %parallel_loop3A_419 = arith.addi %parallel_loop3A_182, %parallel_loop3A_418 : vector<16xi32>
          %parallel_loop3A_420 = tpu.vector_load_idx %arg5[%parallel_loop3A_419] : memref<4096xf32, #tpu.memory_space<vmem>>[vector<16xi32>], vector<16xf32>,
          %parallel_loop3A_421 = arith.constant 16 : i32
          %parallel_loop3A_422 = arith.addi %parallel_loop3A_208, %parallel_loop3A_421 : i32
          %parallel_loop3A_423 = arith.constant 16 : i32
          %parallel_loop3A_424 = arith.muli %parallel_loop3A_168, %parallel_loop3A_423 : i32
          %parallel_loop3A_425 = arith.constant 0 : i32
          %parallel_loop3A_426 = arith.index_cast %parallel_loop3A_425 : i32 to index
          %parallel_loop3A_427 = arith.index_cast %parallel_loop3A_422 : i32 to index
          %parallel_loop3A_428 = arith.index_cast %parallel_loop3A_424 : i32 to index
          %parallel_loop3A_429 = tpu.vector_load %arg7[%parallel_loop3A_426, %parallel_loop3A_427, %parallel_loop3A_428] {strides = array<i32>} : memref<2x160x128xf32, #tpu.memory_space<vmem>>, vector<16xf32>,
          tpu.vector_store %arg7[%parallel_loop3A_426, %parallel_loop3A_427, %parallel_loop3A_428], %parallel_loop3A_420 {strides = array<i32>} : memref<2x160x128xf32, #tpu.memory_space<vmem>>, vector<16xf32>,
          %parallel_loop3A_430 = arith.constant 17 : i32
          %parallel_loop3A_431 = vector.broadcast %parallel_loop3A_430 : i32 to vector<16xi32>
          %parallel_loop3A_432 = arith.addi %parallel_loop3A_182, %parallel_loop3A_431 : vector<16xi32>
          %parallel_loop3A_433 = tpu.vector_load_idx %arg5[%parallel_loop3A_432] : memref<4096xf32, #tpu.memory_space<vmem>>[vector<16xi32>], vector<16xf32>,
          %parallel_loop3A_434 = arith.constant 17 : i32
          %parallel_loop3A_435 = arith.addi %parallel_loop3A_208, %parallel_loop3A_434 : i32
          %parallel_loop3A_436 = arith.constant 16 : i32
          %parallel_loop3A_437 = arith.muli %parallel_loop3A_168, %parallel_loop3A_436 : i32
          %parallel_loop3A_438 = arith.constant 0 : i32
          %parallel_loop3A_439 = arith.index_cast %parallel_loop3A_438 : i32 to index
          %parallel_loop3A_440 = arith.index_cast %parallel_loop3A_435 : i32 to index
          %parallel_loop3A_441 = arith.index_cast %parallel_loop3A_437 : i32 to index
          %parallel_loop3A_442 = tpu.vector_load %arg7[%parallel_loop3A_439, %parallel_loop3A_440, %parallel_loop3A_441] {strides = array<i32>} : memref<2x160x128xf32, #tpu.memory_space<vmem>>, vector<16xf32>,
          tpu.vector_store %arg7[%parallel_loop3A_439, %parallel_loop3A_440, %parallel_loop3A_441], %parallel_loop3A_433 {strides = array<i32>} : memref<2x160x128xf32, #tpu.memory_space<vmem>>, vector<16xf32>,
          %parallel_loop3A_443 = arith.constant 18 : i32
          %parallel_loop3A_444 = vector.broadcast %parallel_loop3A_443 : i32 to vector<16xi32>
          %parallel_loop3A_445 = arith.addi %parallel_loop3A_182, %parallel_loop3A_444 : vector<16xi32>
          %parallel_loop3A_446 = tpu.vector_load_idx %arg5[%parallel_loop3A_445] : memref<4096xf32, #tpu.memory_space<vmem>>[vector<16xi32>], vector<16xf32>,
          %parallel_loop3A_447 = arith.constant 18 : i32
          %parallel_loop3A_448 = arith.addi %parallel_loop3A_208, %parallel_loop3A_447 : i32
          %parallel_loop3A_449 = arith.constant 16 : i32
          %parallel_loop3A_450 = arith.muli %parallel_loop3A_168, %parallel_loop3A_449 : i32
          %parallel_loop3A_451 = arith.constant 0 : i32
          %parallel_loop3A_452 = arith.index_cast %parallel_loop3A_451 : i32 to index
          %parallel_loop3A_453 = arith.index_cast %parallel_loop3A_448 : i32 to index
          %parallel_loop3A_454 = arith.index_cast %parallel_loop3A_450 : i32 to index
          %parallel_loop3A_455 = tpu.vector_load %arg7[%parallel_loop3A_452, %parallel_loop3A_453, %parallel_loop3A_454] {strides = array<i32>} : memref<2x160x128xf32, #tpu.memory_space<vmem>>, vector<16xf32>,
          tpu.vector_store %arg7[%parallel_loop3A_452, %parallel_loop3A_453, %parallel_loop3A_454], %parallel_loop3A_446 {strides = array<i32>} : memref<2x160x128xf32, #tpu.memory_space<vmem>>, vector<16xf32>,
          %parallel_loop3A_456 = arith.constant 19 : i32
          %parallel_loop3A_457 = vector.broadcast %parallel_loop3A_456 : i32 to vector<16xi32>
          %parallel_loop3A_458 = arith.addi %parallel_loop3A_182, %parallel_loop3A_457 : vector<16xi32>
          %parallel_loop3A_459 = tpu.vector_load_idx %arg5[%parallel_loop3A_458] : memref<4096xf32, #tpu.memory_space<vmem>>[vector<16xi32>], vector<16xf32>,
          %parallel_loop3A_460 = arith.constant 19 : i32
          %parallel_loop3A_461 = arith.addi %parallel_loop3A_208, %parallel_loop3A_460 : i32
          %parallel_loop3A_462 = arith.constant 16 : i32
          %parallel_loop3A_463 = arith.muli %parallel_loop3A_168, %parallel_loop3A_462 : i32
          %parallel_loop3A_464 = arith.constant 0 : i32
          %parallel_loop3A_465 = arith.index_cast %parallel_loop3A_464 : i32 to index
          %parallel_loop3A_466 = arith.index_cast %parallel_loop3A_461 : i32 to index
          %parallel_loop3A_467 = arith.index_cast %parallel_loop3A_463 : i32 to index
          %parallel_loop3A_468 = tpu.vector_load %arg7[%parallel_loop3A_465, %parallel_loop3A_466, %parallel_loop3A_467] {strides = array<i32>} : memref<2x160x128xf32, #tpu.memory_space<vmem>>, vector<16xf32>,
          tpu.vector_store %arg7[%parallel_loop3A_465, %parallel_loop3A_466, %parallel_loop3A_467], %parallel_loop3A_459 {strides = array<i32>} : memref<2x160x128xf32, #tpu.memory_space<vmem>>, vector<16xf32>,
          %parallel_loop3A_469 = arith.constant 20 : i32
          %parallel_loop3A_470 = vector.broadcast %parallel_loop3A_469 : i32 to vector<16xi32>
          %parallel_loop3A_471 = arith.addi %parallel_loop3A_182, %parallel_loop3A_470 : vector<16xi32>
          %parallel_loop3A_472 = tpu.vector_load_idx %arg5[%parallel_loop3A_471] : memref<4096xf32, #tpu.memory_space<vmem>>[vector<16xi32>], vector<16xf32>,
          %parallel_loop3A_473 = arith.constant 20 : i32
          %parallel_loop3A_474 = arith.addi %parallel_loop3A_208, %parallel_loop3A_473 : i32
          %parallel_loop3A_475 = arith.constant 16 : i32
          %parallel_loop3A_476 = arith.muli %parallel_loop3A_168, %parallel_loop3A_475 : i32
          %parallel_loop3A_477 = arith.constant 0 : i32
          %parallel_loop3A_478 = arith.index_cast %parallel_loop3A_477 : i32 to index
          %parallel_loop3A_479 = arith.index_cast %parallel_loop3A_474 : i32 to index
          %parallel_loop3A_480 = arith.index_cast %parallel_loop3A_476 : i32 to index
          %parallel_loop3A_481 = tpu.vector_load %arg7[%parallel_loop3A_478, %parallel_loop3A_479, %parallel_loop3A_480] {strides = array<i32>} : memref<2x160x128xf32, #tpu.memory_space<vmem>>, vector<16xf32>,
          tpu.vector_store %arg7[%parallel_loop3A_478, %parallel_loop3A_479, %parallel_loop3A_480], %parallel_loop3A_472 {strides = array<i32>} : memref<2x160x128xf32, #tpu.memory_space<vmem>>, vector<16xf32>,
          %parallel_loop3A_482 = arith.constant 21 : i32
          %parallel_loop3A_483 = vector.broadcast %parallel_loop3A_482 : i32 to vector<16xi32>
          %parallel_loop3A_484 = arith.addi %parallel_loop3A_182, %parallel_loop3A_483 : vector<16xi32>
          %parallel_loop3A_485 = tpu.vector_load_idx %arg5[%parallel_loop3A_484] : memref<4096xf32, #tpu.memory_space<vmem>>[vector<16xi32>], vector<16xf32>,
          %parallel_loop3A_486 = arith.constant 21 : i32
          %parallel_loop3A_487 = arith.addi %parallel_loop3A_208, %parallel_loop3A_486 : i32
          %parallel_loop3A_488 = arith.constant 16 : i32
          %parallel_loop3A_489 = arith.muli %parallel_loop3A_168, %parallel_loop3A_488 : i32
          %parallel_loop3A_490 = arith.constant 0 : i32
          %parallel_loop3A_491 = arith.index_cast %parallel_loop3A_490 : i32 to index
          %parallel_loop3A_492 = arith.index_cast %parallel_loop3A_487 : i32 to index
          %parallel_loop3A_493 = arith.index_cast %parallel_loop3A_489 : i32 to index
          %parallel_loop3A_494 = tpu.vector_load %arg7[%parallel_loop3A_491, %parallel_loop3A_492, %parallel_loop3A_493] {strides = array<i32>} : memref<2x160x128xf32, #tpu.memory_space<vmem>>, vector<16xf32>,
          tpu.vector_store %arg7[%parallel_loop3A_491, %parallel_loop3A_492, %parallel_loop3A_493], %parallel_loop3A_485 {strides = array<i32>} : memref<2x160x128xf32, #tpu.memory_space<vmem>>, vector<16xf32>,
          %parallel_loop3A_495 = arith.constant 22 : i32
          %parallel_loop3A_496 = vector.broadcast %parallel_loop3A_495 : i32 to vector<16xi32>
          %parallel_loop3A_497 = arith.addi %parallel_loop3A_182, %parallel_loop3A_496 : vector<16xi32>
          %parallel_loop3A_498 = tpu.vector_load_idx %arg5[%parallel_loop3A_497] : memref<4096xf32, #tpu.memory_space<vmem>>[vector<16xi32>], vector<16xf32>,
          %parallel_loop3A_499 = arith.constant 22 : i32
          %parallel_loop3A_500 = arith.addi %parallel_loop3A_208, %parallel_loop3A_499 : i32
          %parallel_loop3A_501 = arith.constant 16 : i32
          %parallel_loop3A_502 = arith.muli %parallel_loop3A_168, %parallel_loop3A_501 : i32
          %parallel_loop3A_503 = arith.constant 0 : i32
          %parallel_loop3A_504 = arith.index_cast %parallel_loop3A_503 : i32 to index
          %parallel_loop3A_505 = arith.index_cast %parallel_loop3A_500 : i32 to index
          %parallel_loop3A_506 = arith.index_cast %parallel_loop3A_502 : i32 to index
          %parallel_loop3A_507 = tpu.vector_load %arg7[%parallel_loop3A_504, %parallel_loop3A_505, %parallel_loop3A_506] {strides = array<i32>} : memref<2x160x128xf32, #tpu.memory_space<vmem>>, vector<16xf32>,
          tpu.vector_store %arg7[%parallel_loop3A_504, %parallel_loop3A_505, %parallel_loop3A_506], %parallel_loop3A_498 {strides = array<i32>} : memref<2x160x128xf32, #tpu.memory_space<vmem>>, vector<16xf32>,
          %parallel_loop3A_508 = arith.constant 23 : i32
          %parallel_loop3A_509 = vector.broadcast %parallel_loop3A_508 : i32 to vector<16xi32>
          %parallel_loop3A_510 = arith.addi %parallel_loop3A_182, %parallel_loop3A_509 : vector<16xi32>
          %parallel_loop3A_511 = tpu.vector_load_idx %arg5[%parallel_loop3A_510] : memref<4096xf32, #tpu.memory_space<vmem>>[vector<16xi32>], vector<16xf32>,
          %parallel_loop3A_512 = arith.constant 23 : i32
          %parallel_loop3A_513 = arith.addi %parallel_loop3A_208, %parallel_loop3A_512 : i32
          %parallel_loop3A_514 = arith.constant 16 : i32
          %parallel_loop3A_515 = arith.muli %parallel_loop3A_168, %parallel_loop3A_514 : i32
          %parallel_loop3A_516 = arith.constant 0 : i32
          %parallel_loop3A_517 = arith.index_cast %parallel_loop3A_516 : i32 to index
          %parallel_loop3A_518 = arith.index_cast %parallel_loop3A_513 : i32 to index
          %parallel_loop3A_519 = arith.index_cast %parallel_loop3A_515 : i32 to index
          %parallel_loop3A_520 = tpu.vector_load %arg7[%parallel_loop3A_517, %parallel_loop3A_518, %parallel_loop3A_519] {strides = array<i32>} : memref<2x160x128xf32, #tpu.memory_space<vmem>>, vector<16xf32>,
          tpu.vector_store %arg7[%parallel_loop3A_517, %parallel_loop3A_518, %parallel_loop3A_519], %parallel_loop3A_511 {strides = array<i32>} : memref<2x160x128xf32, #tpu.memory_space<vmem>>, vector<16xf32>,
          %parallel_loop3A_521 = arith.constant 24 : i32
          %parallel_loop3A_522 = vector.broadcast %parallel_loop3A_521 : i32 to vector<16xi32>
          %parallel_loop3A_523 = arith.addi %parallel_loop3A_182, %parallel_loop3A_522 : vector<16xi32>
          %parallel_loop3A_524 = tpu.vector_load_idx %arg5[%parallel_loop3A_523] : memref<4096xf32, #tpu.memory_space<vmem>>[vector<16xi32>], vector<16xf32>,
          %parallel_loop3A_525 = arith.constant 24 : i32
          %parallel_loop3A_526 = arith.addi %parallel_loop3A_208, %parallel_loop3A_525 : i32
          %parallel_loop3A_527 = arith.constant 16 : i32
          %parallel_loop3A_528 = arith.muli %parallel_loop3A_168, %parallel_loop3A_527 : i32
          %parallel_loop3A_529 = arith.constant 0 : i32
          %parallel_loop3A_530 = arith.index_cast %parallel_loop3A_529 : i32 to index
          %parallel_loop3A_531 = arith.index_cast %parallel_loop3A_526 : i32 to index
          %parallel_loop3A_532 = arith.index_cast %parallel_loop3A_528 : i32 to index
          %parallel_loop3A_533 = tpu.vector_load %arg7[%parallel_loop3A_530, %parallel_loop3A_531, %parallel_loop3A_532] {strides = array<i32>} : memref<2x160x128xf32, #tpu.memory_space<vmem>>, vector<16xf32>,
          tpu.vector_store %arg7[%parallel_loop3A_530, %parallel_loop3A_531, %parallel_loop3A_532], %parallel_loop3A_524 {strides = array<i32>} : memref<2x160x128xf32, #tpu.memory_space<vmem>>, vector<16xf32>,
          %parallel_loop3A_534 = arith.constant 25 : i32
          %parallel_loop3A_535 = vector.broadcast %parallel_loop3A_534 : i32 to vector<16xi32>
          %parallel_loop3A_536 = arith.addi %parallel_loop3A_182, %parallel_loop3A_535 : vector<16xi32>
          %parallel_loop3A_537 = tpu.vector_load_idx %arg5[%parallel_loop3A_536] : memref<4096xf32, #tpu.memory_space<vmem>>[vector<16xi32>], vector<16xf32>,
          %parallel_loop3A_538 = arith.constant 25 : i32
          %parallel_loop3A_539 = arith.addi %parallel_loop3A_208, %parallel_loop3A_538 : i32
          %parallel_loop3A_540 = arith.constant 16 : i32
          %parallel_loop3A_541 = arith.muli %parallel_loop3A_168, %parallel_loop3A_540 : i32
          %parallel_loop3A_542 = arith.constant 0 : i32
          %parallel_loop3A_543 = arith.index_cast %parallel_loop3A_542 : i32 to index
          %parallel_loop3A_544 = arith.index_cast %parallel_loop3A_539 : i32 to index
          %parallel_loop3A_545 = arith.index_cast %parallel_loop3A_541 : i32 to index
          %parallel_loop3A_546 = tpu.vector_load %arg7[%parallel_loop3A_543, %parallel_loop3A_544, %parallel_loop3A_545] {strides = array<i32>} : memref<2x160x128xf32, #tpu.memory_space<vmem>>, vector<16xf32>,
          tpu.vector_store %arg7[%parallel_loop3A_543, %parallel_loop3A_544, %parallel_loop3A_545], %parallel_loop3A_537 {strides = array<i32>} : memref<2x160x128xf32, #tpu.memory_space<vmem>>, vector<16xf32>,
          %parallel_loop3A_547 = arith.constant 26 : i32
          %parallel_loop3A_548 = vector.broadcast %parallel_loop3A_547 : i32 to vector<16xi32>
          %parallel_loop3A_549 = arith.addi %parallel_loop3A_182, %parallel_loop3A_548 : vector<16xi32>
          %parallel_loop3A_550 = tpu.vector_load_idx %arg5[%parallel_loop3A_549] : memref<4096xf32, #tpu.memory_space<vmem>>[vector<16xi32>], vector<16xf32>,
          %parallel_loop3A_551 = arith.constant 26 : i32
          %parallel_loop3A_552 = arith.addi %parallel_loop3A_208, %parallel_loop3A_551 : i32
          %parallel_loop3A_553 = arith.constant 16 : i32
          %parallel_loop3A_554 = arith.muli %parallel_loop3A_168, %parallel_loop3A_553 : i32
          %parallel_loop3A_555 = arith.constant 0 : i32
          %parallel_loop3A_556 = arith.index_cast %parallel_loop3A_555 : i32 to index
          %parallel_loop3A_557 = arith.index_cast %parallel_loop3A_552 : i32 to index
          %parallel_loop3A_558 = arith.index_cast %parallel_loop3A_554 : i32 to index
          %parallel_loop3A_559 = tpu.vector_load %arg7[%parallel_loop3A_556, %parallel_loop3A_557, %parallel_loop3A_558] {strides = array<i32>} : memref<2x160x128xf32, #tpu.memory_space<vmem>>, vector<16xf32>,
          tpu.vector_store %arg7[%parallel_loop3A_556, %parallel_loop3A_557, %parallel_loop3A_558], %parallel_loop3A_550 {strides = array<i32>} : memref<2x160x128xf32, #tpu.memory_space<vmem>>, vector<16xf32>,
          %parallel_loop3A_560 = arith.constant 27 : i32
          %parallel_loop3A_561 = vector.broadcast %parallel_loop3A_560 : i32 to vector<16xi32>
          %parallel_loop3A_562 = arith.addi %parallel_loop3A_182, %parallel_loop3A_561 : vector<16xi32>
          %parallel_loop3A_563 = tpu.vector_load_idx %arg5[%parallel_loop3A_562] : memref<4096xf32, #tpu.memory_space<vmem>>[vector<16xi32>], vector<16xf32>,
          %parallel_loop3A_564 = arith.constant 27 : i32
          %parallel_loop3A_565 = arith.addi %parallel_loop3A_208, %parallel_loop3A_564 : i32
          %parallel_loop3A_566 = arith.constant 16 : i32
          %parallel_loop3A_567 = arith.muli %parallel_loop3A_168, %parallel_loop3A_566 : i32
          %parallel_loop3A_568 = arith.constant 0 : i32
          %parallel_loop3A_569 = arith.index_cast %parallel_loop3A_568 : i32 to index
          %parallel_loop3A_570 = arith.index_cast %parallel_loop3A_565 : i32 to index
          %parallel_loop3A_571 = arith.index_cast %parallel_loop3A_567 : i32 to index
          %parallel_loop3A_572 = tpu.vector_load %arg7[%parallel_loop3A_569, %parallel_loop3A_570, %parallel_loop3A_571] {strides = array<i32>} : memref<2x160x128xf32, #tpu.memory_space<vmem>>, vector<16xf32>,
          tpu.vector_store %arg7[%parallel_loop3A_569, %parallel_loop3A_570, %parallel_loop3A_571], %parallel_loop3A_563 {strides = array<i32>} : memref<2x160x128xf32, #tpu.memory_space<vmem>>, vector<16xf32>,
          %parallel_loop3A_573 = arith.constant 28 : i32
          %parallel_loop3A_574 = vector.broadcast %parallel_loop3A_573 : i32 to vector<16xi32>
          %parallel_loop3A_575 = arith.addi %parallel_loop3A_182, %parallel_loop3A_574 : vector<16xi32>
          %parallel_loop3A_576 = tpu.vector_load_idx %arg5[%parallel_loop3A_575] : memref<4096xf32, #tpu.memory_space<vmem>>[vector<16xi32>], vector<16xf32>,
          %parallel_loop3A_577 = arith.constant 28 : i32
          %parallel_loop3A_578 = arith.addi %parallel_loop3A_208, %parallel_loop3A_577 : i32
          %parallel_loop3A_579 = arith.constant 16 : i32
          %parallel_loop3A_580 = arith.muli %parallel_loop3A_168, %parallel_loop3A_579 : i32
          %parallel_loop3A_581 = arith.constant 0 : i32
          %parallel_loop3A_582 = arith.index_cast %parallel_loop3A_581 : i32 to index
          %parallel_loop3A_583 = arith.index_cast %parallel_loop3A_578 : i32 to index
          %parallel_loop3A_584 = arith.index_cast %parallel_loop3A_580 : i32 to index
          %parallel_loop3A_585 = tpu.vector_load %arg7[%parallel_loop3A_582, %parallel_loop3A_583, %parallel_loop3A_584] {strides = array<i32>} : memref<2x160x128xf32, #tpu.memory_space<vmem>>, vector<16xf32>,
          tpu.vector_store %arg7[%parallel_loop3A_582, %parallel_loop3A_583, %parallel_loop3A_584], %parallel_loop3A_576 {strides = array<i32>} : memref<2x160x128xf32, #tpu.memory_space<vmem>>, vector<16xf32>,
          %parallel_loop3A_586 = arith.constant 29 : i32
          %parallel_loop3A_587 = vector.broadcast %parallel_loop3A_586 : i32 to vector<16xi32>
          %parallel_loop3A_588 = arith.addi %parallel_loop3A_182, %parallel_loop3A_587 : vector<16xi32>
          %parallel_loop3A_589 = tpu.vector_load_idx %arg5[%parallel_loop3A_588] : memref<4096xf32, #tpu.memory_space<vmem>>[vector<16xi32>], vector<16xf32>,
          %parallel_loop3A_590 = arith.constant 29 : i32
          %parallel_loop3A_591 = arith.addi %parallel_loop3A_208, %parallel_loop3A_590 : i32
          %parallel_loop3A_592 = arith.constant 16 : i32
          %parallel_loop3A_593 = arith.muli %parallel_loop3A_168, %parallel_loop3A_592 : i32
          %parallel_loop3A_594 = arith.constant 0 : i32
          %parallel_loop3A_595 = arith.index_cast %parallel_loop3A_594 : i32 to index
          %parallel_loop3A_596 = arith.index_cast %parallel_loop3A_591 : i32 to index
          %parallel_loop3A_597 = arith.index_cast %parallel_loop3A_593 : i32 to index
          %parallel_loop3A_598 = tpu.vector_load %arg7[%parallel_loop3A_595, %parallel_loop3A_596, %parallel_loop3A_597] {strides = array<i32>} : memref<2x160x128xf32, #tpu.memory_space<vmem>>, vector<16xf32>,
          tpu.vector_store %arg7[%parallel_loop3A_595, %parallel_loop3A_596, %parallel_loop3A_597], %parallel_loop3A_589 {strides = array<i32>} : memref<2x160x128xf32, #tpu.memory_space<vmem>>, vector<16xf32>,
          %parallel_loop3A_599 = arith.constant 30 : i32
          %parallel_loop3A_600 = vector.broadcast %parallel_loop3A_599 : i32 to vector<16xi32>
          %parallel_loop3A_601 = arith.addi %parallel_loop3A_182, %parallel_loop3A_600 : vector<16xi32>
          %parallel_loop3A_602 = tpu.vector_load_idx %arg5[%parallel_loop3A_601] : memref<4096xf32, #tpu.memory_space<vmem>>[vector<16xi32>], vector<16xf32>,
          %parallel_loop3A_603 = arith.constant 30 : i32
          %parallel_loop3A_604 = arith.addi %parallel_loop3A_208, %parallel_loop3A_603 : i32
          %parallel_loop3A_605 = arith.constant 16 : i32
          %parallel_loop3A_606 = arith.muli %parallel_loop3A_168, %parallel_loop3A_605 : i32
          %parallel_loop3A_607 = arith.constant 0 : i32
          %parallel_loop3A_608 = arith.index_cast %parallel_loop3A_607 : i32 to index
          %parallel_loop3A_609 = arith.index_cast %parallel_loop3A_604 : i32 to index
          %parallel_loop3A_610 = arith.index_cast %parallel_loop3A_606 : i32 to index
          %parallel_loop3A_611 = tpu.vector_load %arg7[%parallel_loop3A_608, %parallel_loop3A_609, %parallel_loop3A_610] {strides = array<i32>} : memref<2x160x128xf32, #tpu.memory_space<vmem>>, vector<16xf32>,
          tpu.vector_store %arg7[%parallel_loop3A_608, %parallel_loop3A_609, %parallel_loop3A_610], %parallel_loop3A_602 {strides = array<i32>} : memref<2x160x128xf32, #tpu.memory_space<vmem>>, vector<16xf32>,
          %parallel_loop3A_612 = arith.constant 31 : i32
          %parallel_loop3A_613 = vector.broadcast %parallel_loop3A_612 : i32 to vector<16xi32>
          %parallel_loop3A_614 = arith.addi %parallel_loop3A_182, %parallel_loop3A_613 : vector<16xi32>
          %parallel_loop3A_615 = tpu.vector_load_idx %arg5[%parallel_loop3A_614] : memref<4096xf32, #tpu.memory_space<vmem>>[vector<16xi32>], vector<16xf32>,
          %parallel_loop3A_616 = arith.constant 31 : i32
          %parallel_loop3A_617 = arith.addi %parallel_loop3A_208, %parallel_loop3A_616 : i32
          %parallel_loop3A_618 = arith.constant 16 : i32
          %parallel_loop3A_619 = arith.muli %parallel_loop3A_168, %parallel_loop3A_618 : i32
          %parallel_loop3A_620 = arith.constant 0 : i32
          %parallel_loop3A_621 = arith.index_cast %parallel_loop3A_620 : i32 to index
          %parallel_loop3A_622 = arith.index_cast %parallel_loop3A_617 : i32 to index
          %parallel_loop3A_623 = arith.index_cast %parallel_loop3A_619 : i32 to index
          %parallel_loop3A_624 = tpu.vector_load %arg7[%parallel_loop3A_621, %parallel_loop3A_622, %parallel_loop3A_623] {strides = array<i32>} : memref<2x160x128xf32, #tpu.memory_space<vmem>>, vector<16xf32>,
          tpu.vector_store %arg7[%parallel_loop3A_621, %parallel_loop3A_622, %parallel_loop3A_623], %parallel_loop3A_615 {strides = array<i32>} : memref<2x160x128xf32, #tpu.memory_space<vmem>>, vector<16xf32>,
        } {sc.loop_unroll_factor = 1 : i64, sc.parallel_access}
        %mul3A_74 = arith.constant 160 : i32
        %mul3A_75 = arith.muli %add3A_68, %mul3A_74 : i32
        %mul3A_76 = arith.constant 128 : i32
        %mul3A_77 = arith.muli %add3A_56, %mul3A_76 : i32
        %add3A_78 = arith.addi %mul3A_2, %mul3A_77 : i32
        %dma_start3A_79 = arith.constant 0 : i32
        %dma_start3A_80 = arith.constant 0 : i32
        %dma_start3A_81 = arith.constant 0 : i32
        %dma_start3A_82 = arith.constant 0 : i32
        %dma_start3A_83 = tpu.memref_slice %arg7[%dma_start3A_79, %dma_start3A_81, %dma_start3A_82] : memref<2x160x128xf32, #tpu.memory_space<vmem>> -> memref<1x160x128xf32, #tpu.memory_space<vmem>>
        %dma_start3A_84 = tpu.memref_squeeze %dma_start3A_83 : memref<1x160x128xf32, #tpu.memory_space<vmem>> -> memref<160x128xf32, #tpu.memory_space<vmem>>
        %dma_start3A_85 = tpu.memref_slice %arg4[%mul3A_75, %add3A_78] : memref<1600x16384xf32, #tpu.memory_space<hbm>> -> memref<160x128xf32, #tpu.memory_space<hbm>>
        %dma_start3A_86 = tpu.memref_slice %arg10[%dma_start3A_80] : memref<2x!tpu.dma_semaphore, #tpu.memory_space<semaphore_mem>> -> memref<1x!tpu.dma_semaphore, #tpu.memory_space<semaphore_mem>>
        %dma_start3A_87 = tpu.memref_squeeze %dma_start3A_86 : memref<1x!tpu.dma_semaphore, #tpu.memory_space<semaphore_mem>> -> memref<!tpu.dma_semaphore, #tpu.memory_space<semaphore_mem>>
        %dma_start3A_88 = tpu.memref_slice %arg4[%mul3A_75, %add3A_78] : memref<1600x16384xf32, #tpu.memory_space<hbm>> -> memref<160x128xf32, #tpu.memory_space<hbm>>
        %dma_start3A_89 = arith.constant 0 : i32
        %dma_start3A_90 = arith.constant 0 : i32
        %dma_start3A_91 = tpu.memref_slice %arg7[%dma_start3A_79, %dma_start3A_89, %dma_start3A_90] : memref<2x160x128xf32, #tpu.memory_space<vmem>> -> memref<1x160x128xf32, #tpu.memory_space<vmem>>
        %dma_start3A_92 = tpu.memref_squeeze %dma_start3A_91 : memref<1x160x128xf32, #tpu.memory_space<vmem>> -> memref<160x128xf32, #tpu.memory_space<vmem>>
        tpu.enqueue_dma source(%dma_start3A_92 : memref<160x128xf32, #tpu.memory_space<vmem>>) target(%dma_start3A_88 : memref<160x128xf32, #tpu.memory_space<hbm>>) target_semaphore(%dma_start3A_87 : memref<!tpu.dma_semaphore, #tpu.memory_space<semaphore_mem>>)
        %add3A_93 = arith.constant 1 : i32
        %add3A_94 = arith.addi %add3A_66, %add3A_93 : i32
        %gt3A_95 = arith.constant 0 : i32
        %gt3A_96 = arith.cmpi sgt, %add3A_56, %gt3A_95 : i32
        %ge3A_97 = arith.constant 2 : i32
        %ge3A_98 = arith.cmpi sge, %add3A_94, %ge3A_97 : i32
        %or3A_99 = arith.ori %gt3A_96, %ge3A_98 : i1
        %convert_element_type3A_100 = arith.extui %or3A_99 : i1 to i32
        %cond3A_101 = arith.constant 0 : i32
        %cond3A_102 = arith.cmpi ne, %convert_element_type3A_100, %cond3A_101 : i32
        scf.if %cond3A_102 {
          %mul3A_125 = arith.constant 160 : i32
          %mul3A_126 = arith.muli %add3A_94, %mul3A_125 : i32
          %mul3A_127 = arith.constant 128 : i32
          %mul3A_128 = arith.muli %add3A_56, %mul3A_127 : i32
          %add3A_129 = arith.addi %mul3A_2, %mul3A_128 : i32
          %dma_wait3A_130 = arith.constant 1 : i32
          %dma_wait3A_131 = arith.constant 1 : i32
          %dma_wait3A_132 = arith.constant 0 : i32
          %dma_wait3A_133 = arith.constant 0 : i32
          %dma_wait3A_134 = tpu.memref_slice %arg7[%dma_wait3A_130, %dma_wait3A_132, %dma_wait3A_133] : memref<2x160x128xf32, #tpu.memory_space<vmem>> -> memref<1x160x128xf32, #tpu.memory_space<vmem>>
          %dma_wait3A_135 = tpu.memref_squeeze %dma_wait3A_134 : memref<1x160x128xf32, #tpu.memory_space<vmem>> -> memref<160x128xf32, #tpu.memory_space<vmem>>
          %dma_wait3A_136 = tpu.memref_slice %arg4[%mul3A_126, %add3A_129] : memref<1600x16384xf32, #tpu.memory_space<hbm>> -> memref<160x128xf32, #tpu.memory_space<hbm>>
          %dma_wait3A_137 = tpu.memref_slice %arg10[%dma_wait3A_131] : memref<2x!tpu.dma_semaphore, #tpu.memory_space<semaphore_mem>> -> memref<1x!tpu.dma_semaphore, #tpu.memory_space<semaphore_mem>>
          %dma_wait3A_138 = tpu.memref_squeeze %dma_wait3A_137 : memref<1x!tpu.dma_semaphore, #tpu.memory_space<semaphore_mem>> -> memref<!tpu.dma_semaphore, #tpu.memory_space<semaphore_mem>>
          %dma_wait3A_139 = tpu.memref_slice %arg4[%mul3A_126, %add3A_129] : memref<1600x16384xf32, #tpu.memory_space<hbm>> -> memref<160x128xf32, #tpu.memory_space<hbm>>
          %dma_wait3A_140 = arith.constant 0 : i32
          %dma_wait3A_141 = arith.constant 0 : i32
          %dma_wait3A_142 = tpu.memref_slice %arg7[%dma_wait3A_130, %dma_wait3A_140, %dma_wait3A_141] : memref<2x160x128xf32, #tpu.memory_space<vmem>> -> memref<1x160x128xf32, #tpu.memory_space<vmem>>
          %dma_wait3A_143 = tpu.memref_squeeze %dma_wait3A_142 : memref<1x160x128xf32, #tpu.memory_space<vmem>> -> memref<160x128xf32, #tpu.memory_space<vmem>>
          tpu.wait_dma2 semaphore(%dma_wait3A_138 : memref<!tpu.dma_semaphore, #tpu.memory_space<semaphore_mem>>) src(%dma_wait3A_143 : memref<160x128xf32, #tpu.memory_space<vmem>>) dst(%dma_wait3A_139 : memref<160x128xf32, #tpu.memory_space<hbm>>)
        } else {
        }
        %parallel_loop3A_103 = arith.constant 0 : i32
        %parallel_loop3A_104 = arith.constant 40 : i32
        %parallel_loop3A_105 = arith.constant 1 : i32
        scf.for %parallel_loop3A_125 = %parallel_loop3A_103 to %parallel_loop3A_104 step %parallel_loop3A_105  : i32 {
          %parallel_loop3A_126 = arith.constant 5 : i32
          %parallel_loop3A_127 = arith.muli %add3A_94, %parallel_loop3A_126 : i32
          %parallel_loop3A_128 = arith.constant 8 : i32
          %parallel_loop3A_129 = arith.divsi %parallel_loop3A_125, %parallel_loop3A_128 : i32
          %parallel_loop3A_130 = arith.constant 0 : i32
          %parallel_loop3A_131 = arith.cmpi sgt, %parallel_loop3A_125, %parallel_loop3A_130 : i32
          %parallel_loop3A_132 = arith.extui %parallel_loop3A_131 : i1 to i32
          %parallel_loop3A_133 = arith.constant 0 : i32
          %parallel_loop3A_134 = arith.cmpi slt, %parallel_loop3A_125, %parallel_loop3A_133 : i32
          %parallel_loop3A_135 = arith.extui %parallel_loop3A_134 : i1 to i32
          %parallel_loop3A_136 = arith.subi %parallel_loop3A_132, %parallel_loop3A_135 : i32
          %parallel_loop3A_137 = arith.constant 0 : i32
          %parallel_loop3A_138 = arith.cmpi sgt, %parallel_loop3A_128, %parallel_loop3A_137 : i32
          %parallel_loop3A_139 = arith.extui %parallel_loop3A_138 : i1 to i32
          %parallel_loop3A_140 = arith.constant 0 : i32
          %parallel_loop3A_141 = arith.cmpi slt, %parallel_loop3A_128, %parallel_loop3A_140 : i32
          %parallel_loop3A_142 = arith.extui %parallel_loop3A_141 : i1 to i32
          %parallel_loop3A_143 = arith.subi %parallel_loop3A_139, %parallel_loop3A_142 : i32
          %parallel_loop3A_144 = arith.cmpi ne, %parallel_loop3A_136, %parallel_loop3A_143 : i32
          %parallel_loop3A_145 = arith.remsi %parallel_loop3A_125, %parallel_loop3A_128 : i32
          %parallel_loop3A_146 = arith.constant 0 : i32
          %parallel_loop3A_147 = arith.cmpi ne, %parallel_loop3A_145, %parallel_loop3A_146 : i32
          %parallel_loop3A_148 = arith.andi %parallel_loop3A_144, %parallel_loop3A_147 : i1
          %parallel_loop3A_149 = arith.constant 1 : i32
          %parallel_loop3A_150 = arith.subi %parallel_loop3A_129, %parallel_loop3A_149 : i32
          %parallel_loop3A_151 = arith.select %parallel_loop3A_148, %parallel_loop3A_150, %parallel_loop3A_129 : i32
          %parallel_loop3A_152 = arith.addi %parallel_loop3A_127, %parallel_loop3A_151 : i32
          %parallel_loop3A_153 = arith.constant 8 : i32
          %parallel_loop3A_154 = arith.constant 0 : i32
          %parallel_loop3A_155 = arith.cmpi eq, %parallel_loop3A_153, %parallel_loop3A_154 : i32
          %parallel_loop3A_156 = arith.constant 1 : i32
          %parallel_loop3A_157 = arith.select %parallel_loop3A_155, %parallel_loop3A_156, %parallel_loop3A_153 : i32
          %parallel_loop3A_158 = arith.remsi %parallel_loop3A_125, %parallel_loop3A_157 : i32
          %parallel_loop3A_159 = arith.constant 0 : i32
          %parallel_loop3A_160 = arith.cmpi ne, %parallel_loop3A_158, %parallel_loop3A_159 : i32
          %parallel_loop3A_161 = arith.constant 0 : i32
          %parallel_loop3A_162 = arith.cmpi slt, %parallel_loop3A_158, %parallel_loop3A_161 : i32
          %parallel_loop3A_163 = arith.constant 0 : i32
          %parallel_loop3A_164 = arith.cmpi slt, %parallel_loop3A_157, %parallel_loop3A_163 : i32
          %parallel_loop3A_165 = arith.xori %parallel_loop3A_162, %parallel_loop3A_164 : i1
          %parallel_loop3A_166 = arith.andi %parallel_loop3A_165, %parallel_loop3A_160 : i1
          %parallel_loop3A_167 = arith.addi %parallel_loop3A_158, %parallel_loop3A_157 : i32
          %parallel_loop3A_168 = arith.select %parallel_loop3A_166, %parallel_loop3A_167, %parallel_loop3A_158 : i32
          %parallel_loop3A_169 = arith.constant 128 : i32
          %parallel_loop3A_170 = arith.muli %add3A_56, %parallel_loop3A_169 : i32
          %parallel_loop3A_171 = arith.constant 16 : i32
          %parallel_loop3A_172 = arith.muli %parallel_loop3A_168, %parallel_loop3A_171 : i32
          %parallel_loop3A_173 = arith.addi %parallel_loop3A_170, %parallel_loop3A_172 : i32
          %parallel_loop3A_174 = arith.constant 50 : i32
          %parallel_loop3A_175 = arith.muli %parallel_loop3A_173, %parallel_loop3A_174 : i32
          %parallel_loop3A_176 = arith.addi %parallel_loop3A_175, %parallel_loop3A_152 : i32
          %parallel_loop3A_177 = vector.broadcast %parallel_loop3A_176 : i32 to vector<16xi32>
          %parallel_loop3A_178 = arith.addi %mul3A_5, %parallel_loop3A_177 : vector<16xi32>
          %parallel_loop3A_179 = tpu.vector_load_idx %arg6[%parallel_loop3A_178] : memref<25600xi32, #tpu.memory_space<vmem>>[vector<16xi32>], vector<16xi32>,
          %parallel_loop3A_180 = arith.constant 33 : i32
          %parallel_loop3A_181 = vector.broadcast %parallel_loop3A_180 : i32 to vector<16xi32>
          %parallel_loop3A_182 = arith.muli %parallel_loop3A_179, %parallel_loop3A_181 : vector<16xi32>
          %parallel_loop3A_183 = arith.constant 8 : i32
          %parallel_loop3A_184 = arith.divsi %parallel_loop3A_125, %parallel_loop3A_183 : i32
          %parallel_loop3A_185 = arith.constant 0 : i32
          %parallel_loop3A_186 = arith.cmpi sgt, %parallel_loop3A_125, %parallel_loop3A_185 : i32
          %parallel_loop3A_187 = arith.extui %parallel_loop3A_186 : i1 to i32
          %parallel_loop3A_188 = arith.constant 0 : i32
          %parallel_loop3A_189 = arith.cmpi slt, %parallel_loop3A_125, %parallel_loop3A_188 : i32
          %parallel_loop3A_190 = arith.extui %parallel_loop3A_189 : i1 to i32
          %parallel_loop3A_191 = arith.subi %parallel_loop3A_187, %parallel_loop3A_190 : i32
          %parallel_loop3A_192 = arith.constant 0 : i32
          %parallel_loop3A_193 = arith.cmpi sgt, %parallel_loop3A_183, %parallel_loop3A_192 : i32
          %parallel_loop3A_194 = arith.extui %parallel_loop3A_193 : i1 to i32
          %parallel_loop3A_195 = arith.constant 0 : i32
          %parallel_loop3A_196 = arith.cmpi slt, %parallel_loop3A_183, %parallel_loop3A_195 : i32
          %parallel_loop3A_197 = arith.extui %parallel_loop3A_196 : i1 to i32
          %parallel_loop3A_198 = arith.subi %parallel_loop3A_194, %parallel_loop3A_197 : i32
          %parallel_loop3A_199 = arith.cmpi ne, %parallel_loop3A_191, %parallel_loop3A_198 : i32
          %parallel_loop3A_200 = arith.remsi %parallel_loop3A_125, %parallel_loop3A_183 : i32
          %parallel_loop3A_201 = arith.constant 0 : i32
          %parallel_loop3A_202 = arith.cmpi ne, %parallel_loop3A_200, %parallel_loop3A_201 : i32
          %parallel_loop3A_203 = arith.andi %parallel_loop3A_199, %parallel_loop3A_202 : i1
          %parallel_loop3A_204 = arith.constant 1 : i32
          %parallel_loop3A_205 = arith.subi %parallel_loop3A_184, %parallel_loop3A_204 : i32
          %parallel_loop3A_206 = arith.select %parallel_loop3A_203, %parallel_loop3A_205, %parallel_loop3A_184 : i32
          %parallel_loop3A_207 = arith.constant 32 : i32
          %parallel_loop3A_208 = arith.muli %parallel_loop3A_206, %parallel_loop3A_207 : i32
          %parallel_loop3A_209 = arith.constant 0 : i32
          %parallel_loop3A_210 = vector.broadcast %parallel_loop3A_209 : i32 to vector<16xi32>
          %parallel_loop3A_211 = arith.addi %parallel_loop3A_182, %parallel_loop3A_210 : vector<16xi32>
          %parallel_loop3A_212 = tpu.vector_load_idx %arg5[%parallel_loop3A_211] : memref<4096xf32, #tpu.memory_space<vmem>>[vector<16xi32>], vector<16xf32>,
          %parallel_loop3A_213 = arith.constant 0 : i32
          %parallel_loop3A_214 = arith.addi %parallel_loop3A_208, %parallel_loop3A_213 : i32
          %parallel_loop3A_215 = arith.constant 16 : i32
          %parallel_loop3A_216 = arith.muli %parallel_loop3A_168, %parallel_loop3A_215 : i32
          %parallel_loop3A_217 = arith.constant 1 : i32
          %parallel_loop3A_218 = arith.index_cast %parallel_loop3A_217 : i32 to index
          %parallel_loop3A_219 = arith.index_cast %parallel_loop3A_214 : i32 to index
          %parallel_loop3A_220 = arith.index_cast %parallel_loop3A_216 : i32 to index
          %parallel_loop3A_221 = tpu.vector_load %arg7[%parallel_loop3A_218, %parallel_loop3A_219, %parallel_loop3A_220] {strides = array<i32>} : memref<2x160x128xf32, #tpu.memory_space<vmem>>, vector<16xf32>,
          tpu.vector_store %arg7[%parallel_loop3A_218, %parallel_loop3A_219, %parallel_loop3A_220], %parallel_loop3A_212 {strides = array<i32>} : memref<2x160x128xf32, #tpu.memory_space<vmem>>, vector<16xf32>,
          %parallel_loop3A_222 = arith.constant 1 : i32
          %parallel_loop3A_223 = vector.broadcast %parallel_loop3A_222 : i32 to vector<16xi32>
          %parallel_loop3A_224 = arith.addi %parallel_loop3A_182, %parallel_loop3A_223 : vector<16xi32>
          %parallel_loop3A_225 = tpu.vector_load_idx %arg5[%parallel_loop3A_224] : memref<4096xf32, #tpu.memory_space<vmem>>[vector<16xi32>], vector<16xf32>,
          %parallel_loop3A_226 = arith.constant 1 : i32
          %parallel_loop3A_227 = arith.addi %parallel_loop3A_208, %parallel_loop3A_226 : i32
          %parallel_loop3A_228 = arith.constant 16 : i32
          %parallel_loop3A_229 = arith.muli %parallel_loop3A_168, %parallel_loop3A_228 : i32
          %parallel_loop3A_230 = arith.constant 1 : i32
          %parallel_loop3A_231 = arith.index_cast %parallel_loop3A_230 : i32 to index
          %parallel_loop3A_232 = arith.index_cast %parallel_loop3A_227 : i32 to index
          %parallel_loop3A_233 = arith.index_cast %parallel_loop3A_229 : i32 to index
          %parallel_loop3A_234 = tpu.vector_load %arg7[%parallel_loop3A_231, %parallel_loop3A_232, %parallel_loop3A_233] {strides = array<i32>} : memref<2x160x128xf32, #tpu.memory_space<vmem>>, vector<16xf32>,
          tpu.vector_store %arg7[%parallel_loop3A_231, %parallel_loop3A_232, %parallel_loop3A_233], %parallel_loop3A_225 {strides = array<i32>} : memref<2x160x128xf32, #tpu.memory_space<vmem>>, vector<16xf32>,
          %parallel_loop3A_235 = arith.constant 2 : i32
          %parallel_loop3A_236 = vector.broadcast %parallel_loop3A_235 : i32 to vector<16xi32>
          %parallel_loop3A_237 = arith.addi %parallel_loop3A_182, %parallel_loop3A_236 : vector<16xi32>
          %parallel_loop3A_238 = tpu.vector_load_idx %arg5[%parallel_loop3A_237] : memref<4096xf32, #tpu.memory_space<vmem>>[vector<16xi32>], vector<16xf32>,
          %parallel_loop3A_239 = arith.constant 2 : i32
          %parallel_loop3A_240 = arith.addi %parallel_loop3A_208, %parallel_loop3A_239 : i32
          %parallel_loop3A_241 = arith.constant 16 : i32
          %parallel_loop3A_242 = arith.muli %parallel_loop3A_168, %parallel_loop3A_241 : i32
          %parallel_loop3A_243 = arith.constant 1 : i32
          %parallel_loop3A_244 = arith.index_cast %parallel_loop3A_243 : i32 to index
          %parallel_loop3A_245 = arith.index_cast %parallel_loop3A_240 : i32 to index
          %parallel_loop3A_246 = arith.index_cast %parallel_loop3A_242 : i32 to index
          %parallel_loop3A_247 = tpu.vector_load %arg7[%parallel_loop3A_244, %parallel_loop3A_245, %parallel_loop3A_246] {strides = array<i32>} : memref<2x160x128xf32, #tpu.memory_space<vmem>>, vector<16xf32>,
          tpu.vector_store %arg7[%parallel_loop3A_244, %parallel_loop3A_245, %parallel_loop3A_246], %parallel_loop3A_238 {strides = array<i32>} : memref<2x160x128xf32, #tpu.memory_space<vmem>>, vector<16xf32>,
          %parallel_loop3A_248 = arith.constant 3 : i32
          %parallel_loop3A_249 = vector.broadcast %parallel_loop3A_248 : i32 to vector<16xi32>
          %parallel_loop3A_250 = arith.addi %parallel_loop3A_182, %parallel_loop3A_249 : vector<16xi32>
          %parallel_loop3A_251 = tpu.vector_load_idx %arg5[%parallel_loop3A_250] : memref<4096xf32, #tpu.memory_space<vmem>>[vector<16xi32>], vector<16xf32>,
          %parallel_loop3A_252 = arith.constant 3 : i32
          %parallel_loop3A_253 = arith.addi %parallel_loop3A_208, %parallel_loop3A_252 : i32
          %parallel_loop3A_254 = arith.constant 16 : i32
          %parallel_loop3A_255 = arith.muli %parallel_loop3A_168, %parallel_loop3A_254 : i32
          %parallel_loop3A_256 = arith.constant 1 : i32
          %parallel_loop3A_257 = arith.index_cast %parallel_loop3A_256 : i32 to index
          %parallel_loop3A_258 = arith.index_cast %parallel_loop3A_253 : i32 to index
          %parallel_loop3A_259 = arith.index_cast %parallel_loop3A_255 : i32 to index
          %parallel_loop3A_260 = tpu.vector_load %arg7[%parallel_loop3A_257, %parallel_loop3A_258, %parallel_loop3A_259] {strides = array<i32>} : memref<2x160x128xf32, #tpu.memory_space<vmem>>, vector<16xf32>,
          tpu.vector_store %arg7[%parallel_loop3A_257, %parallel_loop3A_258, %parallel_loop3A_259], %parallel_loop3A_251 {strides = array<i32>} : memref<2x160x128xf32, #tpu.memory_space<vmem>>, vector<16xf32>,
          %parallel_loop3A_261 = arith.constant 4 : i32
          %parallel_loop3A_262 = vector.broadcast %parallel_loop3A_261 : i32 to vector<16xi32>
          %parallel_loop3A_263 = arith.addi %parallel_loop3A_182, %parallel_loop3A_262 : vector<16xi32>
          %parallel_loop3A_264 = tpu.vector_load_idx %arg5[%parallel_loop3A_263] : memref<4096xf32, #tpu.memory_space<vmem>>[vector<16xi32>], vector<16xf32>,
          %parallel_loop3A_265 = arith.constant 4 : i32
          %parallel_loop3A_266 = arith.addi %parallel_loop3A_208, %parallel_loop3A_265 : i32
          %parallel_loop3A_267 = arith.constant 16 : i32
          %parallel_loop3A_268 = arith.muli %parallel_loop3A_168, %parallel_loop3A_267 : i32
          %parallel_loop3A_269 = arith.constant 1 : i32
          %parallel_loop3A_270 = arith.index_cast %parallel_loop3A_269 : i32 to index
          %parallel_loop3A_271 = arith.index_cast %parallel_loop3A_266 : i32 to index
          %parallel_loop3A_272 = arith.index_cast %parallel_loop3A_268 : i32 to index
          %parallel_loop3A_273 = tpu.vector_load %arg7[%parallel_loop3A_270, %parallel_loop3A_271, %parallel_loop3A_272] {strides = array<i32>} : memref<2x160x128xf32, #tpu.memory_space<vmem>>, vector<16xf32>,
          tpu.vector_store %arg7[%parallel_loop3A_270, %parallel_loop3A_271, %parallel_loop3A_272], %parallel_loop3A_264 {strides = array<i32>} : memref<2x160x128xf32, #tpu.memory_space<vmem>>, vector<16xf32>,
          %parallel_loop3A_274 = arith.constant 5 : i32
          %parallel_loop3A_275 = vector.broadcast %parallel_loop3A_274 : i32 to vector<16xi32>
          %parallel_loop3A_276 = arith.addi %parallel_loop3A_182, %parallel_loop3A_275 : vector<16xi32>
          %parallel_loop3A_277 = tpu.vector_load_idx %arg5[%parallel_loop3A_276] : memref<4096xf32, #tpu.memory_space<vmem>>[vector<16xi32>], vector<16xf32>,
          %parallel_loop3A_278 = arith.constant 5 : i32
          %parallel_loop3A_279 = arith.addi %parallel_loop3A_208, %parallel_loop3A_278 : i32
          %parallel_loop3A_280 = arith.constant 16 : i32
          %parallel_loop3A_281 = arith.muli %parallel_loop3A_168, %parallel_loop3A_280 : i32
          %parallel_loop3A_282 = arith.constant 1 : i32
          %parallel_loop3A_283 = arith.index_cast %parallel_loop3A_282 : i32 to index
          %parallel_loop3A_284 = arith.index_cast %parallel_loop3A_279 : i32 to index
          %parallel_loop3A_285 = arith.index_cast %parallel_loop3A_281 : i32 to index
          %parallel_loop3A_286 = tpu.vector_load %arg7[%parallel_loop3A_283, %parallel_loop3A_284, %parallel_loop3A_285] {strides = array<i32>} : memref<2x160x128xf32, #tpu.memory_space<vmem>>, vector<16xf32>,
          tpu.vector_store %arg7[%parallel_loop3A_283, %parallel_loop3A_284, %parallel_loop3A_285], %parallel_loop3A_277 {strides = array<i32>} : memref<2x160x128xf32, #tpu.memory_space<vmem>>, vector<16xf32>,
          %parallel_loop3A_287 = arith.constant 6 : i32
          %parallel_loop3A_288 = vector.broadcast %parallel_loop3A_287 : i32 to vector<16xi32>
          %parallel_loop3A_289 = arith.addi %parallel_loop3A_182, %parallel_loop3A_288 : vector<16xi32>
          %parallel_loop3A_290 = tpu.vector_load_idx %arg5[%parallel_loop3A_289] : memref<4096xf32, #tpu.memory_space<vmem>>[vector<16xi32>], vector<16xf32>,
          %parallel_loop3A_291 = arith.constant 6 : i32
          %parallel_loop3A_292 = arith.addi %parallel_loop3A_208, %parallel_loop3A_291 : i32
          %parallel_loop3A_293 = arith.constant 16 : i32
          %parallel_loop3A_294 = arith.muli %parallel_loop3A_168, %parallel_loop3A_293 : i32
          %parallel_loop3A_295 = arith.constant 1 : i32
          %parallel_loop3A_296 = arith.index_cast %parallel_loop3A_295 : i32 to index
          %parallel_loop3A_297 = arith.index_cast %parallel_loop3A_292 : i32 to index
          %parallel_loop3A_298 = arith.index_cast %parallel_loop3A_294 : i32 to index
          %parallel_loop3A_299 = tpu.vector_load %arg7[%parallel_loop3A_296, %parallel_loop3A_297, %parallel_loop3A_298] {strides = array<i32>} : memref<2x160x128xf32, #tpu.memory_space<vmem>>, vector<16xf32>,
          tpu.vector_store %arg7[%parallel_loop3A_296, %parallel_loop3A_297, %parallel_loop3A_298], %parallel_loop3A_290 {strides = array<i32>} : memref<2x160x128xf32, #tpu.memory_space<vmem>>, vector<16xf32>,
          %parallel_loop3A_300 = arith.constant 7 : i32
          %parallel_loop3A_301 = vector.broadcast %parallel_loop3A_300 : i32 to vector<16xi32>
          %parallel_loop3A_302 = arith.addi %parallel_loop3A_182, %parallel_loop3A_301 : vector<16xi32>
          %parallel_loop3A_303 = tpu.vector_load_idx %arg5[%parallel_loop3A_302] : memref<4096xf32, #tpu.memory_space<vmem>>[vector<16xi32>], vector<16xf32>,
          %parallel_loop3A_304 = arith.constant 7 : i32
          %parallel_loop3A_305 = arith.addi %parallel_loop3A_208, %parallel_loop3A_304 : i32
          %parallel_loop3A_306 = arith.constant 16 : i32
          %parallel_loop3A_307 = arith.muli %parallel_loop3A_168, %parallel_loop3A_306 : i32
          %parallel_loop3A_308 = arith.constant 1 : i32
          %parallel_loop3A_309 = arith.index_cast %parallel_loop3A_308 : i32 to index
          %parallel_loop3A_310 = arith.index_cast %parallel_loop3A_305 : i32 to index
          %parallel_loop3A_311 = arith.index_cast %parallel_loop3A_307 : i32 to index
          %parallel_loop3A_312 = tpu.vector_load %arg7[%parallel_loop3A_309, %parallel_loop3A_310, %parallel_loop3A_311] {strides = array<i32>} : memref<2x160x128xf32, #tpu.memory_space<vmem>>, vector<16xf32>,
          tpu.vector_store %arg7[%parallel_loop3A_309, %parallel_loop3A_310, %parallel_loop3A_311], %parallel_loop3A_303 {strides = array<i32>} : memref<2x160x128xf32, #tpu.memory_space<vmem>>, vector<16xf32>,
          %parallel_loop3A_313 = arith.constant 8 : i32
          %parallel_loop3A_314 = vector.broadcast %parallel_loop3A_313 : i32 to vector<16xi32>
          %parallel_loop3A_315 = arith.addi %parallel_loop3A_182, %parallel_loop3A_314 : vector<16xi32>
          %parallel_loop3A_316 = tpu.vector_load_idx %arg5[%parallel_loop3A_315] : memref<4096xf32, #tpu.memory_space<vmem>>[vector<16xi32>], vector<16xf32>,
          %parallel_loop3A_317 = arith.constant 8 : i32
          %parallel_loop3A_318 = arith.addi %parallel_loop3A_208, %parallel_loop3A_317 : i32
          %parallel_loop3A_319 = arith.constant 16 : i32
          %parallel_loop3A_320 = arith.muli %parallel_loop3A_168, %parallel_loop3A_319 : i32
          %parallel_loop3A_321 = arith.constant 1 : i32
          %parallel_loop3A_322 = arith.index_cast %parallel_loop3A_321 : i32 to index
          %parallel_loop3A_323 = arith.index_cast %parallel_loop3A_318 : i32 to index
          %parallel_loop3A_324 = arith.index_cast %parallel_loop3A_320 : i32 to index
          %parallel_loop3A_325 = tpu.vector_load %arg7[%parallel_loop3A_322, %parallel_loop3A_323, %parallel_loop3A_324] {strides = array<i32>} : memref<2x160x128xf32, #tpu.memory_space<vmem>>, vector<16xf32>,
          tpu.vector_store %arg7[%parallel_loop3A_322, %parallel_loop3A_323, %parallel_loop3A_324], %parallel_loop3A_316 {strides = array<i32>} : memref<2x160x128xf32, #tpu.memory_space<vmem>>, vector<16xf32>,
          %parallel_loop3A_326 = arith.constant 9 : i32
          %parallel_loop3A_327 = vector.broadcast %parallel_loop3A_326 : i32 to vector<16xi32>
          %parallel_loop3A_328 = arith.addi %parallel_loop3A_182, %parallel_loop3A_327 : vector<16xi32>
          %parallel_loop3A_329 = tpu.vector_load_idx %arg5[%parallel_loop3A_328] : memref<4096xf32, #tpu.memory_space<vmem>>[vector<16xi32>], vector<16xf32>,
          %parallel_loop3A_330 = arith.constant 9 : i32
          %parallel_loop3A_331 = arith.addi %parallel_loop3A_208, %parallel_loop3A_330 : i32
          %parallel_loop3A_332 = arith.constant 16 : i32
          %parallel_loop3A_333 = arith.muli %parallel_loop3A_168, %parallel_loop3A_332 : i32
          %parallel_loop3A_334 = arith.constant 1 : i32
          %parallel_loop3A_335 = arith.index_cast %parallel_loop3A_334 : i32 to index
          %parallel_loop3A_336 = arith.index_cast %parallel_loop3A_331 : i32 to index
          %parallel_loop3A_337 = arith.index_cast %parallel_loop3A_333 : i32 to index
          %parallel_loop3A_338 = tpu.vector_load %arg7[%parallel_loop3A_335, %parallel_loop3A_336, %parallel_loop3A_337] {strides = array<i32>} : memref<2x160x128xf32, #tpu.memory_space<vmem>>, vector<16xf32>,
          tpu.vector_store %arg7[%parallel_loop3A_335, %parallel_loop3A_336, %parallel_loop3A_337], %parallel_loop3A_329 {strides = array<i32>} : memref<2x160x128xf32, #tpu.memory_space<vmem>>, vector<16xf32>,
          %parallel_loop3A_339 = arith.constant 10 : i32
          %parallel_loop3A_340 = vector.broadcast %parallel_loop3A_339 : i32 to vector<16xi32>
          %parallel_loop3A_341 = arith.addi %parallel_loop3A_182, %parallel_loop3A_340 : vector<16xi32>
          %parallel_loop3A_342 = tpu.vector_load_idx %arg5[%parallel_loop3A_341] : memref<4096xf32, #tpu.memory_space<vmem>>[vector<16xi32>], vector<16xf32>,
          %parallel_loop3A_343 = arith.constant 10 : i32
          %parallel_loop3A_344 = arith.addi %parallel_loop3A_208, %parallel_loop3A_343 : i32
          %parallel_loop3A_345 = arith.constant 16 : i32
          %parallel_loop3A_346 = arith.muli %parallel_loop3A_168, %parallel_loop3A_345 : i32
          %parallel_loop3A_347 = arith.constant 1 : i32
          %parallel_loop3A_348 = arith.index_cast %parallel_loop3A_347 : i32 to index
          %parallel_loop3A_349 = arith.index_cast %parallel_loop3A_344 : i32 to index
          %parallel_loop3A_350 = arith.index_cast %parallel_loop3A_346 : i32 to index
          %parallel_loop3A_351 = tpu.vector_load %arg7[%parallel_loop3A_348, %parallel_loop3A_349, %parallel_loop3A_350] {strides = array<i32>} : memref<2x160x128xf32, #tpu.memory_space<vmem>>, vector<16xf32>,
          tpu.vector_store %arg7[%parallel_loop3A_348, %parallel_loop3A_349, %parallel_loop3A_350], %parallel_loop3A_342 {strides = array<i32>} : memref<2x160x128xf32, #tpu.memory_space<vmem>>, vector<16xf32>,
          %parallel_loop3A_352 = arith.constant 11 : i32
          %parallel_loop3A_353 = vector.broadcast %parallel_loop3A_352 : i32 to vector<16xi32>
          %parallel_loop3A_354 = arith.addi %parallel_loop3A_182, %parallel_loop3A_353 : vector<16xi32>
          %parallel_loop3A_355 = tpu.vector_load_idx %arg5[%parallel_loop3A_354] : memref<4096xf32, #tpu.memory_space<vmem>>[vector<16xi32>], vector<16xf32>,
          %parallel_loop3A_356 = arith.constant 11 : i32
          %parallel_loop3A_357 = arith.addi %parallel_loop3A_208, %parallel_loop3A_356 : i32
          %parallel_loop3A_358 = arith.constant 16 : i32
          %parallel_loop3A_359 = arith.muli %parallel_loop3A_168, %parallel_loop3A_358 : i32
          %parallel_loop3A_360 = arith.constant 1 : i32
          %parallel_loop3A_361 = arith.index_cast %parallel_loop3A_360 : i32 to index
          %parallel_loop3A_362 = arith.index_cast %parallel_loop3A_357 : i32 to index
          %parallel_loop3A_363 = arith.index_cast %parallel_loop3A_359 : i32 to index
          %parallel_loop3A_364 = tpu.vector_load %arg7[%parallel_loop3A_361, %parallel_loop3A_362, %parallel_loop3A_363] {strides = array<i32>} : memref<2x160x128xf32, #tpu.memory_space<vmem>>, vector<16xf32>,
          tpu.vector_store %arg7[%parallel_loop3A_361, %parallel_loop3A_362, %parallel_loop3A_363], %parallel_loop3A_355 {strides = array<i32>} : memref<2x160x128xf32, #tpu.memory_space<vmem>>, vector<16xf32>,
          %parallel_loop3A_365 = arith.constant 12 : i32
          %parallel_loop3A_366 = vector.broadcast %parallel_loop3A_365 : i32 to vector<16xi32>
          %parallel_loop3A_367 = arith.addi %parallel_loop3A_182, %parallel_loop3A_366 : vector<16xi32>
          %parallel_loop3A_368 = tpu.vector_load_idx %arg5[%parallel_loop3A_367] : memref<4096xf32, #tpu.memory_space<vmem>>[vector<16xi32>], vector<16xf32>,
          %parallel_loop3A_369 = arith.constant 12 : i32
          %parallel_loop3A_370 = arith.addi %parallel_loop3A_208, %parallel_loop3A_369 : i32
          %parallel_loop3A_371 = arith.constant 16 : i32
          %parallel_loop3A_372 = arith.muli %parallel_loop3A_168, %parallel_loop3A_371 : i32
          %parallel_loop3A_373 = arith.constant 1 : i32
          %parallel_loop3A_374 = arith.index_cast %parallel_loop3A_373 : i32 to index
          %parallel_loop3A_375 = arith.index_cast %parallel_loop3A_370 : i32 to index
          %parallel_loop3A_376 = arith.index_cast %parallel_loop3A_372 : i32 to index
          %parallel_loop3A_377 = tpu.vector_load %arg7[%parallel_loop3A_374, %parallel_loop3A_375, %parallel_loop3A_376] {strides = array<i32>} : memref<2x160x128xf32, #tpu.memory_space<vmem>>, vector<16xf32>,
          tpu.vector_store %arg7[%parallel_loop3A_374, %parallel_loop3A_375, %parallel_loop3A_376], %parallel_loop3A_368 {strides = array<i32>} : memref<2x160x128xf32, #tpu.memory_space<vmem>>, vector<16xf32>,
          %parallel_loop3A_378 = arith.constant 13 : i32
          %parallel_loop3A_379 = vector.broadcast %parallel_loop3A_378 : i32 to vector<16xi32>
          %parallel_loop3A_380 = arith.addi %parallel_loop3A_182, %parallel_loop3A_379 : vector<16xi32>
          %parallel_loop3A_381 = tpu.vector_load_idx %arg5[%parallel_loop3A_380] : memref<4096xf32, #tpu.memory_space<vmem>>[vector<16xi32>], vector<16xf32>,
          %parallel_loop3A_382 = arith.constant 13 : i32
          %parallel_loop3A_383 = arith.addi %parallel_loop3A_208, %parallel_loop3A_382 : i32
          %parallel_loop3A_384 = arith.constant 16 : i32
          %parallel_loop3A_385 = arith.muli %parallel_loop3A_168, %parallel_loop3A_384 : i32
          %parallel_loop3A_386 = arith.constant 1 : i32
          %parallel_loop3A_387 = arith.index_cast %parallel_loop3A_386 : i32 to index
          %parallel_loop3A_388 = arith.index_cast %parallel_loop3A_383 : i32 to index
          %parallel_loop3A_389 = arith.index_cast %parallel_loop3A_385 : i32 to index
          %parallel_loop3A_390 = tpu.vector_load %arg7[%parallel_loop3A_387, %parallel_loop3A_388, %parallel_loop3A_389] {strides = array<i32>} : memref<2x160x128xf32, #tpu.memory_space<vmem>>, vector<16xf32>,
          tpu.vector_store %arg7[%parallel_loop3A_387, %parallel_loop3A_388, %parallel_loop3A_389], %parallel_loop3A_381 {strides = array<i32>} : memref<2x160x128xf32, #tpu.memory_space<vmem>>, vector<16xf32>,
          %parallel_loop3A_391 = arith.constant 14 : i32
          %parallel_loop3A_392 = vector.broadcast %parallel_loop3A_391 : i32 to vector<16xi32>
          %parallel_loop3A_393 = arith.addi %parallel_loop3A_182, %parallel_loop3A_392 : vector<16xi32>
          %parallel_loop3A_394 = tpu.vector_load_idx %arg5[%parallel_loop3A_393] : memref<4096xf32, #tpu.memory_space<vmem>>[vector<16xi32>], vector<16xf32>,
          %parallel_loop3A_395 = arith.constant 14 : i32
          %parallel_loop3A_396 = arith.addi %parallel_loop3A_208, %parallel_loop3A_395 : i32
          %parallel_loop3A_397 = arith.constant 16 : i32
          %parallel_loop3A_398 = arith.muli %parallel_loop3A_168, %parallel_loop3A_397 : i32
          %parallel_loop3A_399 = arith.constant 1 : i32
          %parallel_loop3A_400 = arith.index_cast %parallel_loop3A_399 : i32 to index
          %parallel_loop3A_401 = arith.index_cast %parallel_loop3A_396 : i32 to index
          %parallel_loop3A_402 = arith.index_cast %parallel_loop3A_398 : i32 to index
          %parallel_loop3A_403 = tpu.vector_load %arg7[%parallel_loop3A_400, %parallel_loop3A_401, %parallel_loop3A_402] {strides = array<i32>} : memref<2x160x128xf32, #tpu.memory_space<vmem>>, vector<16xf32>,
          tpu.vector_store %arg7[%parallel_loop3A_400, %parallel_loop3A_401, %parallel_loop3A_402], %parallel_loop3A_394 {strides = array<i32>} : memref<2x160x128xf32, #tpu.memory_space<vmem>>, vector<16xf32>,
          %parallel_loop3A_404 = arith.constant 15 : i32
          %parallel_loop3A_405 = vector.broadcast %parallel_loop3A_404 : i32 to vector<16xi32>
          %parallel_loop3A_406 = arith.addi %parallel_loop3A_182, %parallel_loop3A_405 : vector<16xi32>
          %parallel_loop3A_407 = tpu.vector_load_idx %arg5[%parallel_loop3A_406] : memref<4096xf32, #tpu.memory_space<vmem>>[vector<16xi32>], vector<16xf32>,
          %parallel_loop3A_408 = arith.constant 15 : i32
          %parallel_loop3A_409 = arith.addi %parallel_loop3A_208, %parallel_loop3A_408 : i32
          %parallel_loop3A_410 = arith.constant 16 : i32
          %parallel_loop3A_411 = arith.muli %parallel_loop3A_168, %parallel_loop3A_410 : i32
          %parallel_loop3A_412 = arith.constant 1 : i32
          %parallel_loop3A_413 = arith.index_cast %parallel_loop3A_412 : i32 to index
          %parallel_loop3A_414 = arith.index_cast %parallel_loop3A_409 : i32 to index
          %parallel_loop3A_415 = arith.index_cast %parallel_loop3A_411 : i32 to index
          %parallel_loop3A_416 = tpu.vector_load %arg7[%parallel_loop3A_413, %parallel_loop3A_414, %parallel_loop3A_415] {strides = array<i32>} : memref<2x160x128xf32, #tpu.memory_space<vmem>>, vector<16xf32>,
          tpu.vector_store %arg7[%parallel_loop3A_413, %parallel_loop3A_414, %parallel_loop3A_415], %parallel_loop3A_407 {strides = array<i32>} : memref<2x160x128xf32, #tpu.memory_space<vmem>>, vector<16xf32>,
          %parallel_loop3A_417 = arith.constant 16 : i32
          %parallel_loop3A_418 = vector.broadcast %parallel_loop3A_417 : i32 to vector<16xi32>
          %parallel_loop3A_419 = arith.addi %parallel_loop3A_182, %parallel_loop3A_418 : vector<16xi32>
          %parallel_loop3A_420 = tpu.vector_load_idx %arg5[%parallel_loop3A_419] : memref<4096xf32, #tpu.memory_space<vmem>>[vector<16xi32>], vector<16xf32>,
          %parallel_loop3A_421 = arith.constant 16 : i32
          %parallel_loop3A_422 = arith.addi %parallel_loop3A_208, %parallel_loop3A_421 : i32
          %parallel_loop3A_423 = arith.constant 16 : i32
          %parallel_loop3A_424 = arith.muli %parallel_loop3A_168, %parallel_loop3A_423 : i32
          %parallel_loop3A_425 = arith.constant 1 : i32
          %parallel_loop3A_426 = arith.index_cast %parallel_loop3A_425 : i32 to index
          %parallel_loop3A_427 = arith.index_cast %parallel_loop3A_422 : i32 to index
          %parallel_loop3A_428 = arith.index_cast %parallel_loop3A_424 : i32 to index
          %parallel_loop3A_429 = tpu.vector_load %arg7[%parallel_loop3A_426, %parallel_loop3A_427, %parallel_loop3A_428] {strides = array<i32>} : memref<2x160x128xf32, #tpu.memory_space<vmem>>, vector<16xf32>,
          tpu.vector_store %arg7[%parallel_loop3A_426, %parallel_loop3A_427, %parallel_loop3A_428], %parallel_loop3A_420 {strides = array<i32>} : memref<2x160x128xf32, #tpu.memory_space<vmem>>, vector<16xf32>,
          %parallel_loop3A_430 = arith.constant 17 : i32
          %parallel_loop3A_431 = vector.broadcast %parallel_loop3A_430 : i32 to vector<16xi32>
          %parallel_loop3A_432 = arith.addi %parallel_loop3A_182, %parallel_loop3A_431 : vector<16xi32>
          %parallel_loop3A_433 = tpu.vector_load_idx %arg5[%parallel_loop3A_432] : memref<4096xf32, #tpu.memory_space<vmem>>[vector<16xi32>], vector<16xf32>,
          %parallel_loop3A_434 = arith.constant 17 : i32
          %parallel_loop3A_435 = arith.addi %parallel_loop3A_208, %parallel_loop3A_434 : i32
          %parallel_loop3A_436 = arith.constant 16 : i32
          %parallel_loop3A_437 = arith.muli %parallel_loop3A_168, %parallel_loop3A_436 : i32
          %parallel_loop3A_438 = arith.constant 1 : i32
          %parallel_loop3A_439 = arith.index_cast %parallel_loop3A_438 : i32 to index
          %parallel_loop3A_440 = arith.index_cast %parallel_loop3A_435 : i32 to index
          %parallel_loop3A_441 = arith.index_cast %parallel_loop3A_437 : i32 to index
          %parallel_loop3A_442 = tpu.vector_load %arg7[%parallel_loop3A_439, %parallel_loop3A_440, %parallel_loop3A_441] {strides = array<i32>} : memref<2x160x128xf32, #tpu.memory_space<vmem>>, vector<16xf32>,
          tpu.vector_store %arg7[%parallel_loop3A_439, %parallel_loop3A_440, %parallel_loop3A_441], %parallel_loop3A_433 {strides = array<i32>} : memref<2x160x128xf32, #tpu.memory_space<vmem>>, vector<16xf32>,
          %parallel_loop3A_443 = arith.constant 18 : i32
          %parallel_loop3A_444 = vector.broadcast %parallel_loop3A_443 : i32 to vector<16xi32>
          %parallel_loop3A_445 = arith.addi %parallel_loop3A_182, %parallel_loop3A_444 : vector<16xi32>
          %parallel_loop3A_446 = tpu.vector_load_idx %arg5[%parallel_loop3A_445] : memref<4096xf32, #tpu.memory_space<vmem>>[vector<16xi32>], vector<16xf32>,
          %parallel_loop3A_447 = arith.constant 18 : i32
          %parallel_loop3A_448 = arith.addi %parallel_loop3A_208, %parallel_loop3A_447 : i32
          %parallel_loop3A_449 = arith.constant 16 : i32
          %parallel_loop3A_450 = arith.muli %parallel_loop3A_168, %parallel_loop3A_449 : i32
          %parallel_loop3A_451 = arith.constant 1 : i32
          %parallel_loop3A_452 = arith.index_cast %parallel_loop3A_451 : i32 to index
          %parallel_loop3A_453 = arith.index_cast %parallel_loop3A_448 : i32 to index
          %parallel_loop3A_454 = arith.index_cast %parallel_loop3A_450 : i32 to index
          %parallel_loop3A_455 = tpu.vector_load %arg7[%parallel_loop3A_452, %parallel_loop3A_453, %parallel_loop3A_454] {strides = array<i32>} : memref<2x160x128xf32, #tpu.memory_space<vmem>>, vector<16xf32>,
          tpu.vector_store %arg7[%parallel_loop3A_452, %parallel_loop3A_453, %parallel_loop3A_454], %parallel_loop3A_446 {strides = array<i32>} : memref<2x160x128xf32, #tpu.memory_space<vmem>>, vector<16xf32>,
          %parallel_loop3A_456 = arith.constant 19 : i32
          %parallel_loop3A_457 = vector.broadcast %parallel_loop3A_456 : i32 to vector<16xi32>
          %parallel_loop3A_458 = arith.addi %parallel_loop3A_182, %parallel_loop3A_457 : vector<16xi32>
          %parallel_loop3A_459 = tpu.vector_load_idx %arg5[%parallel_loop3A_458] : memref<4096xf32, #tpu.memory_space<vmem>>[vector<16xi32>], vector<16xf32>,
          %parallel_loop3A_460 = arith.constant 19 : i32
          %parallel_loop3A_461 = arith.addi %parallel_loop3A_208, %parallel_loop3A_460 : i32
          %parallel_loop3A_462 = arith.constant 16 : i32
          %parallel_loop3A_463 = arith.muli %parallel_loop3A_168, %parallel_loop3A_462 : i32
          %parallel_loop3A_464 = arith.constant 1 : i32
          %parallel_loop3A_465 = arith.index_cast %parallel_loop3A_464 : i32 to index
          %parallel_loop3A_466 = arith.index_cast %parallel_loop3A_461 : i32 to index
          %parallel_loop3A_467 = arith.index_cast %parallel_loop3A_463 : i32 to index
          %parallel_loop3A_468 = tpu.vector_load %arg7[%parallel_loop3A_465, %parallel_loop3A_466, %parallel_loop3A_467] {strides = array<i32>} : memref<2x160x128xf32, #tpu.memory_space<vmem>>, vector<16xf32>,
          tpu.vector_store %arg7[%parallel_loop3A_465, %parallel_loop3A_466, %parallel_loop3A_467], %parallel_loop3A_459 {strides = array<i32>} : memref<2x160x128xf32, #tpu.memory_space<vmem>>, vector<16xf32>,
          %parallel_loop3A_469 = arith.constant 20 : i32
          %parallel_loop3A_470 = vector.broadcast %parallel_loop3A_469 : i32 to vector<16xi32>
          %parallel_loop3A_471 = arith.addi %parallel_loop3A_182, %parallel_loop3A_470 : vector<16xi32>
          %parallel_loop3A_472 = tpu.vector_load_idx %arg5[%parallel_loop3A_471] : memref<4096xf32, #tpu.memory_space<vmem>>[vector<16xi32>], vector<16xf32>,
          %parallel_loop3A_473 = arith.constant 20 : i32
          %parallel_loop3A_474 = arith.addi %parallel_loop3A_208, %parallel_loop3A_473 : i32
          %parallel_loop3A_475 = arith.constant 16 : i32
          %parallel_loop3A_476 = arith.muli %parallel_loop3A_168, %parallel_loop3A_475 : i32
          %parallel_loop3A_477 = arith.constant 1 : i32
          %parallel_loop3A_478 = arith.index_cast %parallel_loop3A_477 : i32 to index
          %parallel_loop3A_479 = arith.index_cast %parallel_loop3A_474 : i32 to index
          %parallel_loop3A_480 = arith.index_cast %parallel_loop3A_476 : i32 to index
          %parallel_loop3A_481 = tpu.vector_load %arg7[%parallel_loop3A_478, %parallel_loop3A_479, %parallel_loop3A_480] {strides = array<i32>} : memref<2x160x128xf32, #tpu.memory_space<vmem>>, vector<16xf32>,
          tpu.vector_store %arg7[%parallel_loop3A_478, %parallel_loop3A_479, %parallel_loop3A_480], %parallel_loop3A_472 {strides = array<i32>} : memref<2x160x128xf32, #tpu.memory_space<vmem>>, vector<16xf32>,
          %parallel_loop3A_482 = arith.constant 21 : i32
          %parallel_loop3A_483 = vector.broadcast %parallel_loop3A_482 : i32 to vector<16xi32>
          %parallel_loop3A_484 = arith.addi %parallel_loop3A_182, %parallel_loop3A_483 : vector<16xi32>
          %parallel_loop3A_485 = tpu.vector_load_idx %arg5[%parallel_loop3A_484] : memref<4096xf32, #tpu.memory_space<vmem>>[vector<16xi32>], vector<16xf32>,
          %parallel_loop3A_486 = arith.constant 21 : i32
          %parallel_loop3A_487 = arith.addi %parallel_loop3A_208, %parallel_loop3A_486 : i32
          %parallel_loop3A_488 = arith.constant 16 : i32
          %parallel_loop3A_489 = arith.muli %parallel_loop3A_168, %parallel_loop3A_488 : i32
          %parallel_loop3A_490 = arith.constant 1 : i32
          %parallel_loop3A_491 = arith.index_cast %parallel_loop3A_490 : i32 to index
          %parallel_loop3A_492 = arith.index_cast %parallel_loop3A_487 : i32 to index
          %parallel_loop3A_493 = arith.index_cast %parallel_loop3A_489 : i32 to index
          %parallel_loop3A_494 = tpu.vector_load %arg7[%parallel_loop3A_491, %parallel_loop3A_492, %parallel_loop3A_493] {strides = array<i32>} : memref<2x160x128xf32, #tpu.memory_space<vmem>>, vector<16xf32>,
          tpu.vector_store %arg7[%parallel_loop3A_491, %parallel_loop3A_492, %parallel_loop3A_493], %parallel_loop3A_485 {strides = array<i32>} : memref<2x160x128xf32, #tpu.memory_space<vmem>>, vector<16xf32>,
          %parallel_loop3A_495 = arith.constant 22 : i32
          %parallel_loop3A_496 = vector.broadcast %parallel_loop3A_495 : i32 to vector<16xi32>
          %parallel_loop3A_497 = arith.addi %parallel_loop3A_182, %parallel_loop3A_496 : vector<16xi32>
          %parallel_loop3A_498 = tpu.vector_load_idx %arg5[%parallel_loop3A_497] : memref<4096xf32, #tpu.memory_space<vmem>>[vector<16xi32>], vector<16xf32>,
          %parallel_loop3A_499 = arith.constant 22 : i32
          %parallel_loop3A_500 = arith.addi %parallel_loop3A_208, %parallel_loop3A_499 : i32
          %parallel_loop3A_501 = arith.constant 16 : i32
          %parallel_loop3A_502 = arith.muli %parallel_loop3A_168, %parallel_loop3A_501 : i32
          %parallel_loop3A_503 = arith.constant 1 : i32
          %parallel_loop3A_504 = arith.index_cast %parallel_loop3A_503 : i32 to index
          %parallel_loop3A_505 = arith.index_cast %parallel_loop3A_500 : i32 to index
          %parallel_loop3A_506 = arith.index_cast %parallel_loop3A_502 : i32 to index
          %parallel_loop3A_507 = tpu.vector_load %arg7[%parallel_loop3A_504, %parallel_loop3A_505, %parallel_loop3A_506] {strides = array<i32>} : memref<2x160x128xf32, #tpu.memory_space<vmem>>, vector<16xf32>,
          tpu.vector_store %arg7[%parallel_loop3A_504, %parallel_loop3A_505, %parallel_loop3A_506], %parallel_loop3A_498 {strides = array<i32>} : memref<2x160x128xf32, #tpu.memory_space<vmem>>, vector<16xf32>,
          %parallel_loop3A_508 = arith.constant 23 : i32
          %parallel_loop3A_509 = vector.broadcast %parallel_loop3A_508 : i32 to vector<16xi32>
          %parallel_loop3A_510 = arith.addi %parallel_loop3A_182, %parallel_loop3A_509 : vector<16xi32>
          %parallel_loop3A_511 = tpu.vector_load_idx %arg5[%parallel_loop3A_510] : memref<4096xf32, #tpu.memory_space<vmem>>[vector<16xi32>], vector<16xf32>,
          %parallel_loop3A_512 = arith.constant 23 : i32
          %parallel_loop3A_513 = arith.addi %parallel_loop3A_208, %parallel_loop3A_512 : i32
          %parallel_loop3A_514 = arith.constant 16 : i32
          %parallel_loop3A_515 = arith.muli %parallel_loop3A_168, %parallel_loop3A_514 : i32
          %parallel_loop3A_516 = arith.constant 1 : i32
          %parallel_loop3A_517 = arith.index_cast %parallel_loop3A_516 : i32 to index
          %parallel_loop3A_518 = arith.index_cast %parallel_loop3A_513 : i32 to index
          %parallel_loop3A_519 = arith.index_cast %parallel_loop3A_515 : i32 to index
          %parallel_loop3A_520 = tpu.vector_load %arg7[%parallel_loop3A_517, %parallel_loop3A_518, %parallel_loop3A_519] {strides = array<i32>} : memref<2x160x128xf32, #tpu.memory_space<vmem>>, vector<16xf32>,
          tpu.vector_store %arg7[%parallel_loop3A_517, %parallel_loop3A_518, %parallel_loop3A_519], %parallel_loop3A_511 {strides = array<i32>} : memref<2x160x128xf32, #tpu.memory_space<vmem>>, vector<16xf32>,
          %parallel_loop3A_521 = arith.constant 24 : i32
          %parallel_loop3A_522 = vector.broadcast %parallel_loop3A_521 : i32 to vector<16xi32>
          %parallel_loop3A_523 = arith.addi %parallel_loop3A_182, %parallel_loop3A_522 : vector<16xi32>
          %parallel_loop3A_524 = tpu.vector_load_idx %arg5[%parallel_loop3A_523] : memref<4096xf32, #tpu.memory_space<vmem>>[vector<16xi32>], vector<16xf32>,
          %parallel_loop3A_525 = arith.constant 24 : i32
          %parallel_loop3A_526 = arith.addi %parallel_loop3A_208, %parallel_loop3A_525 : i32
          %parallel_loop3A_527 = arith.constant 16 : i32
          %parallel_loop3A_528 = arith.muli %parallel_loop3A_168, %parallel_loop3A_527 : i32
          %parallel_loop3A_529 = arith.constant 1 : i32
          %parallel_loop3A_530 = arith.index_cast %parallel_loop3A_529 : i32 to index
          %parallel_loop3A_531 = arith.index_cast %parallel_loop3A_526 : i32 to index
          %parallel_loop3A_532 = arith.index_cast %parallel_loop3A_528 : i32 to index
          %parallel_loop3A_533 = tpu.vector_load %arg7[%parallel_loop3A_530, %parallel_loop3A_531, %parallel_loop3A_532] {strides = array<i32>} : memref<2x160x128xf32, #tpu.memory_space<vmem>>, vector<16xf32>,
          tpu.vector_store %arg7[%parallel_loop3A_530, %parallel_loop3A_531, %parallel_loop3A_532], %parallel_loop3A_524 {strides = array<i32>} : memref<2x160x128xf32, #tpu.memory_space<vmem>>, vector<16xf32>,
          %parallel_loop3A_534 = arith.constant 25 : i32
          %parallel_loop3A_535 = vector.broadcast %parallel_loop3A_534 : i32 to vector<16xi32>
          %parallel_loop3A_536 = arith.addi %parallel_loop3A_182, %parallel_loop3A_535 : vector<16xi32>
          %parallel_loop3A_537 = tpu.vector_load_idx %arg5[%parallel_loop3A_536] : memref<4096xf32, #tpu.memory_space<vmem>>[vector<16xi32>], vector<16xf32>,
          %parallel_loop3A_538 = arith.constant 25 : i32
          %parallel_loop3A_539 = arith.addi %parallel_loop3A_208, %parallel_loop3A_538 : i32
          %parallel_loop3A_540 = arith.constant 16 : i32
          %parallel_loop3A_541 = arith.muli %parallel_loop3A_168, %parallel_loop3A_540 : i32
          %parallel_loop3A_542 = arith.constant 1 : i32
          %parallel_loop3A_543 = arith.index_cast %parallel_loop3A_542 : i32 to index
          %parallel_loop3A_544 = arith.index_cast %parallel_loop3A_539 : i32 to index
          %parallel_loop3A_545 = arith.index_cast %parallel_loop3A_541 : i32 to index
          %parallel_loop3A_546 = tpu.vector_load %arg7[%parallel_loop3A_543, %parallel_loop3A_544, %parallel_loop3A_545] {strides = array<i32>} : memref<2x160x128xf32, #tpu.memory_space<vmem>>, vector<16xf32>,
          tpu.vector_store %arg7[%parallel_loop3A_543, %parallel_loop3A_544, %parallel_loop3A_545], %parallel_loop3A_537 {strides = array<i32>} : memref<2x160x128xf32, #tpu.memory_space<vmem>>, vector<16xf32>,
          %parallel_loop3A_547 = arith.constant 26 : i32
          %parallel_loop3A_548 = vector.broadcast %parallel_loop3A_547 : i32 to vector<16xi32>
          %parallel_loop3A_549 = arith.addi %parallel_loop3A_182, %parallel_loop3A_548 : vector<16xi32>
          %parallel_loop3A_550 = tpu.vector_load_idx %arg5[%parallel_loop3A_549] : memref<4096xf32, #tpu.memory_space<vmem>>[vector<16xi32>], vector<16xf32>,
          %parallel_loop3A_551 = arith.constant 26 : i32
          %parallel_loop3A_552 = arith.addi %parallel_loop3A_208, %parallel_loop3A_551 : i32
          %parallel_loop3A_553 = arith.constant 16 : i32
          %parallel_loop3A_554 = arith.muli %parallel_loop3A_168, %parallel_loop3A_553 : i32
          %parallel_loop3A_555 = arith.constant 1 : i32
          %parallel_loop3A_556 = arith.index_cast %parallel_loop3A_555 : i32 to index
          %parallel_loop3A_557 = arith.index_cast %parallel_loop3A_552 : i32 to index
          %parallel_loop3A_558 = arith.index_cast %parallel_loop3A_554 : i32 to index
          %parallel_loop3A_559 = tpu.vector_load %arg7[%parallel_loop3A_556, %parallel_loop3A_557, %parallel_loop3A_558] {strides = array<i32>} : memref<2x160x128xf32, #tpu.memory_space<vmem>>, vector<16xf32>,
          tpu.vector_store %arg7[%parallel_loop3A_556, %parallel_loop3A_557, %parallel_loop3A_558], %parallel_loop3A_550 {strides = array<i32>} : memref<2x160x128xf32, #tpu.memory_space<vmem>>, vector<16xf32>,
          %parallel_loop3A_560 = arith.constant 27 : i32
          %parallel_loop3A_561 = vector.broadcast %parallel_loop3A_560 : i32 to vector<16xi32>
          %parallel_loop3A_562 = arith.addi %parallel_loop3A_182, %parallel_loop3A_561 : vector<16xi32>
          %parallel_loop3A_563 = tpu.vector_load_idx %arg5[%parallel_loop3A_562] : memref<4096xf32, #tpu.memory_space<vmem>>[vector<16xi32>], vector<16xf32>,
          %parallel_loop3A_564 = arith.constant 27 : i32
          %parallel_loop3A_565 = arith.addi %parallel_loop3A_208, %parallel_loop3A_564 : i32
          %parallel_loop3A_566 = arith.constant 16 : i32
          %parallel_loop3A_567 = arith.muli %parallel_loop3A_168, %parallel_loop3A_566 : i32
          %parallel_loop3A_568 = arith.constant 1 : i32
          %parallel_loop3A_569 = arith.index_cast %parallel_loop3A_568 : i32 to index
          %parallel_loop3A_570 = arith.index_cast %parallel_loop3A_565 : i32 to index
          %parallel_loop3A_571 = arith.index_cast %parallel_loop3A_567 : i32 to index
          %parallel_loop3A_572 = tpu.vector_load %arg7[%parallel_loop3A_569, %parallel_loop3A_570, %parallel_loop3A_571] {strides = array<i32>} : memref<2x160x128xf32, #tpu.memory_space<vmem>>, vector<16xf32>,
          tpu.vector_store %arg7[%parallel_loop3A_569, %parallel_loop3A_570, %parallel_loop3A_571], %parallel_loop3A_563 {strides = array<i32>} : memref<2x160x128xf32, #tpu.memory_space<vmem>>, vector<16xf32>,
          %parallel_loop3A_573 = arith.constant 28 : i32
          %parallel_loop3A_574 = vector.broadcast %parallel_loop3A_573 : i32 to vector<16xi32>
          %parallel_loop3A_575 = arith.addi %parallel_loop3A_182, %parallel_loop3A_574 : vector<16xi32>
          %parallel_loop3A_576 = tpu.vector_load_idx %arg5[%parallel_loop3A_575] : memref<4096xf32, #tpu.memory_space<vmem>>[vector<16xi32>], vector<16xf32>,
          %parallel_loop3A_577 = arith.constant 28 : i32
          %parallel_loop3A_578 = arith.addi %parallel_loop3A_208, %parallel_loop3A_577 : i32
          %parallel_loop3A_579 = arith.constant 16 : i32
          %parallel_loop3A_580 = arith.muli %parallel_loop3A_168, %parallel_loop3A_579 : i32
          %parallel_loop3A_581 = arith.constant 1 : i32
          %parallel_loop3A_582 = arith.index_cast %parallel_loop3A_581 : i32 to index
          %parallel_loop3A_583 = arith.index_cast %parallel_loop3A_578 : i32 to index
          %parallel_loop3A_584 = arith.index_cast %parallel_loop3A_580 : i32 to index
          %parallel_loop3A_585 = tpu.vector_load %arg7[%parallel_loop3A_582, %parallel_loop3A_583, %parallel_loop3A_584] {strides = array<i32>} : memref<2x160x128xf32, #tpu.memory_space<vmem>>, vector<16xf32>,
          tpu.vector_store %arg7[%parallel_loop3A_582, %parallel_loop3A_583, %parallel_loop3A_584], %parallel_loop3A_576 {strides = array<i32>} : memref<2x160x128xf32, #tpu.memory_space<vmem>>, vector<16xf32>,
          %parallel_loop3A_586 = arith.constant 29 : i32
          %parallel_loop3A_587 = vector.broadcast %parallel_loop3A_586 : i32 to vector<16xi32>
          %parallel_loop3A_588 = arith.addi %parallel_loop3A_182, %parallel_loop3A_587 : vector<16xi32>
          %parallel_loop3A_589 = tpu.vector_load_idx %arg5[%parallel_loop3A_588] : memref<4096xf32, #tpu.memory_space<vmem>>[vector<16xi32>], vector<16xf32>,
          %parallel_loop3A_590 = arith.constant 29 : i32
          %parallel_loop3A_591 = arith.addi %parallel_loop3A_208, %parallel_loop3A_590 : i32
          %parallel_loop3A_592 = arith.constant 16 : i32
          %parallel_loop3A_593 = arith.muli %parallel_loop3A_168, %parallel_loop3A_592 : i32
          %parallel_loop3A_594 = arith.constant 1 : i32
          %parallel_loop3A_595 = arith.index_cast %parallel_loop3A_594 : i32 to index
          %parallel_loop3A_596 = arith.index_cast %parallel_loop3A_591 : i32 to index
          %parallel_loop3A_597 = arith.index_cast %parallel_loop3A_593 : i32 to index
          %parallel_loop3A_598 = tpu.vector_load %arg7[%parallel_loop3A_595, %parallel_loop3A_596, %parallel_loop3A_597] {strides = array<i32>} : memref<2x160x128xf32, #tpu.memory_space<vmem>>, vector<16xf32>,
          tpu.vector_store %arg7[%parallel_loop3A_595, %parallel_loop3A_596, %parallel_loop3A_597], %parallel_loop3A_589 {strides = array<i32>} : memref<2x160x128xf32, #tpu.memory_space<vmem>>, vector<16xf32>,
          %parallel_loop3A_599 = arith.constant 30 : i32
          %parallel_loop3A_600 = vector.broadcast %parallel_loop3A_599 : i32 to vector<16xi32>
          %parallel_loop3A_601 = arith.addi %parallel_loop3A_182, %parallel_loop3A_600 : vector<16xi32>
          %parallel_loop3A_602 = tpu.vector_load_idx %arg5[%parallel_loop3A_601] : memref<4096xf32, #tpu.memory_space<vmem>>[vector<16xi32>], vector<16xf32>,
          %parallel_loop3A_603 = arith.constant 30 : i32
          %parallel_loop3A_604 = arith.addi %parallel_loop3A_208, %parallel_loop3A_603 : i32
          %parallel_loop3A_605 = arith.constant 16 : i32
          %parallel_loop3A_606 = arith.muli %parallel_loop3A_168, %parallel_loop3A_605 : i32
          %parallel_loop3A_607 = arith.constant 1 : i32
          %parallel_loop3A_608 = arith.index_cast %parallel_loop3A_607 : i32 to index
          %parallel_loop3A_609 = arith.index_cast %parallel_loop3A_604 : i32 to index
          %parallel_loop3A_610 = arith.index_cast %parallel_loop3A_606 : i32 to index
          %parallel_loop3A_611 = tpu.vector_load %arg7[%parallel_loop3A_608, %parallel_loop3A_609, %parallel_loop3A_610] {strides = array<i32>} : memref<2x160x128xf32, #tpu.memory_space<vmem>>, vector<16xf32>,
          tpu.vector_store %arg7[%parallel_loop3A_608, %parallel_loop3A_609, %parallel_loop3A_610], %parallel_loop3A_602 {strides = array<i32>} : memref<2x160x128xf32, #tpu.memory_space<vmem>>, vector<16xf32>,
          %parallel_loop3A_612 = arith.constant 31 : i32
          %parallel_loop3A_613 = vector.broadcast %parallel_loop3A_612 : i32 to vector<16xi32>
          %parallel_loop3A_614 = arith.addi %parallel_loop3A_182, %parallel_loop3A_613 : vector<16xi32>
          %parallel_loop3A_615 = tpu.vector_load_idx %arg5[%parallel_loop3A_614] : memref<4096xf32, #tpu.memory_space<vmem>>[vector<16xi32>], vector<16xf32>,
          %parallel_loop3A_616 = arith.constant 31 : i32
          %parallel_loop3A_617 = arith.addi %parallel_loop3A_208, %parallel_loop3A_616 : i32
          %parallel_loop3A_618 = arith.constant 16 : i32
          %parallel_loop3A_619 = arith.muli %parallel_loop3A_168, %parallel_loop3A_618 : i32
          %parallel_loop3A_620 = arith.constant 1 : i32
          %parallel_loop3A_621 = arith.index_cast %parallel_loop3A_620 : i32 to index
          %parallel_loop3A_622 = arith.index_cast %parallel_loop3A_617 : i32 to index
          %parallel_loop3A_623 = arith.index_cast %parallel_loop3A_619 : i32 to index
          %parallel_loop3A_624 = tpu.vector_load %arg7[%parallel_loop3A_621, %parallel_loop3A_622, %parallel_loop3A_623] {strides = array<i32>} : memref<2x160x128xf32, #tpu.memory_space<vmem>>, vector<16xf32>,
          tpu.vector_store %arg7[%parallel_loop3A_621, %parallel_loop3A_622, %parallel_loop3A_623], %parallel_loop3A_615 {strides = array<i32>} : memref<2x160x128xf32, #tpu.memory_space<vmem>>, vector<16xf32>,
        } {sc.loop_unroll_factor = 1 : i64, sc.parallel_access}
        %mul3A_106 = arith.constant 160 : i32
        %mul3A_107 = arith.muli %add3A_94, %mul3A_106 : i32
        %mul3A_108 = arith.constant 128 : i32
        %mul3A_109 = arith.muli %add3A_56, %mul3A_108 : i32
        %add3A_110 = arith.addi %mul3A_2, %mul3A_109 : i32
        %dma_start3A_111 = arith.constant 1 : i32
        %dma_start3A_112 = arith.constant 1 : i32
        %dma_start3A_113 = arith.constant 0 : i32
        %dma_start3A_114 = arith.constant 0 : i32
        %dma_start3A_115 = tpu.memref_slice %arg7[%dma_start3A_111, %dma_start3A_113, %dma_start3A_114] : memref<2x160x128xf32, #tpu.memory_space<vmem>> -> memref<1x160x128xf32, #tpu.memory_space<vmem>>
        %dma_start3A_116 = tpu.memref_squeeze %dma_start3A_115 : memref<1x160x128xf32, #tpu.memory_space<vmem>> -> memref<160x128xf32, #tpu.memory_space<vmem>>
        %dma_start3A_117 = tpu.memref_slice %arg4[%mul3A_107, %add3A_110] : memref<1600x16384xf32, #tpu.memory_space<hbm>> -> memref<160x128xf32, #tpu.memory_space<hbm>>
        %dma_start3A_118 = tpu.memref_slice %arg10[%dma_start3A_112] : memref<2x!tpu.dma_semaphore, #tpu.memory_space<semaphore_mem>> -> memref<1x!tpu.dma_semaphore, #tpu.memory_space<semaphore_mem>>
        %dma_start3A_119 = tpu.memref_squeeze %dma_start3A_118 : memref<1x!tpu.dma_semaphore, #tpu.memory_space<semaphore_mem>> -> memref<!tpu.dma_semaphore, #tpu.memory_space<semaphore_mem>>
        %dma_start3A_120 = tpu.memref_slice %arg4[%mul3A_107, %add3A_110] : memref<1600x16384xf32, #tpu.memory_space<hbm>> -> memref<160x128xf32, #tpu.memory_space<hbm>>
        %dma_start3A_121 = arith.constant 0 : i32
        %dma_start3A_122 = arith.constant 0 : i32
        %dma_start3A_123 = tpu.memref_slice %arg7[%dma_start3A_111, %dma_start3A_121, %dma_start3A_122] : memref<2x160x128xf32, #tpu.memory_space<vmem>> -> memref<1x160x128xf32, #tpu.memory_space<vmem>>
        %dma_start3A_124 = tpu.memref_squeeze %dma_start3A_123 : memref<1x160x128xf32, #tpu.memory_space<vmem>> -> memref<160x128xf32, #tpu.memory_space<vmem>>
        tpu.enqueue_dma source(%dma_start3A_124 : memref<160x128xf32, #tpu.memory_space<vmem>>) target(%dma_start3A_120 : memref<160x128xf32, #tpu.memory_space<hbm>>) target_semaphore(%dma_start3A_119 : memref<!tpu.dma_semaphore, #tpu.memory_space<semaphore_mem>>)
      }
      %scan3A_61 = arith.constant 5 : i32
    }
    %scan3A_15 = arith.constant 4 : i32
    %add3A_16 = arith.constant 384 : i32
    %add3A_17 = arith.addi %mul3A_2, %add3A_16 : i32
    %dma_wait3A_18 = arith.constant 0 : i32
    %dma_wait3A_19 = arith.constant 0 : i32
    %dma_wait3A_20 = arith.constant 0 : i32
    %dma_wait3A_21 = arith.constant 0 : i32
    %dma_wait3A_22 = tpu.memref_slice %arg7[%dma_wait3A_18, %dma_wait3A_20, %dma_wait3A_21] : memref<2x160x128xf32, #tpu.memory_space<vmem>> -> memref<1x160x128xf32, #tpu.memory_space<vmem>>
    %dma_wait3A_23 = tpu.memref_squeeze %dma_wait3A_22 : memref<1x160x128xf32, #tpu.memory_space<vmem>> -> memref<160x128xf32, #tpu.memory_space<vmem>>
    %dma_wait3A_24 = arith.constant 1280 : i32
    %dma_wait3A_25 = tpu.memref_slice %arg4[%dma_wait3A_24, %add3A_17] : memref<1600x16384xf32, #tpu.memory_space<hbm>> -> memref<160x128xf32, #tpu.memory_space<hbm>>
    %dma_wait3A_26 = tpu.memref_slice %arg10[%dma_wait3A_19] : memref<2x!tpu.dma_semaphore, #tpu.memory_space<semaphore_mem>> -> memref<1x!tpu.dma_semaphore, #tpu.memory_space<semaphore_mem>>
    %dma_wait3A_27 = tpu.memref_squeeze %dma_wait3A_26 : memref<1x!tpu.dma_semaphore, #tpu.memory_space<semaphore_mem>> -> memref<!tpu.dma_semaphore, #tpu.memory_space<semaphore_mem>>
    %dma_wait3A_28 = arith.constant 1280 : i32
    %dma_wait3A_29 = tpu.memref_slice %arg4[%dma_wait3A_28, %add3A_17] : memref<1600x16384xf32, #tpu.memory_space<hbm>> -> memref<160x128xf32, #tpu.memory_space<hbm>>
    %dma_wait3A_30 = arith.constant 0 : i32
    %dma_wait3A_31 = arith.constant 0 : i32
    %dma_wait3A_32 = tpu.memref_slice %arg7[%dma_wait3A_18, %dma_wait3A_30, %dma_wait3A_31] : memref<2x160x128xf32, #tpu.memory_space<vmem>> -> memref<1x160x128xf32, #tpu.memory_space<vmem>>
    %dma_wait3A_33 = tpu.memref_squeeze %dma_wait3A_32 : memref<1x160x128xf32, #tpu.memory_space<vmem>> -> memref<160x128xf32, #tpu.memory_space<vmem>>
    tpu.wait_dma2 semaphore(%dma_wait3A_27 : memref<!tpu.dma_semaphore, #tpu.memory_space<semaphore_mem>>) src(%dma_wait3A_33 : memref<160x128xf32, #tpu.memory_space<vmem>>) dst(%dma_wait3A_29 : memref<160x128xf32, #tpu.memory_space<hbm>>)
    %add3A_34 = arith.constant 384 : i32
    %add3A_35 = arith.addi %mul3A_2, %add3A_34 : i32
    %dma_wait3A_36 = arith.constant 1 : i32
    %dma_wait3A_37 = arith.constant 1 : i32
    %dma_wait3A_38 = arith.constant 0 : i32
    %dma_wait3A_39 = arith.constant 0 : i32
    %dma_wait3A_40 = tpu.memref_slice %arg7[%dma_wait3A_36, %dma_wait3A_38, %dma_wait3A_39] : memref<2x160x128xf32, #tpu.memory_space<vmem>> -> memref<1x160x128xf32, #tpu.memory_space<vmem>>
    %dma_wait3A_41 = tpu.memref_squeeze %dma_wait3A_40 : memref<1x160x128xf32, #tpu.memory_space<vmem>> -> memref<160x128xf32, #tpu.memory_space<vmem>>
    %dma_wait3A_42 = arith.constant 1440 : i32
    %dma_wait3A_43 = tpu.memref_slice %arg4[%dma_wait3A_42, %add3A_35] : memref<1600x16384xf32, #tpu.memory_space<hbm>> -> memref<160x128xf32, #tpu.memory_space<hbm>>
    %dma_wait3A_44 = tpu.memref_slice %arg10[%dma_wait3A_37] : memref<2x!tpu.dma_semaphore, #tpu.memory_space<semaphore_mem>> -> memref<1x!tpu.dma_semaphore, #tpu.memory_space<semaphore_mem>>
    %dma_wait3A_45 = tpu.memref_squeeze %dma_wait3A_44 : memref<1x!tpu.dma_semaphore, #tpu.memory_space<semaphore_mem>> -> memref<!tpu.dma_semaphore, #tpu.memory_space<semaphore_mem>>
    %dma_wait3A_46 = arith.constant 1440 : i32
    %dma_wait3A_47 = tpu.memref_slice %arg4[%dma_wait3A_46, %add3A_35] : memref<1600x16384xf32, #tpu.memory_space<hbm>> -> memref<160x128xf32, #tpu.memory_space<hbm>>
    %dma_wait3A_48 = arith.constant 0 : i32
    %dma_wait3A_49 = arith.constant 0 : i32
    %dma_wait3A_50 = tpu.memref_slice %arg7[%dma_wait3A_36, %dma_wait3A_48, %dma_wait3A_49] : memref<2x160x128xf32, #tpu.memory_space<vmem>> -> memref<1x160x128xf32, #tpu.memory_space<vmem>>
    %dma_wait3A_51 = tpu.memref_squeeze %dma_wait3A_50 : memref<1x160x128xf32, #tpu.memory_space<vmem>> -> memref<160x128xf32, #tpu.memory_space<vmem>>
    tpu.wait_dma2 semaphore(%dma_wait3A_45 : memref<!tpu.dma_semaphore, #tpu.memory_space<semaphore_mem>>) src(%dma_wait3A_51 : memref<160x128xf32, #tpu.memory_space<vmem>>) dst(%dma_wait3A_47 : memref<160x128xf32, #tpu.memory_space<hbm>>)
    return
  }
}

</mosaic_0001>

<sc_bundles>
// kernel: kernel.3.cloned.1.call-start
scs
__scs_entry_jumppad:
0x0: {  	(pc) =	sbr.rel $0x88, $3  }
0x1: {  	(tag) =	ssettag $0x0;
	lr =	simm.s32 $0x1  }
0x2: {  	[smem:$0x3F9F] =	sst lr;
	_ =	strace $0xD0000000  }
0x3: {  	_ = 	snop  }
0x4: {  	_ = 	snop  }
0x5: {  	_ = 	snop  }
0x6: {  	_ = 	snop  }
0x7: {  	_ = 	snop  }
__scs_overlays_trampoline_lowered:
0x8: {  	[smem:$0x3FAE] =	sst s0  }
0x9: {  	[smem:$0x3FAF] =	sst s1  }
0xa: {  	[smem:$0x3FB0] =	sst s2  }
0xb: {  	[smem:$0x3FB1] =	sst s3  }
0xc: {  	[smem:$0x3FB2] =	sst s4  }
0xd: {  	[smem:$0x3FB3] =	sst s5  }
0xe: {  	[smem:$0x3FB4] =	sst s6  }
0xf: {  	[smem:$0x3FB5] =	sst s7  }
0x10: {  	[smem:$0x3FB6] =	sst s8  }
0x11: {  	[smem:$0x3FB7] =	sst s9;
	s0 =	simm.s32 @!p0 $0x0  }
0x12: {  	s1 =	sld [smem:$0x3F9D];
	s0 =	simm.s32 @p0 $0x1  }
0x13: {  	[smem:$0x3FB8] =	sst s0;
	s0 =	simm.s32 @!p1 $0x0  }
0x14: {  	s2 =	sld [smem:$0x3F9C];
	s0 =	simm.s32 @p1 $0x1  }
0x15: {  	[smem:$0x3FB9] =	sst s0;
	s0 =	simm.s32 @!p2 $0x0  }
0x16: {  	s3 =	sld [smem:$0x3FDB];
	s0 =	simm.s32 @p2 $0x1  }
0x17: {  	s4 =	simm.s32 $0x1BF5;
	[smem:$0x3FBB] =	sst s0  }
0x18: {  	s0 =	sld [smem:$0x3F9E];
	_ =	swait.ge [sflag:s4], $0x0  }
0x19: {  	s7 =	sld [smem:$0x3F9F]  }
0x1a: {  	s8 =	sadd.s32 $0xFFFFE003, lr  }
0x1b: {  	s9 =	sadd.s32 $0xFFFFFEF7, lr;
	s5 =	simm.s32 $0xFFFFFFFF;
	p2 =	slt.u32 s8, $0xFFFFF086  }
0x1c: {  	p1 =	slt.u32 s9, $0xF7A;
	s5 =	simm.s32 @!p2 $0x0  }
0x1d: {  	s5 =	simm.s32 @p1 $0x1;
	p0 =	seq.s32 s7, s2  }
0x1e: {  	s7 =	smul.u32 @!p0 $0xF7A, s2;
	p2 =	seq.s32 @!p0 s5, $0x0  }
0x1f: {  	s9 =	smul.u32 $0xF7A, s1;
	s8 =	simm.s32 @!p0 $0x1BF5;
	p2 =	por !p2, p0  }
0x20: {  	[sflag:s8] =	ssyncset.s32 @!p0 $0xFFFFF086;
	s6 =	sadd.s32 @!p0 s3, s7;
	s7 =	simm.s32 @!p0 $0x108  }
0x21: {  	s3 =	sadd.s32 s3, s9;
	s6 =	sadd.s32 @!p0 $0x88, s6;
	s7 =	simm.s32 @p2 $0x1082  }
0x22: {  	[simem:s7], [sflag:s8] =	dma.local @!p0 [hbm:s6], $0xF7A  }
0x23: {  	s9 =	sor.u32 $0xD0000000, s2;
	s6 =	simm.s32 $0x108;
	_ =	swait.ge @!p0 [sflag:s8], $0x0  }
0x24: {  	s3 =	sadd.s32 $0x88, s3;
	s6 =	simm.s32 @!p1 $0x1082;
	[sflag:s4] =	ssyncset.s32 $0xFFFFF086  }
0x25: {  	[simem:s6], [sflag:s4] =	dma.local [hbm:s3], $0xF7A  }
0x26: {  	[smem:$0x3F9F] =	sst s1;
	(tag) =	ssettag s2;
	_ =	strace s9  }
0x27: {  	s1 =	sld [smem:$0x3FAF]  }
0x28: {  	s2 =	sld [smem:$0x3FB0]  }
0x29: {  	s4 =	sld [smem:$0x3FB2]  }
0x2a: {  	p0 =	seq.s32 s5, $0x0;
	s5 =	sld [smem:$0x3FB3]  }
0x2b: {  	s6 =	sld [smem:$0x3FB4]  }
0x2c: {  	s7 =	sld [smem:$0x3FB5]  }
0x2d: {  	s3 =	simm.s32 $0x108;
	s8 =	sld [smem:$0x3FB6]  }
0x2e: {  	s3 =	simm.s32 @!p0 $0x1082;
	s9 =	sld [smem:$0x3FB7]  }
0x2f: {  	lr =	sadd.s32 s0, s3;
	s0 =	sld [smem:$0x3FAE]  }
0x30: {  	s3 =	sld [smem:$0x3FB1]  }
0x31: {  	[smem:$0x3FBA] =	sst s10  }
0x32: {  	s10 =	sld [smem:$0x3FB8];
	_ =	sdelay $0x3  }
0x33: {  	p0 =	seq.s32 s10, $0x1;
	s10 =	sld [smem:$0x3FBA];
	_ =	sdelay $0x3  }
0x34: {  	[smem:$0x3FBA] =	sst s10  }
0x35: {  	s10 =	sld [smem:$0x3FB9];
	_ =	sdelay $0x3  }
0x36: {  	p1 =	seq.s32 s10, $0x1;
	s10 =	sld [smem:$0x3FBA];
	_ =	sdelay $0x3  }
0x37: {  	[smem:$0x3FBA] =	sst s10  }
0x38: {  	s10 =	sld [smem:$0x3FBB]  }
0x39: {  	_ = 	snop;
	(pc) =	sbr.ind lr, $3  }
0x3a: {  	_ = 	snop  }
0x3b: {  	_ = 	snop  }
0x3c: {  	p2 =	seq.s32 s10, $0x1;
	s10 =	sld [smem:$0x3FBA]  }
0x3d: {  	_ =	shalt  }
0x3e: {  	_ =	shalt  }
0x3f: {  	_ =	shalt  }
0x40: {  	_ =	shalt  }
0x41: {  	_ =	shalt  }
0x42: {  	_ =	shalt  }
0x43: {  	_ =	shalt  }
0x44: {  	_ =	shalt  }
0x45: {  	_ =	shalt  }
0x46: {  	_ =	shalt  }
0x47: {  	_ =	shalt  }
0x48: {  	_ =	shalt  }
0x49: {  	_ =	shalt  }
0x4a: {  	_ =	shalt  }
0x4b: {  	_ =	shalt  }
0x4c: {  	_ =	shalt  }
0x4d: {  	_ =	shalt  }
0x4e: {  	_ =	shalt  }
0x4f: {  	_ =	shalt  }
0x50: {  	_ =	shalt  }
0x51: {  	_ =	shalt  }
0x52: {  	_ =	shalt  }
0x53: {  	_ =	shalt  }
0x54: {  	_ =	shalt  }
0x55: {  	_ =	shalt  }
0x56: {  	_ =	shalt  }
0x57: {  	_ =	shalt  }
0x58: {  	_ =	shalt  }
0x59: {  	_ =	shalt  }
0x5a: {  	_ =	shalt  }
0x5b: {  	_ =	shalt  }
0x5c: {  	_ =	shalt  }
0x5d: {  	_ =	shalt  }
0x5e: {  	_ =	shalt  }
0x5f: {  	_ =	shalt  }
0x60: {  	_ =	shalt  }
0x61: {  	_ =	shalt  }
0x62: {  	_ =	shalt  }
0x63: {  	_ =	shalt  }
0x64: {  	_ =	shalt  }
0x65: {  	_ =	shalt  }
0x66: {  	_ =	shalt  }
0x67: {  	_ =	shalt  }
0x68: {  	_ =	shalt  }
0x69: {  	_ =	shalt  }
0x6a: {  	_ =	shalt  }
0x6b: {  	_ =	shalt  }
0x6c: {  	_ =	shalt  }
0x6d: {  	_ =	shalt  }
0x6e: {  	_ =	shalt  }
0x6f: {  	_ =	shalt  }
0x70: {  	_ =	shalt  }
0x71: {  	_ =	shalt  }
0x72: {  	_ =	shalt  }
0x73: {  	_ =	shalt  }
0x74: {  	_ =	shalt  }
0x75: {  	_ =	shalt  }
0x76: {  	_ =	shalt  }
0x77: {  	_ =	shalt  }
0x78: {  	_ =	shalt  }
0x79: {  	_ =	shalt  }
0x7a: {  	_ =	shalt  }
0x7b: {  	_ =	shalt  }
0x7c: {  	_ =	shalt  }
0x7d: {  	_ =	shalt  }
0x7e: {  	_ =	shalt  }
0x7f: {  	_ =	shalt  }
0x80: {  	_ =	shalt  }
0x81: {  	_ =	shalt  }
0x82: {  	_ =	shalt  }
0x83: {  	_ =	shalt  }
0x84: {  	_ =	shalt  }
0x85: {  	_ =	shalt  }
0x86: {  	_ =	shalt  }
0x87: {  	_ =	shalt  }
.Lfunc_end0:
.L_simem_size_0:
called_computation_lowered:
.L_overlay_start_0:
0x88: {  	s2 =	sld [smem:$0x3FD9]  }
0x89: {  	s3 =	sld [smem:$0x3FFE];
	_ =	sdelay $0x1  }
0x8a: {  	s1 =	srdreg.scid  }
0x8b: {  	s0 =	sand.u32 $0x1, s1  }
0x8c: {  	s17 =	sshll.u32 s0, $0xA;
	s2 =	sadd.s32 s3, s2  }
0x8d: {  	s2 =	sadd.s32 s2, s17  }
0x8e: {  	[smem:$0x3FC6] =	sst s2  }
0x8f: {  	_ = 	snop  }
0x90: {  	s2 =	sld [smem:$0x3FD0];
	(tm) =	ssettm $0x1  }
0x91: {  	s18 =	sld [smem:$0x3FFB];
	_ =	sdelay $0x3  }
0x92: {  	_ =	strace s18  }
0x93: {  	s3 =	sld [smem:$0x3FFC];
	_ =	sdelay $0x3  }
0x94: {  	_ =	strace s3  }
0x95: {  	s3 =	sld [smem:$0x3FFD];
	_ =	sdelay $0x3  }
0x96: {  	_ =	strace s3  }
0x97: {  	_ =	strace $0x8FFFFFFF  }
0x98: {  	s19 =	sld [smem:$0x3FDB];
	_ =	sdelay $0x1  }
0x99: {  	s4 =	simm.s32 $_scs_section_size  }
0x9a: {  	s5 =	simm.s32 $_size__tile_overlayer_lowered;
	s6 =	simm.s32 $_tile_overlayer_lowered  }
0x9b: {  	s22 =	simm.s32 $0x1BFF;
	s21 =	sshll.u32 s6, $0x1;
	s3 =	sadd.s32 s4, s19  }
0x9c: {  	s7 =	simm.s32 $0x0;
	s20 =	sshll.u32 s5, $0x1;
	s5 =	sadd.s32 s21, s3  }
0x9d: {  	[timem:s7], [sflag:s22] =	dma.local [hbm:s5], s20  }
0x9e: {  	_ =	swait.ge [sflag:s22], s20  }
0x9f: {  	s4 =	ssub.s32 $0x0, s20;
	[sflag:s22] =	ssyncset.done $0x0  }
0xa0: {  	[sflag:s22] =	ssyncadd.s32 s4;
	_ =	sdelay $0x1  }
0xa1: {  	s23 =	simm.s32 $0x1B8B  }
0xa2: {  	_ =	swait.ge [sflag:s23], $0x1  }
0xa3: {  	[sflag:s23] =	ssyncset.done $0x0  }
0xa4: {  	s25 =	simm.s32 $0x1B8E;
	s24 =	sld [smem:$0x3FFE];
	[sflag:s23] =	ssyncadd.s32 $0xFFFFFFFF  }
0xa5: {  	s26 =	simm.s32 $execute0_lowered;
	[smem:$0x3FD2] =	sst s25  }
0xa6: {  	s5 =	sshll.u32 s26, $0x1;
	_ =	strace $0x80000046;
	[dreg:$0x1] =	wrdreg $0xFFFFFFFF  }
0xa7: {  	s28 =	simm.s32 $_size_execute0_lowered;
	s3 =	sadd.s32 s3, s5;
	[dreg:$0x0] =	wrdreg $0x0  }
0xa8: {  	s5 =	sshll.u32 s28, $0x1;
	[dreg:$0x2] =	wrdreg s3  }
0xa9: {  	[dreg:$0x3] =	wrdreg s5  }
0xaa: {  	[dreg:$0x4] =	wrdreg $0xC0  }
0xab: {  	_ =	task [dreg:s7], $0x5FFFF  }
0xac: {  	[dreg:$0x1] =	wrdreg $0xFFFFFFFF  }
0xad: {  	[dreg:$0x0] =	wrdreg $0x60  }
0xae: {  	[dreg:$0x2] =	wrdreg s24  }
0xaf: {  	[dreg:$0x3] =	wrdreg s2  }
0xb0: {  	[dreg:$0x4] =	wrdreg $0x9  }
0xb1: {  	_ =	task.clear_ibuf [dreg:s7], $0x5FFFF;
	_ =	strace $0x90000046  }
0xb2: {  	s29 =	simm.s32 $0x9;
	_ =	strace $0x80000048  }
0xb3: {  	_ =	swait.ge [sflag:s29], $0x1  }
0xb4: {  	[sflag:s29] =	ssyncadd.s32 $0xFFFFFFFF  }
0xb5: {  	_ =	strace $0x90000048  }
0xb6: {  	_ =	sfence  }
0xb7: {  	s30 =	sld [smem:$0x0];
	_ =	sdelay $0x2  }
0xb8: {  	s31 =	sshll.u32 s1, $0xD;
	s1 =	sshrl.u32 s1, $0x2  }
0xb9: {  	s3 =	sand.u32 $0x4000, s31;
	s1 =	sadd.s32 s1, s30  }
0xba: {  	s0 =	sor.u32 s3, s0;
	s1 =	sshll.u32 s1, $0x11  }
0xbb: {  	s0 =	sor.u32 s1, s0  }
0xbc: {  	s0 =	sadd.s32 $0x8F2B, s0  }
0xbd: {  	[sflag:s0] =	ssyncadd.remote.s32 $0x1  }
0xbe: {  	_ =	sfence.sel $0xFFFF  }
0xbf: {  	[dreg:$0x0] =	wrdreg $0xFFFFFFFF;
	(pc) =	sbr.abs _section_cstart, $3  }
0xc0: {  	[dreg:$0x1] =	wrdreg $0xFFFFFFFF  }
0xc1: {  	_ =	task.clear_ibuf [dreg:s7], $0x2FFFF;
	_ =	strace $0x9FFFFFFF  }
0xc2: {  	(tm) =	ssettm $0x7FFFFFFF  }
0xc3: {  	_ =	shalt  }
tec
execute0_lowered:
.L_overlay_start_1:
0x0: {  	(tag) =	ssettag $0x1  }
0x1: {  	s0 =	srdreg.scid  }
0x2: {  	s2 =	stileid.u32;
	s1 =	rddreg [dreg:$0x0]  }
0x3: {  	s9 =	simm.s32 $0x1000;
	s11 =	simm.s32 $0x400;
	s12 =	simm.s32 $0x20000  }
0x4: {  	s13 =	simm.s32 $0x7400;
	s0 =	sand.u32 $0x1, s0;
	s3 =	sshll.u32 s2, $0x1  }
0x5: {  	s14 =	simm.s32 $0xC400;
	s2 =	rddreg [dreg:$0x1];
	s4 =	sor.u32 s0, s3  }
0x6: {  	s3 =	simm.s32 $0x0;
	s0 =	ssub.s32 $0x2, s0;
	s5 =	smul.u32 $0xC80, s4  }
0x7: {  	s16 =	simm.s32 $0x4;
	[smem:$0x7FF] =	sst s3;
	s6 =	sshrl.u32 s0, $0x1  }
0x8: {  	s0 =	ssub.s32 s0, s6;
	s5 =	sadd.s32 s5, s1;
	s1 =	sadd.s32 $0x400, s1  }
0x9: {  	_ =	strace $0x80000047;
	s0 =	smax.u32 s0, $0x1;
	[dreg:$0x3] =	wrdreg s1  }
0xa: {  	v0 =	vlaneseq.u32;
	s17 =	simm.s32 $0x0;
	s31 =	sadd.s32 $0x600, s5;
	[dreg:$0x5] =	wrdreg s0  }
0xb: {  	s21 =	simm.s32 $0x0;
	v0 =	vmul.u32 $0x32, v0;
	s6 =	sshll.u32 s4, $0xC;
	[dreg:$0x4] =	wrdreg s31  }
.LBB2_1:
0xc: {  	s0 =	rddreg [dreg:$0x3];
	s29 =	simm.s32 $0x1  }
0xd: {  	[tilespmem:s3], [sflag:$0x1] =	stream.linear.gather [hbm4b:s0+s3], $0x1000, $0x38;
	[tilespmem:$0x11400] =	vst v63  }
0xe: {  	_ =	swait.ge [sflag:s29], $0x1000  }
0xf: {  	[sflag:s29] =	ssyncset.done $0x0  }
0x10: {  	s31 =	simm.s32 $0x2;
	s30 =	rddreg [dreg:$0x4];
	[sflag:s29] =	ssyncadd.s32 $0xFFFFF000  }
0x11: {  	[tilespmem:s9], [sflag:$0x2] =	stream.linear.gather [hbm4b:s30+s3], $0x6400, $0x38;
	[tilespmem:$0x11400] =	vst v63  }
0x12: {  	_ =	swait.ge [sflag:s31], $0x6400  }
0x13: {  	[sflag:s31] =	ssyncset.done $0x0  }
0x14: {  	s18 =	simm.s32 $0x0;
	[sflag:s31] =	ssyncadd.s32 $0xFFFF9C00  }
.LBB2_2:
0x15: {  	s0 =	sshll.u32 s18, $0xA  }
0x16: {  	s19 =	sshll.u32 s18, $0x7;
	s22 =	simm.s32 $0x0;
	s20 =	sadd.s32 s6, s0  }
.LBB2_3:
0x17: {  	s0 =	sand.u32 $0x70, s21  }
0x18: {  	s31 =	smul.u32 $0xA, s22;
	s1 =	sor.u32 s19, s0  }
0x19: {  	s1 =	smul.u32 $0x32, s1  }
0x1a: {  	s4 =	sadd.s32 $0x0, s31  }
0x1b: {  	s5 =	sor.u32 s18, s22;
	s1 =	sadd.s32 s1, s4  }
0x1c: {  	p0 =	seq.s32 s5, $0x0;
	v1 =	vadd.s32 s1, v0  }
0x1d: {  	s1 =	simm.s32 @!p0 $0x3  }
0x1e: {  	_ =	swait.ge @!p0 [sflag:s1], $0x5000  }
0x1f: {  	[sflag:s1] =	ssyncset.done @!p0 $0x0  }
0x20: {  	[sflag:s1] =	ssyncadd.s32 @!p0 $0xFFFFB000  }
0x21: {  	v1 =	vld.idx.msk [tilespmem:v1+s9+$0x0], $0xffff;
	_ =	sdelay $0x4  }
0x22: {  	v6 =	vmul.u32 $0x21, v1;
	_ =	sdelay $0x5  }
0x23: {  	v1 =	vld.idx.msk [tilespmem:v6+s3+$0x0], $0xffff  }
0x24: {  	v2 =	vadd.s32 $0x1, v6  }
0x25: {  	s15 =	simm.s32 $0x0  }
0x26: {  	s1 =	sand.u32 $0x3FFFF000, s15  }
0x27: {  	s28 =	sor.u32 s0, s1  }
0x28: {  	[tilespmem:s28+$0x7400] =	vst v1  }
0x29: {  	s23 =	simm.s32 $0x10;
	v1 =	vld.idx.msk [tilespmem:v2+s3+$0x0], $0xffff  }
0x2a: {  	s0 =	sand.u32 $0x70, s23;
	v2 =	vadd.s32 $0x2, v6  }
0x2b: {  	s24 =	sor.u32 s19, s0  }
0x2c: {  	s1 =	smul.u32 $0x32, s24  }
0x2d: {  	s25 =	sadd.s32 $0x0, s31  }
0x2e: {  	s1 =	sadd.s32 s1, s25;
	[tilespmem:s28+$0x7480] =	vst v1  }
0x2f: {  	v1 =	vadd.s32 s1, v0;
	v2 =	vld.idx.msk [tilespmem:v2+s3+$0x0], $0xffff  }
0x30: {  	v3 =	vadd.s32 $0x3, v6;
	_ =	sdelay $0x3  }
0x31: {  	v1 =	vld.idx.msk [tilespmem:v1+s9+$0x0], $0xffff;
	[tilespmem:s28+$0x7500] =	vst v2  }
0x32: {  	v2 =	vld.idx.msk [tilespmem:v3+s3+$0x0], $0xffff  }
0x33: {  	v4 =	vadd.s32 $0x4, v6;
	_ =	sdelay $0x2  }
0x34: {  	v3 =	vmul.u32 $0x21, v1  }
0x35: {  	[tilespmem:s28+$0x7580] =	vst v2  }
0x36: {  	v1 =	vld.idx.msk [tilespmem:v4+s3+$0x0], $0xffff  }
0x37: {  	v2 =	vadd.s32 $0x5, v6;
	_ =	sdelay $0x2  }
0x38: {  	v4 =	vld.idx.msk [tilespmem:v3+s3+$0x0], $0xffff  }
0x39: {  	[tilespmem:s28+$0x7600] =	vst v1;
	v1 =	vadd.s32 $0x1, v3  }
0x3a: {  	s26 =	simm.s32 $0x200;
	v2 =	vld.idx.msk [tilespmem:v2+s3+$0x0], $0xffff  }
0x3b: {  	v5 =	vadd.s32 $0x6, v6;
	s1 =	sand.u32 $0x3FFFF000, s26  }
0x3c: {  	s24 =	sor.u32 s0, s1  }
0x3d: {  	[tilespmem:s24+$0x7400] =	vst v4  }
0x3e: {  	s4 =	simm.s32 $0x20;
	v1 =	vld.idx.msk [tilespmem:v1+s3+$0x0], $0xffff  }
0x3f: {  	s0 =	sand.u32 $0x70, s4;
	[tilespmem:s28+$0x7680] =	vst v2;
	v2 =	vadd.s32 $0x2, v3  }
0x40: {  	s5 =	sor.u32 s19, s0;
	v4 =	vld.idx.msk [tilespmem:v5+s3+$0x0], $0xffff  }
0x41: {  	s1 =	smul.u32 $0x32, s5;
	v5 =	vadd.s32 $0x7, v6  }
0x42: {  	s7 =	sadd.s32 $0x0, s31  }
0x43: {  	s1 =	sadd.s32 s1, s7;
	[tilespmem:s24+$0x7480] =	vst v1  }
0x44: {  	v1 =	vadd.s32 s1, v0;
	v2 =	vld.idx.msk [tilespmem:v2+s3+$0x0], $0xffff  }
0x45: {  	[tilespmem:s28+$0x7700] =	vst v4;
	v4 =	vadd.s32 $0x3, v3  }
0x46: {  	v5 =	vld.idx.msk [tilespmem:v5+s3+$0x0], $0xffff  }
0x47: {  	v7 =	vadd.s32 $0x8, v6;
	_ =	sdelay $0x1  }
0x48: {  	v1 =	vld.idx.msk [tilespmem:v1+s9+$0x0], $0xffff;
	[tilespmem:s24+$0x7500] =	vst v2  }
0x49: {  	v2 =	vld.idx.msk [tilespmem:v4+s3+$0x0], $0xffff  }
0x4a: {  	v4 =	vadd.s32 $0x4, v3;
	[tilespmem:s28+$0x7780] =	vst v5  }
0x4b: {  	v5 =	vld.idx.msk [tilespmem:v7+s3+$0x0], $0xffff  }
0x4c: {  	v7 =	vadd.s32 $0x9, v6  }
0x4d: {  	v1 =	vmul.u32 $0x21, v1  }
0x4e: {  	[tilespmem:s24+$0x7580] =	vst v2  }
0x4f: {  	v2 =	vld.idx.msk [tilespmem:v4+s3+$0x0], $0xffff  }
0x50: {  	v4 =	vadd.s32 $0x5, v3;
	[tilespmem:s28+$0x7800] =	vst v5  }
0x51: {  	v5 =	vld.idx.msk [tilespmem:v7+s3+$0x0], $0xffff  }
0x52: {  	v7 =	vadd.s32 $0xA, v6  }
0x53: {  	v8 =	vld.idx.msk [tilespmem:v1+s3+$0x0], $0xffff  }
0x54: {  	[tilespmem:s24+$0x7600] =	vst v2;
	v2 =	vadd.s32 $0x1, v1  }
0x55: {  	s8 =	simm.s32 $0x400;
	v4 =	vld.idx.msk [tilespmem:v4+s3+$0x0], $0xffff  }
0x56: {  	s1 =	sand.u32 $0x3FFFF000, s8;
	[tilespmem:s28+$0x7880] =	vst v5;
	v5 =	vadd.s32 $0x6, v3  }
0x57: {  	s23 =	sor.u32 s0, s1;
	v7 =	vld.idx.msk [tilespmem:v7+s3+$0x0], $0xffff  }
0x58: {  	[tilespmem:s23+$0x7400] =	vst v8;
	v8 =	vadd.s32 $0xB, v6  }
0x59: {  	s10 =	simm.s32 $0x30;
	v2 =	vld.idx.msk [tilespmem:v2+s3+$0x0], $0xffff  }
0x5a: {  	s0 =	sand.u32 $0x70, s10;
	[tilespmem:s24+$0x7680] =	vst v4;
	v4 =	vadd.s32 $0x2, v1  }
0x5b: {  	s15 =	sor.u32 s19, s0;
	v5 =	vld.idx.msk [tilespmem:v5+s3+$0x0], $0xffff  }
0x5c: {  	s1 =	smul.u32 $0x32, s15;
	[tilespmem:s28+$0x7900] =	vst v7;
	v7 =	vadd.s32 $0x7, v3  }
0x5d: {  	s25 =	sadd.s32 $0x0, s31;
	v8 =	vld.idx.msk [tilespmem:v8+s3+$0x0], $0xffff  }
0x5e: {  	s1 =	sadd.s32 s1, s25;
	[tilespmem:s23+$0x7480] =	vst v2;
	v2 =	vadd.s32 $0xC, v6  }
0x5f: {  	v9 =	vadd.s32 s1, v0;
	v4 =	vld.idx.msk [tilespmem:v4+s3+$0x0], $0xffff  }
0x60: {  	[tilespmem:s24+$0x7700] =	vst v5;
	v5 =	vadd.s32 $0x3, v1  }
0x61: {  	v7 =	vld.idx.msk [tilespmem:v7+s3+$0x0], $0xffff  }
0x62: {  	[tilespmem:s28+$0x7980] =	vst v8;
	v8 =	vadd.s32 $0x8, v3  }
0x63: {  	v2 =	vld.idx.msk [tilespmem:v2+s3+$0x0], $0xffff  }
0x64: {  	v9 =	vld.idx.msk [tilespmem:v9+s9+$0x0], $0xffff;
	[tilespmem:s23+$0x7500] =	vst v4;
	v4 =	vadd.s32 $0xD, v6  }
0x65: {  	v5 =	vld.idx.msk [tilespmem:v5+s3+$0x0], $0xffff  }
0x66: {  	[tilespmem:s24+$0x7780] =	vst v7;
	v7 =	vadd.s32 $0x4, v1  }
0x67: {  	v8 =	vld.idx.msk [tilespmem:v8+s3+$0x0], $0xffff  }
0x68: {  	v10 =	vadd.s32 $0x9, v3;
	[tilespmem:s28+$0x7A00] =	vst v2  }
0x69: {  	v4 =	vld.idx.msk [tilespmem:v4+s3+$0x0], $0xffff  }
0x6a: {  	v2 =	vmul.u32 $0x21, v9;
	[tilespmem:s23+$0x7580] =	vst v5;
	v5 =	vadd.s32 $0xE, v6  }
0x6b: {  	v7 =	vld.idx.msk [tilespmem:v7+s3+$0x0], $0xffff  }
0x6c: {  	[tilespmem:s24+$0x7800] =	vst v8;
	v8 =	vadd.s32 $0x5, v1  }
0x6d: {  	v9 =	vld.idx.msk [tilespmem:v10+s3+$0x0], $0xffff  }
0x6e: {  	[tilespmem:s28+$0x7A80] =	vst v4;
	v4 =	vadd.s32 $0xA, v3  }
0x6f: {  	v5 =	vld.idx.msk [tilespmem:v5+s3+$0x0], $0xffff  }
0x70: {  	v10 =	vld.idx.msk [tilespmem:v2+s3+$0x0], $0xffff;
	[tilespmem:s23+$0x7600] =	vst v7;
	v7 =	vadd.s32 $0xF, v6  }
0x71: {  	v11 =	vadd.s32 $0x1, v2;
	v8 =	vld.idx.msk [tilespmem:v8+s3+$0x0], $0xffff  }
0x72: {  	s26 =	simm.s32 $0x600;
	[tilespmem:s24+$0x7880] =	vst v9;
	v9 =	vadd.s32 $0x6, v1  }
0x73: {  	s1 =	sand.u32 $0x3FFFF000, s26;
	v4 =	vld.idx.msk [tilespmem:v4+s3+$0x0], $0xffff  }
0x74: {  	s25 =	sor.u32 s0, s1;
	[tilespmem:s28+$0x7B00] =	vst v5;
	v5 =	vadd.s32 $0xB, v3  }
0x75: {  	s1 =	simm.s32 $0x40;
	[tilespmem:s25+$0x7400] =	vst v10;
	v7 =	vld.idx.msk [tilespmem:v7+s3+$0x0], $0xffff  }
0x76: {  	s0 =	sand.u32 $0x70, s1;
	v10 =	vld.idx.msk [tilespmem:v11+s3+$0x0], $0xffff;
	[tilespmem:s23+$0x7680] =	vst v8;
	v8 =	vadd.s32 $0x10, v6  }
0x77: {  	s4 =	sor.u32 s19, s0;
	v11 =	vadd.s32 $0x2, v2;
	v9 =	vld.idx.msk [tilespmem:v9+s3+$0x0], $0xffff  }
0x78: {  	s1 =	smul.u32 $0x32, s4;
	[tilespmem:s24+$0x7900] =	vst v4;
	v4 =	vadd.s32 $0x7, v1  }
0x79: {  	s5 =	sadd.s32 $0x0, s31;
	v5 =	vld.idx.msk [tilespmem:v5+s3+$0x0], $0xffff  }
0x7a: {  	s1 =	sadd.s32 s1, s5;
	[tilespmem:s28+$0x7B80] =	vst v7;
	v7 =	vadd.s32 $0xC, v3  }
0x7b: {  	v12 =	vadd.s32 s1, v0;
	[tilespmem:s25+$0x7480] =	vst v10;
	v8 =	vld.idx.msk [tilespmem:v8+s3+$0x0], $0xffff  }
0x7c: {  	v10 =	vld.idx.msk [tilespmem:v11+s3+$0x0], $0xffff;
	[tilespmem:s23+$0x7700] =	vst v9;
	v9 =	vadd.s32 $0x11, v6  }
0x7d: {  	v11 =	vadd.s32 $0x3, v2;
	v4 =	vld.idx.msk [tilespmem:v4+s3+$0x0], $0xffff  }
0x7e: {  	[tilespmem:s24+$0x7980] =	vst v5;
	v5 =	vadd.s32 $0x8, v1  }
0x7f: {  	v7 =	vld.idx.msk [tilespmem:v7+s3+$0x0], $0xffff  }
0x80: {  	v12 =	vld.idx.msk [tilespmem:v12+s9+$0x0], $0xffff;
	[tilespmem:s28+$0x7C00] =	vst v8;
	v8 =	vadd.s32 $0xD, v3  }
0x81: {  	[tilespmem:s25+$0x7500] =	vst v10;
	v9 =	vld.idx.msk [tilespmem:v9+s3+$0x0], $0xffff  }
0x82: {  	v10 =	vld.idx.msk [tilespmem:v11+s3+$0x0], $0xffff;
	v11 =	vadd.s32 $0x12, v6;
	[tilespmem:s23+$0x7780] =	vst v4  }
0x83: {  	v13 =	vadd.s32 $0x4, v2;
	v5 =	vld.idx.msk [tilespmem:v5+s3+$0x0], $0xffff  }
0x84: {  	[tilespmem:s24+$0x7A00] =	vst v7;
	v7 =	vadd.s32 $0x9, v1  }
0x85: {  	v8 =	vld.idx.msk [tilespmem:v8+s3+$0x0], $0xffff  }
0x86: {  	v4 =	vmul.u32 $0x21, v12;
	[tilespmem:s28+$0x7C80] =	vst v9;
	v9 =	vadd.s32 $0xE, v3  }
0x87: {  	[tilespmem:s25+$0x7580] =	vst v10;
	v10 =	vld.idx.msk [tilespmem:v11+s3+$0x0], $0xffff  }
0x88: {  	v11 =	vld.idx.msk [tilespmem:v13+s3+$0x0], $0xffff;
	[tilespmem:s23+$0x7800] =	vst v5;
	v5 =	vadd.s32 $0x13, v6  }
0x89: {  	v12 =	vadd.s32 $0x5, v2;
	v7 =	vld.idx.msk [tilespmem:v7+s3+$0x0], $0xffff  }
0x8a: {  	[tilespmem:s24+$0x7A80] =	vst v8;
	v8 =	vadd.s32 $0xA, v1  }
0x8b: {  	v9 =	vld.idx.msk [tilespmem:v9+s3+$0x0], $0xffff  }
0x8c: {  	v13 =	vld.idx.msk [tilespmem:v4+s3+$0x0], $0xffff;
	[tilespmem:s28+$0x7D00] =	vst v10;
	v10 =	vadd.s32 $0xF, v3  }
0x8d: {  	[tilespmem:s25+$0x7600] =	vst v11;
	v11 =	vadd.s32 $0x1, v4;
	v5 =	vld.idx.msk [tilespmem:v5+s3+$0x0], $0xffff  }
0x8e: {  	s7 =	simm.s32 $0x800;
	v12 =	vld.idx.msk [tilespmem:v12+s3+$0x0], $0xffff;
	[tilespmem:s23+$0x7880] =	vst v7;
	v7 =	vadd.s32 $0x14, v6  }
0x8f: {  	s1 =	sand.u32 $0x3FFFF000, s7;
	v14 =	vadd.s32 $0x6, v2;
	v8 =	vld.idx.msk [tilespmem:v8+s3+$0x0], $0xffff  }
0x90: {  	s26 =	sor.u32 s0, s1;
	[tilespmem:s24+$0x7B00] =	vst v9;
	v9 =	vadd.s32 $0xB, v1  }
0x91: {  	s8 =	simm.s32 $0x50;
	[tilespmem:s26+$0x7400] =	vst v13;
	v10 =	vld.idx.msk [tilespmem:v10+s3+$0x0], $0xffff  }
0x92: {  	s0 =	sand.u32 $0x70, s8;
	v11 =	vld.idx.msk [tilespmem:v11+s3+$0x0], $0xffff;
	[tilespmem:s28+$0x7D80] =	vst v5;
	v5 =	vadd.s32 $0x10, v3  }
0x93: {  	s10 =	sor.u32 s19, s0;
	[tilespmem:s25+$0x7680] =	vst v12;
	v12 =	vadd.s32 $0x2, v4;
	v7 =	vld.idx.msk [tilespmem:v7+s3+$0x0], $0xffff  }
0x94: {  	s1 =	smul.u32 $0x32, s10;
	v13 =	vld.idx.msk [tilespmem:v14+s3+$0x0], $0xffff;
	[tilespmem:s23+$0x7900] =	vst v8;
	v8 =	vadd.s32 $0x15, v6  }
0x95: {  	s15 =	sadd.s32 $0x0, s31;
	v14 =	vadd.s32 $0x7, v2;
	v9 =	vld.idx.msk [tilespmem:v9+s3+$0x0], $0xffff  }
0x96: {  	s1 =	sadd.s32 s1, s15;
	[tilespmem:s24+$0x7B80] =	vst v10;
	v10 =	vadd.s32 $0xC, v1  }
0x97: {  	s4 =	simm.s32 $0x60;
	v15 =	vadd.s32 s1, v0;
	[tilespmem:s26+$0x7480] =	vst v11;
	v5 =	vld.idx.msk [tilespmem:v5+s3+$0x0], $0xffff  }
0x98: {  	s1 =	sand.u32 $0x70, s4;
	v11 =	vld.idx.msk [tilespmem:v12+s3+$0x0], $0xffff;
	[tilespmem:s28+$0x7E00] =	vst v7;
	v7 =	vadd.s32 $0x11, v3  }
0x99: {  	s5 =	sor.u32 s19, s1;
	v12 =	vadd.s32 $0x3, v4;
	[tilespmem:s25+$0x7700] =	vst v13;
	v8 =	vld.idx.msk [tilespmem:v8+s3+$0x0], $0xffff  }
0x9a: {  	s4 =	smul.u32 $0x32, s5;
	v13 =	vld.idx.msk [tilespmem:v14+s3+$0x0], $0xffff;
	[tilespmem:s23+$0x7980] =	vst v9;
	v9 =	vadd.s32 $0x16, v6  }
0x9b: {  	s7 =	sadd.s32 $0x0, s31;
	v14 =	vadd.s32 $0x8, v2;
	v10 =	vld.idx.msk [tilespmem:v10+s3+$0x0], $0xffff  }
0x9c: {  	s4 =	sadd.s32 s4, s7;
	v15 =	vld.idx.msk [tilespmem:v15+s9+$0x0], $0xffff;
	[tilespmem:s24+$0x7C00] =	vst v5;
	v5 =	vadd.s32 $0xD, v1  }
0x9d: {  	[tilespmem:s26+$0x7500] =	vst v11;
	v11 =	vadd.s32 s4, v0;
	v7 =	vld.idx.msk [tilespmem:v7+s3+$0x0], $0xffff  }
0x9e: {  	v12 =	vld.idx.msk [tilespmem:v12+s3+$0x0], $0xffff;
	[tilespmem:s28+$0x7E80] =	vst v8;
	v8 =	vadd.s32 $0x12, v3  }
0x9f: {  	[tilespmem:s25+$0x7780] =	vst v13;
	v13 =	vadd.s32 $0x4, v4;
	v9 =	vld.idx.msk [tilespmem:v9+s3+$0x0], $0xffff  }
0xa0: {  	v14 =	vld.idx.msk [tilespmem:v14+s3+$0x0], $0xffff;
	[tilespmem:s23+$0x7A00] =	vst v10;
	v10 =	vadd.s32 $0x17, v6  }
0xa1: {  	v16 =	vadd.s32 $0x9, v2;
	v17 =	vld.idx.msk [tilespmem:v5+s3+$0x0], $0xffff  }
0xa2: {  	v11 =	vld.idx.msk [tilespmem:v11+s9+$0x0], $0xffff;
	v5 =	vmul.u32 $0x21, v15;
	[tilespmem:s24+$0x7C80] =	vst v7;
	v7 =	vadd.s32 $0xE, v1  }
0xa3: {  	[tilespmem:s26+$0x7580] =	vst v12;
	v8 =	vld.idx.msk [tilespmem:v8+s3+$0x0], $0xffff  }
0xa4: {  	v12 =	vld.idx.msk [tilespmem:v13+s3+$0x0], $0xffff;
	[tilespmem:s28+$0x7F00] =	vst v9;
	v9 =	vadd.s32 $0x13, v3  }
0xa5: {  	v13 =	vadd.s32 $0x5, v4;
	[tilespmem:s25+$0x7800] =	vst v14;
	v10 =	vld.idx.msk [tilespmem:v10+s3+$0x0], $0xffff  }
0xa6: {  	v15 =	vadd.s32 $0x18, v6;
	v14 =	vld.idx.msk [tilespmem:v16+s3+$0x0], $0xffff;
	[tilespmem:s23+$0x7A80] =	vst v17  }
0xa7: {  	v16 =	vadd.s32 $0xA, v2;
	v7 =	vld.idx.msk [tilespmem:v7+s3+$0x0], $0xffff  }
0xa8: {  	v17 =	vld.idx.msk [tilespmem:v5+s3+$0x0], $0xffff;
	[tilespmem:s24+$0x7D00] =	vst v8;
	v8 =	vadd.s32 $0xF, v1  }
0xa9: {  	[tilespmem:s26+$0x7600] =	vst v12;
	v12 =	vadd.s32 $0x1, v5;
	v9 =	vld.idx.msk [tilespmem:v9+s3+$0x0], $0xffff  }
0xaa: {  	s8 =	simm.s32 $0xA00;
	v13 =	vld.idx.msk [tilespmem:v13+s3+$0x0], $0xffff;
	[tilespmem:s28+$0x7F80] =	vst v10;
	v10 =	vadd.s32 $0x14, v3  }
0xab: {  	s4 =	sand.u32 $0x3FFFF000, s8;
	[tilespmem:s25+$0x7880] =	vst v14;
	v14 =	vld.idx.msk [tilespmem:v15+s3+$0x0], $0xffff;
	v15 =	vadd.s32 $0x6, v4  }
0xac: {  	s29 =	sor.u32 s0, s4;
	v16 =	vld.idx.msk [tilespmem:v16+s3+$0x0], $0xffff;
	[tilespmem:s23+$0x7B00] =	vst v7;
	v7 =	vadd.s32 $0x19, v6  }
0xad: {  	[tilespmem:s29+$0x7400] =	vst v17;
	v17 =	vadd.s32 $0xB, v2;
	v8 =	vld.idx.msk [tilespmem:v8+s3+$0x0], $0xffff  }
0xae: {  	v12 =	vld.idx.msk [tilespmem:v12+s3+$0x0], $0xffff;
	[tilespmem:s24+$0x7D80] =	vst v9;
	v9 =	vadd.s32 $0x10, v1  }
0xaf: {  	[tilespmem:s26+$0x7680] =	vst v13;
	v13 =	vadd.s32 $0x2, v5;
	v10 =	vld.idx.msk [tilespmem:v10+s3+$0x0], $0xffff  }
0xb0: {  	v15 =	vld.idx.msk [tilespmem:v15+s3+$0x0], $0xffff;
	[tilespmem:s28+$0x8000] =	vst v14;
	v14 =	vadd.s32 $0x15, v3  }
0xb1: {  	[tilespmem:s25+$0x7900] =	vst v16;
	v16 =	vadd.s32 $0x7, v4;
	v7 =	vld.idx.msk [tilespmem:v7+s3+$0x0], $0xffff  }
0xb2: {  	s4 =	simm.s32 $0x70;
	v17 =	vld.idx.msk [tilespmem:v17+s3+$0x0], $0xffff;
	[tilespmem:s23+$0x7B80] =	vst v8;
	v8 =	vadd.s32 $0x1A, v6  }
0xb3: {  	s0 =	sand.u32 $0x70, s4;
	[tilespmem:s29+$0x7480] =	vst v12;
	v12 =	vadd.s32 $0xC, v2;
	v9 =	vld.idx.msk [tilespmem:v9+s3+$0x0], $0xffff  }
0xb4: {  	s10 =	sor.u32 s19, s0;
	v13 =	vld.idx.msk [tilespmem:v13+s3+$0x0], $0xffff;
	[tilespmem:s24+$0x7E00] =	vst v10;
	v10 =	vadd.s32 $0x11, v1  }
0xb5: {  	s5 =	smul.u32 $0x32, s10;
	[tilespmem:s26+$0x7700] =	vst v15;
	v14 =	vld.idx.msk [tilespmem:v14+s3+$0x0], $0xffff;
	v15 =	vadd.s32 $0x3, v5  }
0xb6: {  	s7 =	sadd.s32 $0x0, s31;
	v16 =	vld.idx.msk [tilespmem:v16+s3+$0x0], $0xffff;
	[tilespmem:s28+$0x8080] =	vst v7;
	v7 =	vadd.s32 $0x16, v3  }
0xb7: {  	s5 =	sadd.s32 s5, s7;
	[tilespmem:s25+$0x7980] =	vst v17;
	v17 =	vadd.s32 $0x8, v4;
	v8 =	vld.idx.msk [tilespmem:v8+s3+$0x0], $0xffff  }
0xb8: {  	v18 =	vadd.s32 s5, v0;
	v12 =	vld.idx.msk [tilespmem:v12+s3+$0x0], $0xffff;
	[tilespmem:s23+$0x7C00] =	vst v9  }
0xb9: {  	v9 =	vadd.s32 $0x1B, v6;
	[tilespmem:s29+$0x7500] =	vst v13;
	v10 =	vld.idx.msk [tilespmem:v10+s3+$0x0], $0xffff  }
0xba: {  	v13 =	vadd.s32 $0xD, v2;
	v15 =	vld.idx.msk [tilespmem:v15+s3+$0x0], $0xffff;
	[tilespmem:s24+$0x7E80] =	vst v14  }
0xbb: {  	v14 =	vadd.s32 $0x12, v1;
	[tilespmem:s26+$0x7780] =	vst v16;
	v16 =	vld.idx.msk [tilespmem:v7+s3+$0x0], $0xffff  }
0xbc: {  	v19 =	vadd.s32 $0x4, v5;
	v17 =	vld.idx.msk [tilespmem:v17+s3+$0x0], $0xffff;
	[tilespmem:s28+$0x8100] =	vst v8  }
0xbd: {  	[tilespmem:s25+$0x7A00] =	vst v12;
	v12 =	vadd.s32 $0x17, v3;
	v8 =	vld.idx.msk [tilespmem:v18+s9+$0x0], $0xffff  }
0xbe: {  	v20 =	vadd.s32 $0x9, v4;
	v7 =	vmul.u32 $0x21, v11;
	v9 =	vld.idx.msk [tilespmem:v9+s3+$0x0], $0xffff  }
0xbf: {  	v13 =	vld.idx.msk [tilespmem:v13+s3+$0x0], $0xffff;
	[tilespmem:s23+$0x7C80] =	vst v10  }
0xc0: {  	v10 =	vadd.s32 $0x1C, v6;
	[tilespmem:s29+$0x7580] =	vst v15;
	v14 =	vld.idx.msk [tilespmem:v14+s3+$0x0], $0xffff  }
0xc1: {  	v11 =	vadd.s32 $0xE, v2;
	v15 =	vld.idx.msk [tilespmem:v19+s3+$0x0], $0xffff;
	[tilespmem:s24+$0x7F00] =	vst v16  }
0xc2: {  	v16 =	vadd.s32 $0x13, v1;
	[tilespmem:s26+$0x7800] =	vst v17;
	v12 =	vld.idx.msk [tilespmem:v12+s3+$0x0], $0xffff  }
0xc3: {  	v17 =	vadd.s32 $0x5, v5;
	v18 =	vld.idx.msk [tilespmem:v20+s3+$0x0], $0xffff;
	[tilespmem:s28+$0x8180] =	vst v9  }
0xc4: {  	v19 =	vld.idx.msk [tilespmem:v7+s3+$0x0], $0xffff;
	[tilespmem:s25+$0x7A80] =	vst v13;
	v9 =	vadd.s32 $0x18, v3  }
0xc5: {  	v13 =	vadd.s32 $0xA, v4;
	v10 =	vld.idx.msk [tilespmem:v10+s3+$0x0], $0xffff;
	[tilespmem:s23+$0x7D00] =	vst v14  }
0xc6: {  	v11 =	vld.idx.msk [tilespmem:v11+s3+$0x0], $0xffff;
	v14 =	vadd.s32 $0x1D, v6;
	[tilespmem:s29+$0x7600] =	vst v15  }
0xc7: {  	v15 =	vadd.s32 $0xF, v2;
	v20 =	vld.idx.msk [tilespmem:v16+s3+$0x0], $0xffff;
	[tilespmem:s24+$0x7F80] =	vst v12  }
0xc8: {  	v17 =	vld.idx.msk [tilespmem:v17+s3+$0x0], $0xffff;
	[tilespmem:s26+$0x7880] =	vst v18;
	v18 =	vadd.s32 $0x14, v1  }
0xc9: {  	v21 =	vadd.s32 $0x1, v7;
	v9 =	vld.idx.msk [tilespmem:v9+s3+$0x0], $0xffff  }
0xca: {  	s15 =	simm.s32 $0xC00;
	v22 =	vadd.s32 $0x6, v5;
	v23 =	vld.idx.msk [tilespmem:v13+s3+$0x0], $0xffff;
	[tilespmem:s28+$0x8200] =	vst v10  }
0xcb: {  	s5 =	sand.u32 $0x3FFFF000, s15;
	[tilespmem:s25+$0x7B00] =	vst v11;
	v11 =	vadd.s32 $0x19, v3;
	v24 =	vld.idx.msk [tilespmem:v14+s3+$0x0], $0xffff  }
0xcc: {  	v25 =	vadd.s32 $0xB, v4;
	s1 =	sor.u32 s1, s5;
	v16 =	vld.idx.msk [tilespmem:v15+s3+$0x0], $0xffff;
	[tilespmem:s23+$0x7D80] =	vst v20  }
0xcd: {  	[tilespmem:s1+$0x7400] =	vst v19;
	v13 =	vld.idx.msk [tilespmem:v18+s3+$0x0], $0xffff;
	v18 =	vadd.s32 $0x1E, v6  }
0xce: {  	v12 =	vld.idx.msk [tilespmem:v21+s3+$0x0], $0xffff;
	[tilespmem:s29+$0x7680] =	vst v17;
	v17 =	vadd.s32 $0x10, v2  }
0xcf: {  	v19 =	vadd.s32 $0x2, v7;
	v10 =	vld.idx.msk [tilespmem:v22+s3+$0x0], $0xffff;
	[tilespmem:s24+$0x8000] =	vst v9  }
0xd0: {  	v15 =	vadd.s32 $0x15, v1;
	[tilespmem:s26+$0x7900] =	vst v23;
	v9 =	vld.idx.msk [tilespmem:v11+s3+$0x0], $0xffff  }
0xd1: {  	s30 =	sshll.u32 s22, $0x1;
	s7 =	simm.s32 $0x8;
	s5 =	simm.s32 $0x7;
	v14 =	vadd.s32 $0x7, v5;
	v11 =	vld.idx.msk [tilespmem:v25+s3+$0x0], $0xffff;
	[tilespmem:s28+$0x8280] =	vst v24  }
.LBB2_4:
0xd2: {  	p1 =	sne.s32 s7, $0x27;
	[tilespmem:s25+$0x7B80] =	vst v16;
	v16 =	vadd.s32 $0x1A, v3;
	v18 =	vld.idx.msk [tilespmem:v18+s3+$0x0], $0xffff  }
0xd3: {  	[tilespmem:s1+$0x7480] =	vst v12;
	v12 =	vadd.s32 $0xC, v4;
	v17 =	vld.idx.msk [tilespmem:v17+s3+$0x0], $0xffff  }
0xd4: {  	v19 =	vld.idx.msk [tilespmem:v19+s3+$0x0], $0xffff;
	[tilespmem:s23+$0x7E00] =	vst v13;
	v13 =	vadd.s32 $0x1F, v6;
	v6 =	vmovc v3;
	v3 =	vmovc v1;
	v1 =	vmov v2;
	v2 =	vmov v4  }
0xd5: {  	s4 =	sadd.s32 $0x10, s4;
	v4 =	vmov v5;
	v5 =	vmov v7;
	[tilespmem:s29+$0x7700] =	vst v10;
	v10 =	vadd.s32 $0x11, v1;
	v15 =	vld.idx.msk [tilespmem:v15+s3+$0x0], $0xffff  }
0xd6: {  	s8 =	sand.u32 $0x70, s4;
	v7 =	vadd.s32 $0x3, v5;
	v14 =	vld.idx.msk [tilespmem:v14+s3+$0x0], $0xffff;
	[tilespmem:s24+$0x8080] =	vst v9  }
0xd7: {  	s10 =	sor.u32 s19, s8;
	v9 =	vadd.s32 $0x16, v3;
	[tilespmem:s26+$0x7980] =	vst v11;
	v11 =	vld.idx.msk [tilespmem:v16+s3+$0x0], $0xffff  }
0xd8: {  	s15 =	sshrl.u32 s7, $0x3;
	s10 =	smul.u32 $0x32, s10;
	v16 =	vadd.s32 $0x8, v4;
	v12 =	vld.idx.msk [tilespmem:v12+s3+$0x0], $0xffff;
	[tilespmem:s28+$0x8300] =	vst v18  }
0xd9: {  	s15 =	sadd.s32 s31, s15;
	[tilespmem:s25+$0x7C00] =	vst v17;
	v17 =	vadd.s32 $0x1B, v6;
	v13 =	vld.idx.msk [tilespmem:v13+s3+$0x0], $0xffff  }
0xda: {  	s10 =	sadd.s32 s10, s15;
	v18 =	vadd.s32 $0xD, v2;
	[tilespmem:s1+$0x7500] =	vst v19;
	v10 =	vld.idx.msk [tilespmem:v10+s3+$0x0], $0xffff  }
0xdb: {  	v19 =	vadd.s32 s10, v0;
	v20 =	vld.idx.msk [tilespmem:v7+s3+$0x0], $0xffff;
	[tilespmem:s23+$0x7E80] =	vst v15  }
0xdc: {  	[tilespmem:s29+$0x7780] =	vst v14;
	v14 =	vadd.s32 $0x12, v1;
	v9 =	vld.idx.msk [tilespmem:v9+s3+$0x0], $0xffff  }
0xdd: {  	v15 =	vadd.s32 $0x4, v5;
	v16 =	vld.idx.msk [tilespmem:v16+s3+$0x0], $0xffff;
	[tilespmem:s24+$0x8100] =	vst v11  }
0xde: {  	v11 =	vadd.s32 $0x17, v3;
	[tilespmem:s26+$0x7A00] =	vst v12;
	v12 =	vld.idx.msk [tilespmem:v17+s3+$0x0], $0xffff  }
0xdf: {  	v17 =	vadd.s32 $0x9, v4;
	v18 =	vld.idx.msk [tilespmem:v18+s3+$0x0], $0xffff;
	[tilespmem:s28+$0x8380] =	vst v13;
	s28 =	smov.u32 s24;
	s24 =	smov.u32 s23;
	s23 =	smov.u32 s25  }
0xe0: {  	s25 =	smov.u32 s26;
	s26 =	smov.u32 s29;
	s29 =	smov.u32 s1;
	v13 =	vld.idx.msk [tilespmem:v19+s9+$0x0], $0xffff;
	[tilespmem:s23+$0x7C80] =	vst v10;
	v10 =	vadd.s32 $0x1C, v6  }
0xe1: {  	v7 =	vmul.u32 $0x21, v8;
	v8 =	vadd.s32 $0xE, v2;
	[tilespmem:s29+$0x7580] =	vst v20;
	v14 =	vld.idx.msk [tilespmem:v14+s3+$0x0], $0xffff  }
0xe2: {  	v15 =	vld.idx.msk [tilespmem:v15+s3+$0x0], $0xffff;
	[tilespmem:s24+$0x7F00] =	vst v9  }
0xe3: {  	v9 =	vadd.s32 $0x13, v1;
	[tilespmem:s26+$0x7800] =	vst v16;
	v11 =	vld.idx.msk [tilespmem:v11+s3+$0x0], $0xffff  }
0xe4: {  	v16 =	vadd.s32 $0x5, v5;
	v17 =	vld.idx.msk [tilespmem:v17+s3+$0x0], $0xffff;
	[tilespmem:s28+$0x8180] =	vst v12  }
0xe5: {  	v12 =	vadd.s32 $0x18, v3;
	[tilespmem:s25+$0x7A80] =	vst v18;
	v10 =	vld.idx.msk [tilespmem:v10+s3+$0x0], $0xffff  }
0xe6: {  	v18 =	vadd.s32 $0xA, v4;
	v19 =	vld.idx.msk [tilespmem:v8+s3+$0x0], $0xffff;
	v8 =	vmov v13  }
0xe7: {  	v13 =	vld.idx.msk [tilespmem:v7+s3+$0x0], $0xffff;
	[tilespmem:s23+$0x7D00] =	vst v14;
	v14 =	vadd.s32 $0x1D, v6  }
0xe8: {  	[tilespmem:s29+$0x7600] =	vst v15;
	v15 =	vadd.s32 $0xF, v2;
	v9 =	vld.idx.msk [tilespmem:v9+s3+$0x0], $0xffff  }
0xe9: {  	v20 =	vadd.s32 $0x1, v7;
	v21 =	vld.idx.msk [tilespmem:v16+s3+$0x0], $0xffff;
	[tilespmem:s24+$0x7F80] =	vst v11  }
0xea: {  	s1 =	sshll.u32 s5, $0x9;
	s5 =	smov.u32 s7;
	v11 =	vadd.s32 $0x14, v1;
	[tilespmem:s26+$0x7880] =	vst v17;
	v22 =	vld.idx.msk [tilespmem:v12+s3+$0x0], $0xffff  }
0xeb: {  	v23 =	vadd.s32 $0x6, v5;
	s1 =	sand.u32 $0x3FFFF000, s1;
	v24 =	vld.idx.msk [tilespmem:v18+s3+$0x0], $0xffff;
	[tilespmem:s28+$0x8200] =	vst v10  }
0xec: {  	v25 =	vadd.s32 $0x19, v3;
	s1 =	sor.u32 s0, s1;
	s0 =	smov.u32 s8;
	[tilespmem:s25+$0x7B00] =	vst v19;
	v26 =	vld.idx.msk [tilespmem:v14+s3+$0x0], $0xffff  }
0xed: {  	v27 =	vadd.s32 $0xB, v4;
	[tilespmem:s1+$0x7400] =	vst v13;
	v16 =	vld.idx.msk [tilespmem:v15+s3+$0x0], $0xffff  }
.Ltmp0:
0xee: {  	v18 =	vadd.s32 $0x1E, v6;
	v12 =	vld.idx.msk [tilespmem:v20+s3+$0x0], $0xffff;
	[tilespmem:s23+$0x7D80] =	vst v9;
	(pc) =	sbr.rel @p1 .LBB2_4-.Ltmp0, $4  }
0xef: {  	v17 =	vadd.s32 $0x10, v2;
	[tilespmem:s29+$0x7680] =	vst v21;
	v13 =	vld.idx.msk [tilespmem:v11+s3+$0x0], $0xffff  }
0xf0: {  	v19 =	vadd.s32 $0x2, v7;
	v10 =	vld.idx.msk [tilespmem:v23+s3+$0x0], $0xffff;
	[tilespmem:s24+$0x8000] =	vst v22  }
0xf1: {  	v15 =	vadd.s32 $0x15, v1;
	[tilespmem:s26+$0x7900] =	vst v24;
	v9 =	vld.idx.msk [tilespmem:v25+s3+$0x0], $0xffff  }
0xf2: {  	s7 =	sadd.s32 $0x1, s7;
	v14 =	vadd.s32 $0x7, v5;
	v11 =	vld.idx.msk [tilespmem:v27+s3+$0x0], $0xffff;
	[tilespmem:s28+$0x8280] =	vst v26  }
0xf3: {  	_ =	sdelay $0x2  }
0xf4: {  	[tilespmem:s25+$0x7B80] =	vst v16  }
0xf5: {  	v16 =	vadd.s32 $0x1A, v3;
	v18 =	vld.idx.msk [tilespmem:v18+s3+$0x0], $0xffff;
	[tilespmem:s1+$0x7480] =	vst v12  }
0xf6: {  	v6 =	vadd.s32 $0x1F, v6;
	v17 =	vld.idx.msk [tilespmem:v17+s3+$0x0], $0xffff;
	[tilespmem:s23+$0x7E00] =	vst v13  }
0xf7: {  	v12 =	vadd.s32 $0xC, v4;
	v19 =	vld.idx.msk [tilespmem:v19+s3+$0x0], $0xffff;
	[tilespmem:s29+$0x7700] =	vst v10  }
0xf8: {  	v13 =	vadd.s32 $0x11, v2;
	v15 =	vld.idx.msk [tilespmem:v15+s3+$0x0], $0xffff;
	[tilespmem:s24+$0x8080] =	vst v9  }
0xf9: {  	v20 =	vadd.s32 $0x3, v7;
	v14 =	vld.idx.msk [tilespmem:v14+s3+$0x0], $0xffff;
	[tilespmem:s26+$0x7980] =	vst v11  }
0xfa: {  	v9 =	vadd.s32 $0x16, v1;
	v11 =	vld.idx.msk [tilespmem:v16+s3+$0x0], $0xffff;
	[tilespmem:s28+$0x8300] =	vst v18  }
0xfb: {  	v16 =	vadd.s32 $0x8, v5;
	v10 =	vld.idx.msk [tilespmem:v6+s3+$0x0], $0xffff;
	v6 =	vmul.u32 $0x21, v8  }
0xfc: {  	v12 =	vld.idx.msk [tilespmem:v12+s3+$0x0], $0xffff;
	[tilespmem:s25+$0x7C00] =	vst v17  }
0xfd: {  	[tilespmem:s1+$0x7500] =	vst v19;
	v8 =	vld.idx.msk [tilespmem:v13+s3+$0x0], $0xffff  }
0xfe: {  	v13 =	vld.idx.msk [tilespmem:v20+s3+$0x0], $0xffff;
	[tilespmem:s23+$0x7E80] =	vst v15  }
0xff: {  	[tilespmem:s29+$0x7780] =	vst v14;
	v9 =	vld.idx.msk [tilespmem:v9+s3+$0x0], $0xffff  }
0x100: {  	v14 =	vld.idx.msk [tilespmem:v16+s3+$0x0], $0xffff;
	[tilespmem:s24+$0x8100] =	vst v11  }
0x101: {  	v11 =	vld.idx.msk [tilespmem:v6+s3+$0x0], $0xffff  }
0x102: {  	v15 =	vadd.s32 $0x1, v6  }
0x103: {  	s4 =	sshll.u32 s5, $0x9  }
0x104: {  	s4 =	sand.u32 $0x3FFFF000, s4  }
0x105: {  	s0 =	sor.u32 s0, s4  }
0x106: {  	[tilespmem:s0+$0x7400] =	vst v11  }
0x107: {  	v11 =	vld.idx.msk [tilespmem:v15+s3+$0x0], $0xffff  }
0x108: {  	v15 =	vadd.s32 $0x2, v6;
	_ =	sdelay $0x3  }
0x109: {  	[tilespmem:s0+$0x7480] =	vst v11  }
0x10a: {  	v11 =	vld.idx.msk [tilespmem:v15+s3+$0x0], $0xffff  }
0x10b: {  	v15 =	vadd.s32 $0x3, v6;
	_ =	sdelay $0x3  }
0x10c: {  	[tilespmem:s0+$0x7500] =	vst v11  }
0x10d: {  	v11 =	vadd.s32 $0x4, v7;
	v15 =	vld.idx.msk [tilespmem:v15+s3+$0x0], $0xffff  }
0x10e: {  	v16 =	vadd.s32 $0x4, v6;
	_ =	sdelay $0x2  }
0x10f: {  	[tilespmem:s1+$0x7580] =	vst v13  }
0x110: {  	v11 =	vld.idx.msk [tilespmem:v11+s3+$0x0], $0xffff;
	[tilespmem:s0+$0x7580] =	vst v15  }
0x111: {  	v13 =	vadd.s32 $0x5, v7;
	v15 =	vld.idx.msk [tilespmem:v16+s3+$0x0], $0xffff  }
0x112: {  	v16 =	vadd.s32 $0x5, v6;
	_ =	sdelay $0x2  }
0x113: {  	[tilespmem:s1+$0x7600] =	vst v11  }
0x114: {  	v11 =	vld.idx.msk [tilespmem:v13+s3+$0x0], $0xffff;
	[tilespmem:s0+$0x7600] =	vst v15  }
0x115: {  	v13 =	vadd.s32 $0x6, v7;
	v15 =	vld.idx.msk [tilespmem:v16+s3+$0x0], $0xffff  }
0x116: {  	v16 =	vadd.s32 $0x6, v6;
	_ =	sdelay $0x2  }
0x117: {  	[tilespmem:s1+$0x7680] =	vst v11  }
0x118: {  	v11 =	vld.idx.msk [tilespmem:v13+s3+$0x0], $0xffff;
	[tilespmem:s0+$0x7680] =	vst v15  }
0x119: {  	v13 =	vadd.s32 $0x7, v7;
	v15 =	vld.idx.msk [tilespmem:v16+s3+$0x0], $0xffff  }
0x11a: {  	v16 =	vadd.s32 $0x7, v6;
	_ =	sdelay $0x2  }
0x11b: {  	[tilespmem:s1+$0x7700] =	vst v11  }
0x11c: {  	v11 =	vld.idx.msk [tilespmem:v13+s3+$0x0], $0xffff;
	[tilespmem:s0+$0x7700] =	vst v15  }
0x11d: {  	v13 =	vadd.s32 $0x8, v7;
	v15 =	vld.idx.msk [tilespmem:v16+s3+$0x0], $0xffff  }
0x11e: {  	v16 =	vadd.s32 $0x8, v6;
	_ =	sdelay $0x2  }
0x11f: {  	[tilespmem:s1+$0x7780] =	vst v11  }
0x120: {  	v11 =	vadd.s32 $0x9, v5;
	v13 =	vld.idx.msk [tilespmem:v13+s3+$0x0], $0xffff;
	[tilespmem:s0+$0x7780] =	vst v15  }
0x121: {  	v15 =	vadd.s32 $0x9, v7;
	v16 =	vld.idx.msk [tilespmem:v16+s3+$0x0], $0xffff  }
0x122: {  	v17 =	vadd.s32 $0x9, v6;
	_ =	sdelay $0x1  }
0x123: {  	[tilespmem:s29+$0x7800] =	vst v14  }
0x124: {  	v11 =	vld.idx.msk [tilespmem:v11+s3+$0x0], $0xffff;
	[tilespmem:s1+$0x7800] =	vst v13  }
0x125: {  	v13 =	vadd.s32 $0xA, v5;
	v14 =	vld.idx.msk [tilespmem:v15+s3+$0x0], $0xffff;
	[tilespmem:s0+$0x7800] =	vst v16  }
0x126: {  	v15 =	vadd.s32 $0xA, v7;
	v16 =	vld.idx.msk [tilespmem:v17+s3+$0x0], $0xffff  }
0x127: {  	v17 =	vadd.s32 $0xA, v6;
	_ =	sdelay $0x1  }
0x128: {  	[tilespmem:s29+$0x7880] =	vst v11  }
0x129: {  	v11 =	vld.idx.msk [tilespmem:v13+s3+$0x0], $0xffff;
	[tilespmem:s1+$0x7880] =	vst v14  }
0x12a: {  	v13 =	vadd.s32 $0xB, v5;
	v14 =	vld.idx.msk [tilespmem:v15+s3+$0x0], $0xffff;
	[tilespmem:s0+$0x7880] =	vst v16  }
0x12b: {  	v15 =	vadd.s32 $0xB, v7;
	v16 =	vld.idx.msk [tilespmem:v17+s3+$0x0], $0xffff  }
0x12c: {  	v17 =	vadd.s32 $0xB, v6;
	_ =	sdelay $0x1  }
0x12d: {  	[tilespmem:s29+$0x7900] =	vst v11  }
0x12e: {  	v11 =	vld.idx.msk [tilespmem:v13+s3+$0x0], $0xffff;
	[tilespmem:s1+$0x7900] =	vst v14  }
0x12f: {  	v13 =	vadd.s32 $0xC, v5;
	v14 =	vld.idx.msk [tilespmem:v15+s3+$0x0], $0xffff;
	[tilespmem:s0+$0x7900] =	vst v16  }
0x130: {  	v15 =	vadd.s32 $0xC, v7;
	v16 =	vld.idx.msk [tilespmem:v17+s3+$0x0], $0xffff  }
0x131: {  	v17 =	vadd.s32 $0xC, v6;
	_ =	sdelay $0x1  }
0x132: {  	[tilespmem:s29+$0x7980] =	vst v11  }
0x133: {  	v11 =	vadd.s32 $0xD, v4;
	v13 =	vld.idx.msk [tilespmem:v13+s3+$0x0], $0xffff;
	[tilespmem:s1+$0x7980] =	vst v14  }
0x134: {  	v14 =	vadd.s32 $0xD, v5;
	v15 =	vld.idx.msk [tilespmem:v15+s3+$0x0], $0xffff;
	[tilespmem:s0+$0x7980] =	vst v16  }
0x135: {  	v16 =	vadd.s32 $0xD, v7;
	v17 =	vld.idx.msk [tilespmem:v17+s3+$0x0], $0xffff  }
0x136: {  	v18 =	vadd.s32 $0xD, v6  }
0x137: {  	[tilespmem:s26+$0x7A00] =	vst v12  }
0x138: {  	v11 =	vld.idx.msk [tilespmem:v11+s3+$0x0], $0xffff;
	[tilespmem:s29+$0x7A00] =	vst v13  }
0x139: {  	v12 =	vadd.s32 $0xE, v4;
	v13 =	vld.idx.msk [tilespmem:v14+s3+$0x0], $0xffff;
	[tilespmem:s1+$0x7A00] =	vst v15  }
0x13a: {  	v14 =	vadd.s32 $0xE, v5;
	v15 =	vld.idx.msk [tilespmem:v16+s3+$0x0], $0xffff;
	[tilespmem:s0+$0x7A00] =	vst v17  }
0x13b: {  	v16 =	vadd.s32 $0xE, v7;
	v17 =	vld.idx.msk [tilespmem:v18+s3+$0x0], $0xffff  }
0x13c: {  	v18 =	vadd.s32 $0xE, v6  }
0x13d: {  	[tilespmem:s26+$0x7A80] =	vst v11  }
0x13e: {  	v11 =	vld.idx.msk [tilespmem:v12+s3+$0x0], $0xffff;
	[tilespmem:s29+$0x7A80] =	vst v13  }
0x13f: {  	v12 =	vadd.s32 $0xF, v4;
	v13 =	vld.idx.msk [tilespmem:v14+s3+$0x0], $0xffff;
	[tilespmem:s1+$0x7A80] =	vst v15  }
0x140: {  	v14 =	vadd.s32 $0xF, v5;
	v15 =	vld.idx.msk [tilespmem:v16+s3+$0x0], $0xffff;
	[tilespmem:s0+$0x7A80] =	vst v17  }
0x141: {  	v16 =	vadd.s32 $0xF, v7;
	v17 =	vld.idx.msk [tilespmem:v18+s3+$0x0], $0xffff  }
0x142: {  	v18 =	vadd.s32 $0xF, v6  }
0x143: {  	[tilespmem:s26+$0x7B00] =	vst v11  }
0x144: {  	v11 =	vld.idx.msk [tilespmem:v12+s3+$0x0], $0xffff;
	[tilespmem:s29+$0x7B00] =	vst v13  }
0x145: {  	v12 =	vadd.s32 $0x10, v4;
	v13 =	vld.idx.msk [tilespmem:v14+s3+$0x0], $0xffff;
	[tilespmem:s1+$0x7B00] =	vst v15  }
0x146: {  	v14 =	vadd.s32 $0x10, v5;
	v15 =	vld.idx.msk [tilespmem:v16+s3+$0x0], $0xffff;
	[tilespmem:s0+$0x7B00] =	vst v17  }
0x147: {  	v16 =	vadd.s32 $0x10, v7;
	v17 =	vld.idx.msk [tilespmem:v18+s3+$0x0], $0xffff  }
0x148: {  	v18 =	vadd.s32 $0x10, v6  }
0x149: {  	[tilespmem:s26+$0x7B80] =	vst v11  }
0x14a: {  	v11 =	vld.idx.msk [tilespmem:v12+s3+$0x0], $0xffff;
	[tilespmem:s29+$0x7B80] =	vst v13  }
0x14b: {  	v12 =	vadd.s32 $0x11, v4;
	v13 =	vld.idx.msk [tilespmem:v14+s3+$0x0], $0xffff;
	[tilespmem:s1+$0x7B80] =	vst v15  }
0x14c: {  	v14 =	vadd.s32 $0x11, v5;
	v15 =	vld.idx.msk [tilespmem:v16+s3+$0x0], $0xffff;
	[tilespmem:s0+$0x7B80] =	vst v17  }
0x14d: {  	v16 =	vadd.s32 $0x11, v7;
	v17 =	vld.idx.msk [tilespmem:v18+s3+$0x0], $0xffff  }
0x14e: {  	[tilespmem:s28+$0x8380] =	vst v10;
	v10 =	vadd.s32 $0x11, v6  }
0x14f: {  	[tilespmem:s26+$0x7C00] =	vst v11;
	v11 =	vadd.s32 $0x12, v2  }
0x150: {  	v18 =	vadd.s32 $0x1B, v3;
	v12 =	vld.idx.msk [tilespmem:v12+s3+$0x0], $0xffff;
	[tilespmem:s29+$0x7C00] =	vst v13  }
0x151: {  	v13 =	vadd.s32 $0x12, v4;
	v14 =	vld.idx.msk [tilespmem:v14+s3+$0x0], $0xffff;
	[tilespmem:s1+$0x7C00] =	vst v15  }
0x152: {  	v15 =	vadd.s32 $0x12, v5;
	v16 =	vld.idx.msk [tilespmem:v16+s3+$0x0], $0xffff;
	[tilespmem:s0+$0x7C00] =	vst v17  }
0x153: {  	[tilespmem:s25+$0x7C80] =	vst v8;
	v8 =	vadd.s32 $0x12, v7;
	v10 =	vld.idx.msk [tilespmem:v10+s3+$0x0], $0xffff  }
0x154: {  	[tilespmem:s23+$0x7F00] =	vst v9;
	v9 =	vadd.s32 $0x12, v6;
	v11 =	vld.idx.msk [tilespmem:v11+s3+$0x0], $0xffff  }
0x155: {  	v17 =	vld.idx.msk [tilespmem:v18+s3+$0x0], $0xffff;
	v18 =	vadd.s32 $0x17, v1;
	[tilespmem:s26+$0x7C80] =	vst v12  }
0x156: {  	v12 =	vadd.s32 $0x13, v2;
	v13 =	vld.idx.msk [tilespmem:v13+s3+$0x0], $0xffff;
	[tilespmem:s29+$0x7C80] =	vst v14  }
0x157: {  	v14 =	vadd.s32 $0x13, v4;
	v15 =	vld.idx.msk [tilespmem:v15+s3+$0x0], $0xffff;
	[tilespmem:s1+$0x7C80] =	vst v16  }
0x158: {  	v16 =	vadd.s32 $0x13, v5;
	v8 =	vld.idx.msk [tilespmem:v8+s3+$0x0], $0xffff;
	[tilespmem:s0+$0x7C80] =	vst v10  }
0x159: {  	[tilespmem:s25+$0x7D00] =	vst v11;
	v10 =	vadd.s32 $0x13, v7;
	v9 =	vld.idx.msk [tilespmem:v9+s3+$0x0], $0xffff  }
0x15a: {  	v11 =	vadd.s32 $0x13, v6;
	[tilespmem:s24+$0x8180] =	vst v17;
	v17 =	vld.idx.msk [tilespmem:v18+s3+$0x0], $0xffff  }
0x15b: {  	v18 =	vadd.s32 $0x1C, v3;
	v12 =	vld.idx.msk [tilespmem:v12+s3+$0x0], $0xffff;
	[tilespmem:s26+$0x7D00] =	vst v13  }
0x15c: {  	v13 =	vadd.s32 $0x14, v2;
	v14 =	vld.idx.msk [tilespmem:v14+s3+$0x0], $0xffff;
	[tilespmem:s29+$0x7D00] =	vst v15  }
0x15d: {  	v15 =	vadd.s32 $0x14, v4;
	v16 =	vld.idx.msk [tilespmem:v16+s3+$0x0], $0xffff;
	[tilespmem:s1+$0x7D00] =	vst v8  }
0x15e: {  	v8 =	vadd.s32 $0x14, v5;
	v10 =	vld.idx.msk [tilespmem:v10+s3+$0x0], $0xffff;
	[tilespmem:s0+$0x7D00] =	vst v9  }
0x15f: {  	[tilespmem:s23+$0x7F80] =	vst v17;
	v9 =	vadd.s32 $0x14, v7;
	v11 =	vld.idx.msk [tilespmem:v11+s3+$0x0], $0xffff  }
0x160: {  	v17 =	vld.idx.msk [tilespmem:v18+s3+$0x0], $0xffff;
	[tilespmem:s25+$0x7D80] =	vst v12;
	v12 =	vadd.s32 $0x14, v6  }
0x161: {  	v18 =	vadd.s32 $0x18, v1;
	v13 =	vld.idx.msk [tilespmem:v13+s3+$0x0], $0xffff;
	[tilespmem:s26+$0x7D80] =	vst v14  }
0x162: {  	v14 =	vadd.s32 $0x15, v2;
	v15 =	vld.idx.msk [tilespmem:v15+s3+$0x0], $0xffff;
	[tilespmem:s29+$0x7D80] =	vst v16  }
0x163: {  	v16 =	vadd.s32 $0x15, v4;
	v8 =	vld.idx.msk [tilespmem:v8+s3+$0x0], $0xffff;
	[tilespmem:s1+$0x7D80] =	vst v10  }
0x164: {  	v10 =	vadd.s32 $0x15, v5;
	v9 =	vld.idx.msk [tilespmem:v9+s3+$0x0], $0xffff;
	[tilespmem:s0+$0x7D80] =	vst v11  }
0x165: {  	[tilespmem:s24+$0x8200] =	vst v17;
	v11 =	vadd.s32 $0x15, v7;
	v12 =	vld.idx.msk [tilespmem:v12+s3+$0x0], $0xffff  }
0x166: {  	v17 =	vld.idx.msk [tilespmem:v18+s3+$0x0], $0xffff;
	[tilespmem:s25+$0x7E00] =	vst v13;
	v13 =	vadd.s32 $0x15, v6  }
0x167: {  	v18 =	vadd.s32 $0x1D, v3;
	v14 =	vld.idx.msk [tilespmem:v14+s3+$0x0], $0xffff;
	[tilespmem:s26+$0x7E00] =	vst v15  }
0x168: {  	v15 =	vadd.s32 $0x16, v2;
	v16 =	vld.idx.msk [tilespmem:v16+s3+$0x0], $0xffff;
	[tilespmem:s29+$0x7E00] =	vst v8  }
0x169: {  	v8 =	vadd.s32 $0x16, v4;
	v10 =	vld.idx.msk [tilespmem:v10+s3+$0x0], $0xffff;
	[tilespmem:s1+$0x7E00] =	vst v9  }
0x16a: {  	v9 =	vadd.s32 $0x16, v5;
	v11 =	vld.idx.msk [tilespmem:v11+s3+$0x0], $0xffff;
	[tilespmem:s0+$0x7E00] =	vst v12  }
0x16b: {  	[tilespmem:s23+$0x8000] =	vst v17;
	v12 =	vadd.s32 $0x16, v7;
	v13 =	vld.idx.msk [tilespmem:v13+s3+$0x0], $0xffff  }
0x16c: {  	v17 =	vld.idx.msk [tilespmem:v18+s3+$0x0], $0xffff;
	[tilespmem:s25+$0x7E80] =	vst v14;
	v14 =	vadd.s32 $0x16, v6  }
0x16d: {  	v18 =	vadd.s32 $0x19, v1;
	v15 =	vld.idx.msk [tilespmem:v15+s3+$0x0], $0xffff;
	[tilespmem:s26+$0x7E80] =	vst v16  }
0x16e: {  	v16 =	vadd.s32 $0x17, v2;
	v8 =	vld.idx.msk [tilespmem:v8+s3+$0x0], $0xffff;
	[tilespmem:s29+$0x7E80] =	vst v10  }
0x16f: {  	v10 =	vadd.s32 $0x17, v4;
	v9 =	vld.idx.msk [tilespmem:v9+s3+$0x0], $0xffff;
	[tilespmem:s1+$0x7E80] =	vst v11  }
0x170: {  	v11 =	vadd.s32 $0x17, v5;
	v12 =	vld.idx.msk [tilespmem:v12+s3+$0x0], $0xffff;
	[tilespmem:s0+$0x7E80] =	vst v13  }
0x171: {  	[tilespmem:s24+$0x8280] =	vst v17;
	v13 =	vadd.s32 $0x17, v7;
	v14 =	vld.idx.msk [tilespmem:v14+s3+$0x0], $0xffff  }
0x172: {  	v17 =	vld.idx.msk [tilespmem:v18+s3+$0x0], $0xffff;
	[tilespmem:s25+$0x7F00] =	vst v15;
	v15 =	vadd.s32 $0x17, v6  }
0x173: {  	v18 =	vadd.s32 $0x1E, v3;
	v16 =	vld.idx.msk [tilespmem:v16+s3+$0x0], $0xffff;
	[tilespmem:s26+$0x7F00] =	vst v8  }
0x174: {  	v8 =	vadd.s32 $0x18, v2;
	v10 =	vld.idx.msk [tilespmem:v10+s3+$0x0], $0xffff;
	[tilespmem:s29+$0x7F00] =	vst v9  }
0x175: {  	v9 =	vadd.s32 $0x18, v4;
	v11 =	vld.idx.msk [tilespmem:v11+s3+$0x0], $0xffff;
	[tilespmem:s1+$0x7F00] =	vst v12  }
0x176: {  	v12 =	vadd.s32 $0x18, v5;
	v13 =	vld.idx.msk [tilespmem:v13+s3+$0x0], $0xffff;
	[tilespmem:s0+$0x7F00] =	vst v14  }
0x177: {  	[tilespmem:s23+$0x8080] =	vst v17;
	v14 =	vadd.s32 $0x18, v7;
	v15 =	vld.idx.msk [tilespmem:v15+s3+$0x0], $0xffff  }
0x178: {  	v17 =	vld.idx.msk [tilespmem:v18+s3+$0x0], $0xffff;
	[tilespmem:s25+$0x7F80] =	vst v16;
	v16 =	vadd.s32 $0x18, v6  }
0x179: {  	v18 =	vadd.s32 $0x1A, v1;
	v8 =	vld.idx.msk [tilespmem:v8+s3+$0x0], $0xffff;
	[tilespmem:s26+$0x7F80] =	vst v10  }
0x17a: {  	v10 =	vadd.s32 $0x19, v2;
	v9 =	vld.idx.msk [tilespmem:v9+s3+$0x0], $0xffff;
	[tilespmem:s29+$0x7F80] =	vst v11  }
0x17b: {  	v11 =	vadd.s32 $0x19, v4;
	v12 =	vld.idx.msk [tilespmem:v12+s3+$0x0], $0xffff;
	[tilespmem:s1+$0x7F80] =	vst v13  }
0x17c: {  	v13 =	vadd.s32 $0x19, v5;
	v14 =	vld.idx.msk [tilespmem:v14+s3+$0x0], $0xffff;
	[tilespmem:s0+$0x7F80] =	vst v15  }
0x17d: {  	[tilespmem:s24+$0x8300] =	vst v17;
	v15 =	vadd.s32 $0x19, v7;
	v16 =	vld.idx.msk [tilespmem:v16+s3+$0x0], $0xffff  }
0x17e: {  	v17 =	vld.idx.msk [tilespmem:v18+s3+$0x0], $0xffff;
	[tilespmem:s25+$0x8000] =	vst v8;
	v8 =	vadd.s32 $0x19, v6  }
0x17f: {  	v3 =	vadd.s32 $0x1F, v3;
	v10 =	vld.idx.msk [tilespmem:v10+s3+$0x0], $0xffff;
	[tilespmem:s26+$0x8000] =	vst v9  }
0x180: {  	v9 =	vadd.s32 $0x1A, v2;
	v11 =	vld.idx.msk [tilespmem:v11+s3+$0x0], $0xffff;
	[tilespmem:s29+$0x8000] =	vst v12  }
0x181: {  	v12 =	vadd.s32 $0x1A, v4;
	v13 =	vld.idx.msk [tilespmem:v13+s3+$0x0], $0xffff;
	[tilespmem:s1+$0x8000] =	vst v14  }
0x182: {  	v14 =	vadd.s32 $0x1A, v5;
	v15 =	vld.idx.msk [tilespmem:v15+s3+$0x0], $0xffff;
	[tilespmem:s0+$0x8000] =	vst v16  }
0x183: {  	[tilespmem:s23+$0x8100] =	vst v17;
	v16 =	vadd.s32 $0x1A, v7;
	v8 =	vld.idx.msk [tilespmem:v8+s3+$0x0], $0xffff  }
0x184: {  	v3 =	vld.idx.msk [tilespmem:v3+s3+$0x0], $0xffff;
	[tilespmem:s25+$0x8080] =	vst v10;
	v10 =	vadd.s32 $0x1A, v6  }
0x185: {  	v17 =	vadd.s32 $0x1B, v1;
	v9 =	vld.idx.msk [tilespmem:v9+s3+$0x0], $0xffff;
	[tilespmem:s26+$0x8080] =	vst v11  }
0x186: {  	v11 =	vadd.s32 $0x1B, v2;
	v12 =	vld.idx.msk [tilespmem:v12+s3+$0x0], $0xffff;
	[tilespmem:s29+$0x8080] =	vst v13  }
0x187: {  	v13 =	vadd.s32 $0x1B, v4;
	v14 =	vld.idx.msk [tilespmem:v14+s3+$0x0], $0xffff;
	[tilespmem:s1+$0x8080] =	vst v15  }
0x188: {  	v15 =	vadd.s32 $0x1B, v5;
	v16 =	vld.idx.msk [tilespmem:v16+s3+$0x0], $0xffff;
	[tilespmem:s0+$0x8080] =	vst v8  }
0x189: {  	[tilespmem:s24+$0x8380] =	vst v3;
	v3 =	vadd.s32 $0x1B, v7;
	v8 =	vld.idx.msk [tilespmem:v10+s3+$0x0], $0xffff  }
0x18a: {  	[tilespmem:s25+$0x8100] =	vst v9;
	v9 =	vadd.s32 $0x1B, v6;
	v10 =	vld.idx.msk [tilespmem:v17+s3+$0x0], $0xffff  }
0x18b: {  	v11 =	vld.idx.msk [tilespmem:v11+s3+$0x0], $0xffff;
	[tilespmem:s26+$0x8100] =	vst v12;
	v17 =	vadd.s32 $0x1C, v1  }
0x18c: {  	v12 =	vadd.s32 $0x1C, v2;
	v13 =	vld.idx.msk [tilespmem:v13+s3+$0x0], $0xffff;
	[tilespmem:s29+$0x8100] =	vst v14  }
0x18d: {  	v14 =	vadd.s32 $0x1C, v4;
	v15 =	vld.idx.msk [tilespmem:v15+s3+$0x0], $0xffff;
	[tilespmem:s1+$0x8100] =	vst v16  }
0x18e: {  	v16 =	vadd.s32 $0x1C, v5;
	v3 =	vld.idx.msk [tilespmem:v3+s3+$0x0], $0xffff;
	[tilespmem:s0+$0x8100] =	vst v8  }
0x18f: {  	[tilespmem:s23+$0x8180] =	vst v10;
	v8 =	vadd.s32 $0x1C, v7;
	v9 =	vld.idx.msk [tilespmem:v9+s3+$0x0], $0xffff  }
0x190: {  	[tilespmem:s25+$0x8180] =	vst v11;
	v11 =	vadd.s32 $0x1C, v6;
	v10 =	vld.idx.msk [tilespmem:v17+s3+$0x0], $0xffff  }
0x191: {  	v12 =	vld.idx.msk [tilespmem:v12+s3+$0x0], $0xffff;
	[tilespmem:s26+$0x8180] =	vst v13;
	v17 =	vadd.s32 $0x1D, v1  }
0x192: {  	v13 =	vadd.s32 $0x1D, v2;
	v14 =	vld.idx.msk [tilespmem:v14+s3+$0x0], $0xffff;
	[tilespmem:s29+$0x8180] =	vst v15  }
0x193: {  	v15 =	vadd.s32 $0x1D, v4;
	v16 =	vld.idx.msk [tilespmem:v16+s3+$0x0], $0xffff;
	[tilespmem:s1+$0x8180] =	vst v3  }
0x194: {  	v3 =	vadd.s32 $0x1D, v5;
	v8 =	vld.idx.msk [tilespmem:v8+s3+$0x0], $0xffff;
	[tilespmem:s0+$0x8180] =	vst v9  }
0x195: {  	[tilespmem:s23+$0x8200] =	vst v10;
	v9 =	vadd.s32 $0x1D, v7;
	v10 =	vld.idx.msk [tilespmem:v11+s3+$0x0], $0xffff  }
0x196: {  	[tilespmem:s25+$0x8200] =	vst v12;
	v12 =	vadd.s32 $0x1D, v6;
	v11 =	vld.idx.msk [tilespmem:v17+s3+$0x0], $0xffff  }
0x197: {  	v13 =	vld.idx.msk [tilespmem:v13+s3+$0x0], $0xffff;
	[tilespmem:s26+$0x8200] =	vst v14;
	v17 =	vadd.s32 $0x1E, v1  }
0x198: {  	v14 =	vadd.s32 $0x1E, v2;
	v15 =	vld.idx.msk [tilespmem:v15+s3+$0x0], $0xffff;
	[tilespmem:s29+$0x8200] =	vst v16  }
0x199: {  	v16 =	vadd.s32 $0x1E, v4;
	v3 =	vld.idx.msk [tilespmem:v3+s3+$0x0], $0xffff;
	[tilespmem:s1+$0x8200] =	vst v8  }
0x19a: {  	v8 =	vadd.s32 $0x1E, v5;
	v9 =	vld.idx.msk [tilespmem:v9+s3+$0x0], $0xffff;
	[tilespmem:s0+$0x8200] =	vst v10  }
0x19b: {  	[tilespmem:s23+$0x8280] =	vst v11;
	v10 =	vadd.s32 $0x1E, v7;
	v11 =	vld.idx.msk [tilespmem:v12+s3+$0x0], $0xffff  }
0x19c: {  	[tilespmem:s25+$0x8280] =	vst v13;
	v13 =	vadd.s32 $0x1E, v6;
	v12 =	vld.idx.msk [tilespmem:v17+s3+$0x0], $0xffff  }
0x19d: {  	v1 =	vadd.s32 $0x1F, v1;
	v14 =	vld.idx.msk [tilespmem:v14+s3+$0x0], $0xffff;
	[tilespmem:s26+$0x8280] =	vst v15  }
0x19e: {  	v2 =	vadd.s32 $0x1F, v2;
	v15 =	vld.idx.msk [tilespmem:v16+s3+$0x0], $0xffff;
	[tilespmem:s29+$0x8280] =	vst v3  }
0x19f: {  	v3 =	vadd.s32 $0x1F, v4;
	v4 =	vld.idx.msk [tilespmem:v8+s3+$0x0], $0xffff;
	[tilespmem:s1+$0x8280] =	vst v9  }
0x1a0: {  	v5 =	vadd.s32 $0x1F, v5;
	v8 =	vld.idx.msk [tilespmem:v10+s3+$0x0], $0xffff;
	[tilespmem:s0+$0x8280] =	vst v11  }
0x1a1: {  	v7 =	vadd.s32 $0x1F, v7;
	[tilespmem:s23+$0x8300] =	vst v12;
	v9 =	vld.idx.msk [tilespmem:v13+s3+$0x0], $0xffff  }
0x1a2: {  	v6 =	vadd.s32 $0x1F, v6;
	[tilespmem:s25+$0x8300] =	vst v14;
	v1 =	vld.idx.msk [tilespmem:v1+s3+$0x0], $0xffff  }
0x1a3: {  	v2 =	vld.idx.msk [tilespmem:v2+s3+$0x0], $0xffff;
	[tilespmem:s26+$0x8300] =	vst v15  }
0x1a4: {  	v3 =	vld.idx.msk [tilespmem:v3+s3+$0x0], $0xffff;
	[tilespmem:s29+$0x8300] =	vst v4  }
0x1a5: {  	v4 =	vld.idx.msk [tilespmem:v5+s3+$0x0], $0xffff;
	[tilespmem:s1+$0x8300] =	vst v8  }
0x1a6: {  	s15 =	simm.s32 $0x0;
	v5 =	vld.idx.msk [tilespmem:v7+s3+$0x0], $0xffff;
	[tilespmem:s0+$0x8300] =	vst v9  }
0x1a7: {  	s4 =	sand.u32 $0x70, s15;
	s24 =	smul.u32 $0x500000, s22;
	[tilespmem:s23+$0x8380] =	vst v1;
	s23 =	sor.u32 $0x1, s30;
	v1 =	vld.idx.msk [tilespmem:v6+s3+$0x0], $0xffff  }
0x1a8: {  	s7 =	sor.u32 s19, s4;
	[tilespmem:s25+$0x8380] =	vst v2;
	s31 =	smul.u32 $0x5, s23  }
0x1a9: {  	s7 =	smul.u32 $0x32, s7;
	[tilespmem:s26+$0x8380] =	vst v3  }
0x1aa: {  	s5 =	sadd.s32 s20, s24;
	[tilespmem:s29+$0x8380] =	vst v4;
	s26 =	sadd.s32 $0x0, s31  }
0x1ab: {  	s25 =	sshrl.u32 s5, $0x3;
	[tilespmem:s1+$0x8380] =	vst v5;
	s8 =	sadd.s32 s7, s26  }
0x1ac: {  	s1 =	sadd.s32 s2, s25;
	[tilespmem:s0+$0x8380] =	vst v1;
	v1 =	vadd.s32 s8, v0;
	s0 =	simm.s32 @!p0 $0x4  }
0x1ad: {  	[hbm4b:s1+s11] =	stream.strided.scatter [tilespmem:s13], [sflag:$0x3], $0x5000, s12, s11, $0x38;
	[tilespmem:$0x11400] =	vst v63  }
0x1ae: {  	_ =	swait.ge @!p0 [sflag:s0], $0x5000  }
0x1af: {  	[sflag:s0] =	ssyncset.done @!p0 $0x0  }
0x1b0: {  	[sflag:s0] =	ssyncadd.s32 @!p0 $0xFFFFB000  }
0x1b1: {  	v1 =	vld.idx.msk [tilespmem:v1+s9+$0x0], $0xffff;
	_ =	sdelay $0x4  }
0x1b2: {  	v6 =	vmul.u32 $0x21, v1;
	_ =	sdelay $0x5  }
0x1b3: {  	v1 =	vld.idx.msk [tilespmem:v6+s3+$0x0], $0xffff  }
0x1b4: {  	v2 =	vadd.s32 $0x1, v6  }
0x1b5: {  	s10 =	simm.s32 $0x0  }
0x1b6: {  	s0 =	sand.u32 $0x3FFFF000, s10  }
0x1b7: {  	s29 =	sor.u32 s4, s0  }
0x1b8: {  	[tilespmem:s29+$0xC400] =	vst v1  }
0x1b9: {  	s15 =	simm.s32 $0x10;
	v1 =	vld.idx.msk [tilespmem:v2+s3+$0x0], $0xffff  }
0x1ba: {  	s0 =	sand.u32 $0x70, s15;
	v2 =	vadd.s32 $0x2, v6  }
0x1bb: {  	s24 =	sor.u32 s19, s0  }
0x1bc: {  	s1 =	smul.u32 $0x32, s24  }
0x1bd: {  	s25 =	sadd.s32 $0x0, s31  }
0x1be: {  	s1 =	sadd.s32 s1, s25;
	[tilespmem:s29+$0xC480] =	vst v1  }
0x1bf: {  	v1 =	vadd.s32 s1, v0;
	v2 =	vld.idx.msk [tilespmem:v2+s3+$0x0], $0xffff  }
0x1c0: {  	v3 =	vadd.s32 $0x3, v6;
	_ =	sdelay $0x3  }
0x1c1: {  	v1 =	vld.idx.msk [tilespmem:v1+s9+$0x0], $0xffff;
	[tilespmem:s29+$0xC500] =	vst v2  }
0x1c2: {  	v2 =	vld.idx.msk [tilespmem:v3+s3+$0x0], $0xffff  }
0x1c3: {  	v4 =	vadd.s32 $0x4, v6;
	_ =	sdelay $0x2  }
0x1c4: {  	v3 =	vmul.u32 $0x21, v1  }
0x1c5: {  	[tilespmem:s29+$0xC580] =	vst v2  }
0x1c6: {  	v1 =	vld.idx.msk [tilespmem:v4+s3+$0x0], $0xffff  }
0x1c7: {  	v2 =	vadd.s32 $0x5, v6;
	_ =	sdelay $0x2  }
0x1c8: {  	v4 =	vld.idx.msk [tilespmem:v3+s3+$0x0], $0xffff  }
0x1c9: {  	[tilespmem:s29+$0xC600] =	vst v1;
	v1 =	vadd.s32 $0x1, v3  }
0x1ca: {  	s26 =	simm.s32 $0x200;
	v2 =	vld.idx.msk [tilespmem:v2+s3+$0x0], $0xffff  }
0x1cb: {  	v5 =	vadd.s32 $0x6, v6;
	s1 =	sand.u32 $0x3FFFF000, s26  }
0x1cc: {  	s25 =	sor.u32 s0, s1  }
0x1cd: {  	[tilespmem:s25+$0xC400] =	vst v4  }
0x1ce: {  	s4 =	simm.s32 $0x20;
	v1 =	vld.idx.msk [tilespmem:v1+s3+$0x0], $0xffff  }
0x1cf: {  	s0 =	sand.u32 $0x70, s4;
	[tilespmem:s29+$0xC680] =	vst v2;
	v2 =	vadd.s32 $0x2, v3  }
0x1d0: {  	s5 =	sor.u32 s19, s0;
	v4 =	vld.idx.msk [tilespmem:v5+s3+$0x0], $0xffff  }
0x1d1: {  	s1 =	smul.u32 $0x32, s5;
	v5 =	vadd.s32 $0x7, v6  }
0x1d2: {  	s7 =	sadd.s32 $0x0, s31  }
0x1d3: {  	s1 =	sadd.s32 s1, s7;
	[tilespmem:s25+$0xC480] =	vst v1  }
0x1d4: {  	v1 =	vadd.s32 s1, v0;
	v2 =	vld.idx.msk [tilespmem:v2+s3+$0x0], $0xffff  }
0x1d5: {  	[tilespmem:s29+$0xC700] =	vst v4;
	v4 =	vadd.s32 $0x3, v3  }
0x1d6: {  	v5 =	vld.idx.msk [tilespmem:v5+s3+$0x0], $0xffff  }
0x1d7: {  	v7 =	vadd.s32 $0x8, v6;
	_ =	sdelay $0x1  }
0x1d8: {  	v1 =	vld.idx.msk [tilespmem:v1+s9+$0x0], $0xffff;
	[tilespmem:s25+$0xC500] =	vst v2  }
0x1d9: {  	v2 =	vld.idx.msk [tilespmem:v4+s3+$0x0], $0xffff  }
0x1da: {  	v4 =	vadd.s32 $0x4, v3;
	[tilespmem:s29+$0xC780] =	vst v5  }
0x1db: {  	v5 =	vld.idx.msk [tilespmem:v7+s3+$0x0], $0xffff  }
0x1dc: {  	v7 =	vadd.s32 $0x9, v6  }
0x1dd: {  	v1 =	vmul.u32 $0x21, v1  }
0x1de: {  	[tilespmem:s25+$0xC580] =	vst v2  }
0x1df: {  	v2 =	vld.idx.msk [tilespmem:v4+s3+$0x0], $0xffff  }
0x1e0: {  	v4 =	vadd.s32 $0x5, v3;
	[tilespmem:s29+$0xC800] =	vst v5  }
0x1e1: {  	v5 =	vld.idx.msk [tilespmem:v7+s3+$0x0], $0xffff  }
0x1e2: {  	v7 =	vadd.s32 $0xA, v6  }
0x1e3: {  	v8 =	vld.idx.msk [tilespmem:v1+s3+$0x0], $0xffff  }
0x1e4: {  	[tilespmem:s25+$0xC600] =	vst v2;
	v2 =	vadd.s32 $0x1, v1  }
0x1e5: {  	s8 =	simm.s32 $0x400;
	v4 =	vld.idx.msk [tilespmem:v4+s3+$0x0], $0xffff  }
0x1e6: {  	s1 =	sand.u32 $0x3FFFF000, s8;
	[tilespmem:s29+$0xC880] =	vst v5;
	v5 =	vadd.s32 $0x6, v3  }
0x1e7: {  	s24 =	sor.u32 s0, s1;
	v7 =	vld.idx.msk [tilespmem:v7+s3+$0x0], $0xffff  }
0x1e8: {  	[tilespmem:s24+$0xC400] =	vst v8;
	v8 =	vadd.s32 $0xB, v6  }
0x1e9: {  	s10 =	simm.s32 $0x30;
	v2 =	vld.idx.msk [tilespmem:v2+s3+$0x0], $0xffff  }
0x1ea: {  	s0 =	sand.u32 $0x70, s10;
	[tilespmem:s25+$0xC680] =	vst v4;
	v4 =	vadd.s32 $0x2, v1  }
0x1eb: {  	s15 =	sor.u32 s19, s0;
	v5 =	vld.idx.msk [tilespmem:v5+s3+$0x0], $0xffff  }
0x1ec: {  	s1 =	smul.u32 $0x32, s15;
	[tilespmem:s29+$0xC900] =	vst v7;
	v7 =	vadd.s32 $0x7, v3  }
0x1ed: {  	s26 =	sadd.s32 $0x0, s31;
	v8 =	vld.idx.msk [tilespmem:v8+s3+$0x0], $0xffff  }
0x1ee: {  	s1 =	sadd.s32 s1, s26;
	[tilespmem:s24+$0xC480] =	vst v2;
	v2 =	vadd.s32 $0xC, v6  }
0x1ef: {  	v9 =	vadd.s32 s1, v0;
	v4 =	vld.idx.msk [tilespmem:v4+s3+$0x0], $0xffff  }
0x1f0: {  	[tilespmem:s25+$0xC700] =	vst v5;
	v5 =	vadd.s32 $0x3, v1  }
0x1f1: {  	v7 =	vld.idx.msk [tilespmem:v7+s3+$0x0], $0xffff  }
0x1f2: {  	[tilespmem:s29+$0xC980] =	vst v8;
	v8 =	vadd.s32 $0x8, v3  }
0x1f3: {  	v2 =	vld.idx.msk [tilespmem:v2+s3+$0x0], $0xffff  }
0x1f4: {  	v9 =	vld.idx.msk [tilespmem:v9+s9+$0x0], $0xffff;
	[tilespmem:s24+$0xC500] =	vst v4;
	v4 =	vadd.s32 $0xD, v6  }
0x1f5: {  	v5 =	vld.idx.msk [tilespmem:v5+s3+$0x0], $0xffff  }
0x1f6: {  	[tilespmem:s25+$0xC780] =	vst v7;
	v7 =	vadd.s32 $0x4, v1  }
0x1f7: {  	v8 =	vld.idx.msk [tilespmem:v8+s3+$0x0], $0xffff  }
0x1f8: {  	v10 =	vadd.s32 $0x9, v3;
	[tilespmem:s29+$0xCA00] =	vst v2  }
0x1f9: {  	v4 =	vld.idx.msk [tilespmem:v4+s3+$0x0], $0xffff  }
0x1fa: {  	v2 =	vmul.u32 $0x21, v9;
	[tilespmem:s24+$0xC580] =	vst v5;
	v5 =	vadd.s32 $0xE, v6  }
0x1fb: {  	v7 =	vld.idx.msk [tilespmem:v7+s3+$0x0], $0xffff  }
0x1fc: {  	[tilespmem:s25+$0xC800] =	vst v8;
	v8 =	vadd.s32 $0x5, v1  }
0x1fd: {  	v9 =	vld.idx.msk [tilespmem:v10+s3+$0x0], $0xffff  }
0x1fe: {  	[tilespmem:s29+$0xCA80] =	vst v4;
	v4 =	vadd.s32 $0xA, v3  }
0x1ff: {  	v5 =	vld.idx.msk [tilespmem:v5+s3+$0x0], $0xffff  }
0x200: {  	v10 =	vld.idx.msk [tilespmem:v2+s3+$0x0], $0xffff;
	[tilespmem:s24+$0xC600] =	vst v7;
	v7 =	vadd.s32 $0xF, v6  }
0x201: {  	v11 =	vadd.s32 $0x1, v2;
	v8 =	vld.idx.msk [tilespmem:v8+s3+$0x0], $0xffff  }
0x202: {  	s5 =	simm.s32 $0x600;
	[tilespmem:s25+$0xC880] =	vst v9;
	v9 =	vadd.s32 $0x6, v1  }
0x203: {  	s1 =	sand.u32 $0x3FFFF000, s5;
	v4 =	vld.idx.msk [tilespmem:v4+s3+$0x0], $0xffff  }
0x204: {  	s26 =	sor.u32 s0, s1;
	[tilespmem:s29+$0xCB00] =	vst v5;
	v5 =	vadd.s32 $0xB, v3  }
0x205: {  	s7 =	simm.s32 $0x40;
	[tilespmem:s26+$0xC400] =	vst v10;
	v7 =	vld.idx.msk [tilespmem:v7+s3+$0x0], $0xffff  }
0x206: {  	s0 =	sand.u32 $0x70, s7;
	v10 =	vld.idx.msk [tilespmem:v11+s3+$0x0], $0xffff;
	[tilespmem:s24+$0xC680] =	vst v8;
	v8 =	vadd.s32 $0x10, v6  }
0x207: {  	s8 =	sor.u32 s19, s0;
	v11 =	vadd.s32 $0x2, v2;
	v9 =	vld.idx.msk [tilespmem:v9+s3+$0x0], $0xffff  }
0x208: {  	s1 =	smul.u32 $0x32, s8;
	[tilespmem:s25+$0xC900] =	vst v4;
	v4 =	vadd.s32 $0x7, v1  }
0x209: {  	s10 =	sadd.s32 $0x0, s31;
	v5 =	vld.idx.msk [tilespmem:v5+s3+$0x0], $0xffff  }
0x20a: {  	s1 =	sadd.s32 s1, s10;
	[tilespmem:s29+$0xCB80] =	vst v7;
	v7 =	vadd.s32 $0xC, v3  }
0x20b: {  	v12 =	vadd.s32 s1, v0;
	[tilespmem:s26+$0xC480] =	vst v10;
	v8 =	vld.idx.msk [tilespmem:v8+s3+$0x0], $0xffff  }
0x20c: {  	v10 =	vld.idx.msk [tilespmem:v11+s3+$0x0], $0xffff;
	[tilespmem:s24+$0xC700] =	vst v9;
	v9 =	vadd.s32 $0x11, v6  }
0x20d: {  	v11 =	vadd.s32 $0x3, v2;
	v4 =	vld.idx.msk [tilespmem:v4+s3+$0x0], $0xffff  }
0x20e: {  	[tilespmem:s25+$0xC980] =	vst v5;
	v5 =	vadd.s32 $0x8, v1  }
0x20f: {  	v7 =	vld.idx.msk [tilespmem:v7+s3+$0x0], $0xffff  }
0x210: {  	v12 =	vld.idx.msk [tilespmem:v12+s9+$0x0], $0xffff;
	[tilespmem:s29+$0xCC00] =	vst v8;
	v8 =	vadd.s32 $0xD, v3  }
0x211: {  	[tilespmem:s26+$0xC500] =	vst v10;
	v9 =	vld.idx.msk [tilespmem:v9+s3+$0x0], $0xffff  }
0x212: {  	v10 =	vld.idx.msk [tilespmem:v11+s3+$0x0], $0xffff;
	v11 =	vadd.s32 $0x12, v6;
	[tilespmem:s24+$0xC780] =	vst v4  }
0x213: {  	v13 =	vadd.s32 $0x4, v2;
	v5 =	vld.idx.msk [tilespmem:v5+s3+$0x0], $0xffff  }
0x214: {  	[tilespmem:s25+$0xCA00] =	vst v7;
	v7 =	vadd.s32 $0x9, v1  }
0x215: {  	v8 =	vld.idx.msk [tilespmem:v8+s3+$0x0], $0xffff  }
0x216: {  	v4 =	vmul.u32 $0x21, v12;
	[tilespmem:s29+$0xCC80] =	vst v9;
	v9 =	vadd.s32 $0xE, v3  }
0x217: {  	[tilespmem:s26+$0xC580] =	vst v10;
	v10 =	vld.idx.msk [tilespmem:v11+s3+$0x0], $0xffff  }
0x218: {  	v11 =	vld.idx.msk [tilespmem:v13+s3+$0x0], $0xffff;
	[tilespmem:s24+$0xC800] =	vst v5;
	v5 =	vadd.s32 $0x13, v6  }
0x219: {  	v12 =	vadd.s32 $0x5, v2;
	v7 =	vld.idx.msk [tilespmem:v7+s3+$0x0], $0xffff  }
0x21a: {  	[tilespmem:s25+$0xCA80] =	vst v8;
	v8 =	vadd.s32 $0xA, v1  }
0x21b: {  	v9 =	vld.idx.msk [tilespmem:v9+s3+$0x0], $0xffff  }
0x21c: {  	v13 =	vld.idx.msk [tilespmem:v4+s3+$0x0], $0xffff;
	[tilespmem:s29+$0xCD00] =	vst v10;
	v10 =	vadd.s32 $0xF, v3  }
0x21d: {  	[tilespmem:s26+$0xC600] =	vst v11;
	v11 =	vadd.s32 $0x1, v4;
	v5 =	vld.idx.msk [tilespmem:v5+s3+$0x0], $0xffff  }
0x21e: {  	s15 =	simm.s32 $0x800;
	v12 =	vld.idx.msk [tilespmem:v12+s3+$0x0], $0xffff;
	[tilespmem:s24+$0xC880] =	vst v7;
	v7 =	vadd.s32 $0x14, v6  }
0x21f: {  	s1 =	sand.u32 $0x3FFFF000, s15;
	v14 =	vadd.s32 $0x6, v2;
	v8 =	vld.idx.msk [tilespmem:v8+s3+$0x0], $0xffff  }
0x220: {  	s28 =	sor.u32 s0, s1;
	[tilespmem:s25+$0xCB00] =	vst v9;
	v9 =	vadd.s32 $0xB, v1  }
0x221: {  	s4 =	simm.s32 $0x50;
	[tilespmem:s28+$0xC400] =	vst v13;
	v10 =	vld.idx.msk [tilespmem:v10+s3+$0x0], $0xffff  }
0x222: {  	s0 =	sand.u32 $0x70, s4;
	v11 =	vld.idx.msk [tilespmem:v11+s3+$0x0], $0xffff;
	[tilespmem:s29+$0xCD80] =	vst v5;
	v5 =	vadd.s32 $0x10, v3  }
0x223: {  	s5 =	sor.u32 s19, s0;
	[tilespmem:s26+$0xC680] =	vst v12;
	v12 =	vadd.s32 $0x2, v4;
	v7 =	vld.idx.msk [tilespmem:v7+s3+$0x0], $0xffff  }
0x224: {  	s1 =	smul.u32 $0x32, s5;
	v13 =	vld.idx.msk [tilespmem:v14+s3+$0x0], $0xffff;
	[tilespmem:s24+$0xC900] =	vst v8;
	v8 =	vadd.s32 $0x15, v6  }
0x225: {  	s7 =	sadd.s32 $0x0, s31;
	v14 =	vadd.s32 $0x7, v2;
	v9 =	vld.idx.msk [tilespmem:v9+s3+$0x0], $0xffff  }
0x226: {  	s1 =	sadd.s32 s1, s7;
	[tilespmem:s25+$0xCB80] =	vst v10;
	v10 =	vadd.s32 $0xC, v1  }
0x227: {  	s8 =	simm.s32 $0x60;
	v15 =	vadd.s32 s1, v0;
	[tilespmem:s28+$0xC480] =	vst v11;
	v5 =	vld.idx.msk [tilespmem:v5+s3+$0x0], $0xffff  }
0x228: {  	s1 =	sand.u32 $0x70, s8;
	v11 =	vld.idx.msk [tilespmem:v12+s3+$0x0], $0xffff;
	[tilespmem:s29+$0xCE00] =	vst v7;
	v7 =	vadd.s32 $0x11, v3  }
0x229: {  	s10 =	sor.u32 s19, s1;
	v12 =	vadd.s32 $0x3, v4;
	[tilespmem:s26+$0xC700] =	vst v13;
	v8 =	vld.idx.msk [tilespmem:v8+s3+$0x0], $0xffff  }
0x22a: {  	s4 =	smul.u32 $0x32, s10;
	v13 =	vld.idx.msk [tilespmem:v14+s3+$0x0], $0xffff;
	[tilespmem:s24+$0xC980] =	vst v9;
	v9 =	vadd.s32 $0x16, v6  }
0x22b: {  	s15 =	sadd.s32 $0x0, s31;
	v14 =	vadd.s32 $0x8, v2;
	v10 =	vld.idx.msk [tilespmem:v10+s3+$0x0], $0xffff  }
0x22c: {  	s4 =	sadd.s32 s4, s15;
	v15 =	vld.idx.msk [tilespmem:v15+s9+$0x0], $0xffff;
	[tilespmem:s25+$0xCC00] =	vst v5;
	v5 =	vadd.s32 $0xD, v1  }
0x22d: {  	[tilespmem:s28+$0xC500] =	vst v11;
	v11 =	vadd.s32 s4, v0;
	v7 =	vld.idx.msk [tilespmem:v7+s3+$0x0], $0xffff  }
0x22e: {  	v12 =	vld.idx.msk [tilespmem:v12+s3+$0x0], $0xffff;
	[tilespmem:s29+$0xCE80] =	vst v8;
	v8 =	vadd.s32 $0x12, v3  }
0x22f: {  	[tilespmem:s26+$0xC780] =	vst v13;
	v13 =	vadd.s32 $0x4, v4;
	v9 =	vld.idx.msk [tilespmem:v9+s3+$0x0], $0xffff  }
0x230: {  	v14 =	vld.idx.msk [tilespmem:v14+s3+$0x0], $0xffff;
	[tilespmem:s24+$0xCA00] =	vst v10;
	v10 =	vadd.s32 $0x17, v6  }
0x231: {  	v16 =	vadd.s32 $0x9, v2;
	v17 =	vld.idx.msk [tilespmem:v5+s3+$0x0], $0xffff  }
0x232: {  	v11 =	vld.idx.msk [tilespmem:v11+s9+$0x0], $0xffff;
	v5 =	vmul.u32 $0x21, v15;
	[tilespmem:s25+$0xCC80] =	vst v7;
	v7 =	vadd.s32 $0xE, v1  }
0x233: {  	[tilespmem:s28+$0xC580] =	vst v12;
	v8 =	vld.idx.msk [tilespmem:v8+s3+$0x0], $0xffff  }
0x234: {  	v12 =	vld.idx.msk [tilespmem:v13+s3+$0x0], $0xffff;
	[tilespmem:s29+$0xCF00] =	vst v9;
	v9 =	vadd.s32 $0x13, v3  }
0x235: {  	v13 =	vadd.s32 $0x5, v4;
	[tilespmem:s26+$0xC800] =	vst v14;
	v10 =	vld.idx.msk [tilespmem:v10+s3+$0x0], $0xffff  }
0x236: {  	v15 =	vadd.s32 $0x18, v6;
	v14 =	vld.idx.msk [tilespmem:v16+s3+$0x0], $0xffff;
	[tilespmem:s24+$0xCA80] =	vst v17  }
0x237: {  	v16 =	vadd.s32 $0xA, v2;
	v7 =	vld.idx.msk [tilespmem:v7+s3+$0x0], $0xffff  }
0x238: {  	v17 =	vld.idx.msk [tilespmem:v5+s3+$0x0], $0xffff;
	[tilespmem:s25+$0xCD00] =	vst v8;
	v8 =	vadd.s32 $0xF, v1  }
0x239: {  	[tilespmem:s28+$0xC600] =	vst v12;
	v12 =	vadd.s32 $0x1, v5;
	v9 =	vld.idx.msk [tilespmem:v9+s3+$0x0], $0xffff  }
0x23a: {  	s7 =	simm.s32 $0xA00;
	v13 =	vld.idx.msk [tilespmem:v13+s3+$0x0], $0xffff;
	[tilespmem:s29+$0xCF80] =	vst v10;
	v10 =	vadd.s32 $0x14, v3  }
0x23b: {  	s4 =	sand.u32 $0x3FFFF000, s7;
	[tilespmem:s26+$0xC880] =	vst v14;
	v14 =	vld.idx.msk [tilespmem:v15+s3+$0x0], $0xffff;
	v15 =	vadd.s32 $0x6, v4  }
0x23c: {  	s30 =	sor.u32 s0, s4;
	v16 =	vld.idx.msk [tilespmem:v16+s3+$0x0], $0xffff;
	[tilespmem:s24+$0xCB00] =	vst v7;
	v7 =	vadd.s32 $0x19, v6  }
0x23d: {  	[tilespmem:s30+$0xC400] =	vst v17;
	v17 =	vadd.s32 $0xB, v2;
	v8 =	vld.idx.msk [tilespmem:v8+s3+$0x0], $0xffff  }
0x23e: {  	v12 =	vld.idx.msk [tilespmem:v12+s3+$0x0], $0xffff;
	[tilespmem:s25+$0xCD80] =	vst v9;
	v9 =	vadd.s32 $0x10, v1  }
0x23f: {  	[tilespmem:s28+$0xC680] =	vst v13;
	v13 =	vadd.s32 $0x2, v5;
	v10 =	vld.idx.msk [tilespmem:v10+s3+$0x0], $0xffff  }
0x240: {  	v15 =	vld.idx.msk [tilespmem:v15+s3+$0x0], $0xffff;
	[tilespmem:s29+$0xD000] =	vst v14;
	v14 =	vadd.s32 $0x15, v3  }
0x241: {  	[tilespmem:s26+$0xC900] =	vst v16;
	v16 =	vadd.s32 $0x7, v4;
	v7 =	vld.idx.msk [tilespmem:v7+s3+$0x0], $0xffff  }
0x242: {  	s0 =	simm.s32 $0x70;
	v17 =	vld.idx.msk [tilespmem:v17+s3+$0x0], $0xffff;
	[tilespmem:s24+$0xCB80] =	vst v8;
	v8 =	vadd.s32 $0x1A, v6  }
0x243: {  	s4 =	sand.u32 $0x70, s0;
	[tilespmem:s30+$0xC480] =	vst v12;
	v12 =	vadd.s32 $0xC, v2;
	v9 =	vld.idx.msk [tilespmem:v9+s3+$0x0], $0xffff  }
0x244: {  	s8 =	sor.u32 s19, s4;
	v13 =	vld.idx.msk [tilespmem:v13+s3+$0x0], $0xffff;
	[tilespmem:s25+$0xCE00] =	vst v10;
	v10 =	vadd.s32 $0x11, v1  }
0x245: {  	s5 =	smul.u32 $0x32, s8;
	[tilespmem:s28+$0xC700] =	vst v15;
	v14 =	vld.idx.msk [tilespmem:v14+s3+$0x0], $0xffff;
	v15 =	vadd.s32 $0x3, v5  }
0x246: {  	s10 =	sadd.s32 $0x0, s31;
	v16 =	vld.idx.msk [tilespmem:v16+s3+$0x0], $0xffff;
	[tilespmem:s29+$0xD080] =	vst v7;
	v7 =	vadd.s32 $0x16, v3  }
0x247: {  	s5 =	sadd.s32 s5, s10;
	[tilespmem:s26+$0xC980] =	vst v17;
	v17 =	vadd.s32 $0x8, v4;
	v8 =	vld.idx.msk [tilespmem:v8+s3+$0x0], $0xffff  }
0x248: {  	v18 =	vadd.s32 s5, v0;
	v12 =	vld.idx.msk [tilespmem:v12+s3+$0x0], $0xffff;
	[tilespmem:s24+$0xCC00] =	vst v9  }
0x249: {  	v9 =	vadd.s32 $0x1B, v6;
	[tilespmem:s30+$0xC500] =	vst v13;
	v10 =	vld.idx.msk [tilespmem:v10+s3+$0x0], $0xffff  }
0x24a: {  	v13 =	vadd.s32 $0xD, v2;
	v15 =	vld.idx.msk [tilespmem:v15+s3+$0x0], $0xffff;
	[tilespmem:s25+$0xCE80] =	vst v14  }
0x24b: {  	v14 =	vadd.s32 $0x12, v1;
	[tilespmem:s28+$0xC780] =	vst v16;
	v16 =	vld.idx.msk [tilespmem:v7+s3+$0x0], $0xffff  }
0x24c: {  	v19 =	vadd.s32 $0x4, v5;
	v17 =	vld.idx.msk [tilespmem:v17+s3+$0x0], $0xffff;
	[tilespmem:s29+$0xD100] =	vst v8  }
0x24d: {  	v7 =	vmul.u32 $0x21, v11;
	[tilespmem:s26+$0xCA00] =	vst v12;
	v12 =	vadd.s32 $0x17, v3;
	v8 =	vld.idx.msk [tilespmem:v18+s9+$0x0], $0xffff  }
0x24e: {  	v9 =	vld.idx.msk [tilespmem:v9+s3+$0x0], $0xffff  }
0x24f: {  	v20 =	vadd.s32 $0x9, v4;
	v13 =	vld.idx.msk [tilespmem:v13+s3+$0x0], $0xffff;
	[tilespmem:s24+$0xCC80] =	vst v10  }
0x250: {  	v10 =	vadd.s32 $0x1C, v6;
	[tilespmem:s30+$0xC580] =	vst v15;
	v14 =	vld.idx.msk [tilespmem:v14+s3+$0x0], $0xffff  }
0x251: {  	v11 =	vadd.s32 $0xE, v2;
	v15 =	vld.idx.msk [tilespmem:v19+s3+$0x0], $0xffff;
	[tilespmem:s25+$0xCF00] =	vst v16  }
0x252: {  	v16 =	vadd.s32 $0x13, v1;
	v12 =	vld.idx.msk [tilespmem:v12+s3+$0x0], $0xffff  }
0x253: {  	[tilespmem:s28+$0xC800] =	vst v17;
	v17 =	vadd.s32 $0x5, v5;
	v19 =	vld.idx.msk [tilespmem:v7+s3+$0x0], $0xffff  }
0x254: {  	v18 =	vld.idx.msk [tilespmem:v20+s3+$0x0], $0xffff;
	[tilespmem:s29+$0xD180] =	vst v9;
	v9 =	vadd.s32 $0x18, v3  }
0x255: {  	[tilespmem:s26+$0xCA80] =	vst v13;
	v20 =	vadd.s32 $0x1, v7;
	v10 =	vld.idx.msk [tilespmem:v10+s3+$0x0], $0xffff  }
0x256: {  	s15 =	simm.s32 $0xC00;
	v13 =	vadd.s32 $0xA, v4;
	v11 =	vld.idx.msk [tilespmem:v11+s3+$0x0], $0xffff;
	[tilespmem:s24+$0xCD00] =	vst v14  }
0x257: {  	s5 =	sand.u32 $0x3FFFF000, s15;
	v14 =	vadd.s32 $0x1D, v6;
	[tilespmem:s30+$0xC600] =	vst v15;
	v16 =	vld.idx.msk [tilespmem:v16+s3+$0x0], $0xffff  }
0x258: {  	s1 =	sor.u32 s1, s5;
	v15 =	vadd.s32 $0xF, v2;
	v17 =	vld.idx.msk [tilespmem:v17+s3+$0x0], $0xffff;
	[tilespmem:s25+$0xCF80] =	vst v12  }
0x259: {  	v21 =	vadd.s32 $0x14, v1;
	[tilespmem:s1+$0xC400] =	vst v19;
	v9 =	vld.idx.msk [tilespmem:v9+s3+$0x0], $0xffff  }
0x25a: {  	v22 =	vadd.s32 $0x6, v5;
	[tilespmem:s28+$0xC880] =	vst v18;
	v18 =	vld.idx.msk [tilespmem:v20+s3+$0x0], $0xffff  }
0x25b: {  	v23 =	vld.idx.msk [tilespmem:v13+s3+$0x0], $0xffff;
	[tilespmem:s29+$0xD200] =	vst v10;
	v10 =	vadd.s32 $0x19, v3  }
0x25c: {  	v25 =	vadd.s32 $0xB, v4;
	[tilespmem:s26+$0xCB00] =	vst v11;
	v24 =	vld.idx.msk [tilespmem:v14+s3+$0x0], $0xffff  }
0x25d: {  	v14 =	vadd.s32 $0x1E, v6;
	v12 =	vld.idx.msk [tilespmem:v15+s3+$0x0], $0xffff;
	[tilespmem:s24+$0xCD80] =	vst v16  }
0x25e: {  	v11 =	vadd.s32 $0x10, v2;
	[tilespmem:s30+$0xC680] =	vst v17;
	v13 =	vld.idx.msk [tilespmem:v21+s3+$0x0], $0xffff  }
0x25f: {  	v19 =	vadd.s32 $0x2, v7;
	v16 =	vld.idx.msk [tilespmem:v22+s3+$0x0], $0xffff;
	[tilespmem:s25+$0xD000] =	vst v9  }
0x260: {  	[tilespmem:s28+$0xC900] =	vst v23;
	v9 =	vld.idx.msk [tilespmem:v10+s3+$0x0], $0xffff;
	v10 =	vadd.s32 $0x15, v1  }
0x261: {  	s7 =	simm.s32 $0x8;
	s5 =	simm.s32 $0x7;
	v17 =	vadd.s32 $0x7, v5;
	v15 =	vld.idx.msk [tilespmem:v25+s3+$0x0], $0xffff;
	[tilespmem:s29+$0xD280] =	vst v24  }
.LBB2_6:
0x262: {  	p0 =	sne.s32 s7, $0x27;
	[tilespmem:s26+$0xCB80] =	vst v12;
	v12 =	vadd.s32 $0x1A, v3;
	v14 =	vld.idx.msk [tilespmem:v14+s3+$0x0], $0xffff  }
0x263: {  	[tilespmem:s1+$0xC480] =	vst v18;
	v18 =	vadd.s32 $0xC, v4;
	v11 =	vld.idx.msk [tilespmem:v11+s3+$0x0], $0xffff  }
0x264: {  	v19 =	vld.idx.msk [tilespmem:v19+s3+$0x0], $0xffff;
	[tilespmem:s24+$0xCE00] =	vst v13;
	v13 =	vadd.s32 $0x1F, v6;
	v6 =	vmovc v3;
	v3 =	vmovc v1;
	v1 =	vmov v2;
	v2 =	vmov v4  }
0x265: {  	s0 =	sadd.s32 $0x10, s0;
	v4 =	vmov v5;
	v5 =	vmov v7;
	[tilespmem:s30+$0xC700] =	vst v16;
	v16 =	vadd.s32 $0x11, v1;
	v10 =	vld.idx.msk [tilespmem:v10+s3+$0x0], $0xffff  }
0x266: {  	s8 =	sand.u32 $0x70, s0;
	v7 =	vadd.s32 $0x3, v5;
	v17 =	vld.idx.msk [tilespmem:v17+s3+$0x0], $0xffff;
	[tilespmem:s25+$0xD080] =	vst v9  }
0x267: {  	s10 =	sor.u32 s19, s8;
	v9 =	vadd.s32 $0x16, v3;
	[tilespmem:s28+$0xC980] =	vst v15;
	v12 =	vld.idx.msk [tilespmem:v12+s3+$0x0], $0xffff  }
0x268: {  	s15 =	sshrl.u32 s7, $0x3;
	s10 =	smul.u32 $0x32, s10;
	v15 =	vadd.s32 $0x8, v4;
	v18 =	vld.idx.msk [tilespmem:v18+s3+$0x0], $0xffff;
	[tilespmem:s29+$0xD300] =	vst v14  }
0x269: {  	s15 =	sadd.s32 s31, s15;
	[tilespmem:s26+$0xCC00] =	vst v11;
	v11 =	vadd.s32 $0x1B, v6;
	v13 =	vld.idx.msk [tilespmem:v13+s3+$0x0], $0xffff  }
0x26a: {  	s10 =	sadd.s32 s10, s15;
	v14 =	vadd.s32 $0xD, v2;
	[tilespmem:s1+$0xC500] =	vst v19;
	v16 =	vld.idx.msk [tilespmem:v16+s3+$0x0], $0xffff  }
0x26b: {  	v19 =	vadd.s32 s10, v0;
	v20 =	vld.idx.msk [tilespmem:v7+s3+$0x0], $0xffff;
	[tilespmem:s24+$0xCE80] =	vst v10  }
0x26c: {  	v10 =	vadd.s32 $0x12, v1;
	[tilespmem:s30+$0xC780] =	vst v17;
	v9 =	vld.idx.msk [tilespmem:v9+s3+$0x0], $0xffff  }
0x26d: {  	v17 =	vadd.s32 $0x4, v5;
	v15 =	vld.idx.msk [tilespmem:v15+s3+$0x0], $0xffff;
	[tilespmem:s25+$0xD100] =	vst v12  }
0x26e: {  	v12 =	vadd.s32 $0x17, v3;
	[tilespmem:s28+$0xCA00] =	vst v18;
	v11 =	vld.idx.msk [tilespmem:v11+s3+$0x0], $0xffff  }
0x26f: {  	v18 =	vadd.s32 $0x9, v4;
	v14 =	vld.idx.msk [tilespmem:v14+s3+$0x0], $0xffff;
	[tilespmem:s29+$0xD380] =	vst v13;
	s29 =	smov.u32 s25;
	s25 =	smov.u32 s24;
	s24 =	smov.u32 s26  }
0x270: {  	s26 =	smov.u32 s28;
	s28 =	smov.u32 s30;
	s30 =	smov.u32 s1;
	v13 =	vld.idx.msk [tilespmem:v19+s9+$0x0], $0xffff;
	[tilespmem:s24+$0xCC80] =	vst v16;
	v16 =	vadd.s32 $0x1C, v6  }
0x271: {  	v7 =	vmul.u32 $0x21, v8;
	v8 =	vadd.s32 $0xE, v2;
	[tilespmem:s30+$0xC580] =	vst v20;
	v10 =	vld.idx.msk [tilespmem:v10+s3+$0x0], $0xffff  }
0x272: {  	v17 =	vld.idx.msk [tilespmem:v17+s3+$0x0], $0xffff;
	[tilespmem:s25+$0xCF00] =	vst v9  }
0x273: {  	v9 =	vadd.s32 $0x13, v1;
	[tilespmem:s28+$0xC800] =	vst v15;
	v12 =	vld.idx.msk [tilespmem:v12+s3+$0x0], $0xffff  }
0x274: {  	v15 =	vadd.s32 $0x5, v5;
	v18 =	vld.idx.msk [tilespmem:v18+s3+$0x0], $0xffff;
	[tilespmem:s29+$0xD180] =	vst v11  }
0x275: {  	v11 =	vadd.s32 $0x18, v3;
	[tilespmem:s26+$0xCA80] =	vst v14;
	v14 =	vld.idx.msk [tilespmem:v16+s3+$0x0], $0xffff  }
0x276: {  	v16 =	vadd.s32 $0xA, v4;
	v19 =	vld.idx.msk [tilespmem:v8+s3+$0x0], $0xffff;
	v8 =	vmov v13  }
0x277: {  	v13 =	vld.idx.msk [tilespmem:v7+s3+$0x0], $0xffff;
	[tilespmem:s24+$0xCD00] =	vst v10;
	v10 =	vadd.s32 $0x1D, v6  }
0x278: {  	[tilespmem:s30+$0xC600] =	vst v17;
	v17 =	vadd.s32 $0xF, v2;
	v9 =	vld.idx.msk [tilespmem:v9+s3+$0x0], $0xffff  }
0x279: {  	v20 =	vadd.s32 $0x1, v7;
	v15 =	vld.idx.msk [tilespmem:v15+s3+$0x0], $0xffff;
	[tilespmem:s25+$0xCF80] =	vst v12  }
0x27a: {  	v21 =	vadd.s32 $0x14, v1;
	s1 =	sshll.u32 s5, $0x9;
	s5 =	smov.u32 s7;
	[tilespmem:s28+$0xC880] =	vst v18;
	v22 =	vld.idx.msk [tilespmem:v11+s3+$0x0], $0xffff  }
0x27b: {  	v23 =	vadd.s32 $0x6, v5;
	s1 =	sand.u32 $0x3FFFF000, s1;
	v24 =	vld.idx.msk [tilespmem:v16+s3+$0x0], $0xffff;
	[tilespmem:s29+$0xD200] =	vst v14  }
0x27c: {  	v25 =	vadd.s32 $0x19, v3;
	s1 =	sor.u32 s4, s1;
	s4 =	smov.u32 s8;
	[tilespmem:s26+$0xCB00] =	vst v19;
	v26 =	vld.idx.msk [tilespmem:v10+s3+$0x0], $0xffff  }
0x27d: {  	v27 =	vadd.s32 $0xB, v4;
	[tilespmem:s1+$0xC400] =	vst v13;
	v12 =	vld.idx.msk [tilespmem:v17+s3+$0x0], $0xffff  }
.Ltmp1:
0x27e: {  	v14 =	vadd.s32 $0x1E, v6;
	v18 =	vld.idx.msk [tilespmem:v20+s3+$0x0], $0xffff;
	[tilespmem:s24+$0xCD80] =	vst v9;
	(pc) =	sbr.rel @p0 .LBB2_6-.Ltmp1, $4  }
0x27f: {  	v11 =	vadd.s32 $0x10, v2;
	[tilespmem:s30+$0xC680] =	vst v15;
	v13 =	vld.idx.msk [tilespmem:v21+s3+$0x0], $0xffff  }
0x280: {  	v19 =	vadd.s32 $0x2, v7;
	v16 =	vld.idx.msk [tilespmem:v23+s3+$0x0], $0xffff;
	[tilespmem:s25+$0xD000] =	vst v22  }
0x281: {  	v10 =	vadd.s32 $0x15, v1;
	[tilespmem:s28+$0xC900] =	vst v24;
	v9 =	vld.idx.msk [tilespmem:v25+s3+$0x0], $0xffff  }
0x282: {  	s7 =	sadd.s32 $0x1, s7;
	v17 =	vadd.s32 $0x7, v5;
	v15 =	vld.idx.msk [tilespmem:v27+s3+$0x0], $0xffff;
	[tilespmem:s29+$0xD280] =	vst v26  }
0x283: {  	v8 =	vmul.u32 $0x21, v8;
	_ =	sdelay $0x5  }
0x284: {  	v20 =	vld.idx.msk [tilespmem:v8+s3+$0x0], $0xffff  }
0x285: {  	v21 =	vadd.s32 $0x1, v8  }
0x286: {  	s0 =	sshll.u32 s5, $0x9  }
0x287: {  	s0 =	sand.u32 $0x3FFFF000, s0  }
0x288: {  	s31 =	sor.u32 s4, s0  }
0x289: {  	[tilespmem:s31+$0xC400] =	vst v20  }
0x28a: {  	v20 =	vld.idx.msk [tilespmem:v21+s3+$0x0], $0xffff  }
0x28b: {  	v40 =	vadd.s32 $0x2, v8;
	_ =	sdelay $0x2  }
0x28c: {  	[tilespmem:s1+$0xC480] =	vst v18  }
0x28d: {  	v18 =	vld.idx.msk [tilespmem:v19+s3+$0x0], $0xffff;
	[tilespmem:s31+$0xC480] =	vst v20  }
0x28e: {  	v41 =	vadd.s32 $0x3, v7;
	v20 =	vld.idx.msk [tilespmem:v40+s3+$0x0], $0xffff  }
0x28f: {  	v42 =	vadd.s32 $0x3, v8;
	_ =	sdelay $0x2  }
0x290: {  	[tilespmem:s1+$0xC500] =	vst v18  }
0x291: {  	v18 =	vld.idx.msk [tilespmem:v41+s3+$0x0], $0xffff;
	[tilespmem:s31+$0xC500] =	vst v20  }
0x292: {  	v43 =	vadd.s32 $0x4, v7;
	v20 =	vld.idx.msk [tilespmem:v42+s3+$0x0], $0xffff  }
0x293: {  	v44 =	vadd.s32 $0x4, v8;
	_ =	sdelay $0x2  }
0x294: {  	[tilespmem:s1+$0xC580] =	vst v18  }
0x295: {  	v18 =	vld.idx.msk [tilespmem:v43+s3+$0x0], $0xffff;
	[tilespmem:s31+$0xC580] =	vst v20  }
0x296: {  	v45 =	vadd.s32 $0x5, v7;
	v20 =	vld.idx.msk [tilespmem:v44+s3+$0x0], $0xffff  }
0x297: {  	v46 =	vadd.s32 $0x5, v8;
	_ =	sdelay $0x2  }
0x298: {  	[tilespmem:s1+$0xC600] =	vst v18  }
0x299: {  	v18 =	vld.idx.msk [tilespmem:v45+s3+$0x0], $0xffff;
	[tilespmem:s31+$0xC600] =	vst v20  }
0x29a: {  	v47 =	vadd.s32 $0x6, v7;
	v20 =	vld.idx.msk [tilespmem:v46+s3+$0x0], $0xffff  }
0x29b: {  	v48 =	vadd.s32 $0x6, v8;
	_ =	sdelay $0x2  }
0x29c: {  	[tilespmem:s1+$0xC680] =	vst v18  }
0x29d: {  	v18 =	vld.idx.msk [tilespmem:v47+s3+$0x0], $0xffff;
	[tilespmem:s31+$0xC680] =	vst v20  }
0x29e: {  	v49 =	vadd.s32 $0x7, v7;
	v20 =	vld.idx.msk [tilespmem:v48+s3+$0x0], $0xffff  }
0x29f: {  	v50 =	vadd.s32 $0x7, v8;
	_ =	sdelay $0x1  }
0x2a0: {  	[tilespmem:s30+$0xC700] =	vst v16  }
0x2a1: {  	v16 =	vld.idx.msk [tilespmem:v17+s3+$0x0], $0xffff;
	[tilespmem:s1+$0xC700] =	vst v18  }
0x2a2: {  	v51 =	vadd.s32 $0x8, v5;
	v18 =	vld.idx.msk [tilespmem:v49+s3+$0x0], $0xffff;
	[tilespmem:s31+$0xC700] =	vst v20  }
0x2a3: {  	v52 =	vadd.s32 $0x8, v7;
	v20 =	vld.idx.msk [tilespmem:v50+s3+$0x0], $0xffff  }
0x2a4: {  	v53 =	vadd.s32 $0x8, v8;
	_ =	sdelay $0x1  }
0x2a5: {  	[tilespmem:s30+$0xC780] =	vst v16  }
0x2a6: {  	v16 =	vld.idx.msk [tilespmem:v51+s3+$0x0], $0xffff;
	[tilespmem:s1+$0xC780] =	vst v18  }
0x2a7: {  	v54 =	vadd.s32 $0x9, v5;
	v18 =	vld.idx.msk [tilespmem:v52+s3+$0x0], $0xffff;
	[tilespmem:s31+$0xC780] =	vst v20  }
0x2a8: {  	v55 =	vadd.s32 $0x9, v7;
	v20 =	vld.idx.msk [tilespmem:v53+s3+$0x0], $0xffff  }
0x2a9: {  	v56 =	vadd.s32 $0x9, v8;
	_ =	sdelay $0x1  }
0x2aa: {  	[tilespmem:s30+$0xC800] =	vst v16  }
0x2ab: {  	v16 =	vld.idx.msk [tilespmem:v54+s3+$0x0], $0xffff;
	[tilespmem:s1+$0xC800] =	vst v18  }
0x2ac: {  	v57 =	vadd.s32 $0xA, v5;
	v18 =	vld.idx.msk [tilespmem:v55+s3+$0x0], $0xffff;
	[tilespmem:s31+$0xC800] =	vst v20  }
0x2ad: {  	v58 =	vadd.s32 $0xA, v7;
	v20 =	vld.idx.msk [tilespmem:v56+s3+$0x0], $0xffff  }
0x2ae: {  	v59 =	vadd.s32 $0xA, v8;
	_ =	sdelay $0x1  }
0x2af: {  	[tilespmem:s30+$0xC880] =	vst v16  }
0x2b0: {  	v16 =	vld.idx.msk [tilespmem:v57+s3+$0x0], $0xffff;
	[tilespmem:s1+$0xC880] =	vst v18  }
0x2b1: {  	v60 =	vadd.s32 $0xB, v5;
	v18 =	vld.idx.msk [tilespmem:v58+s3+$0x0], $0xffff;
	[tilespmem:s31+$0xC880] =	vst v20  }
0x2b2: {  	v61 =	vadd.s32 $0xB, v7;
	v20 =	vld.idx.msk [tilespmem:v59+s3+$0x0], $0xffff  }
0x2b3: {  	v62 =	vadd.s32 $0xB, v8;
	_ =	sdelay $0x1  }
0x2b4: {  	[tilespmem:s30+$0xC900] =	vst v16  }
0x2b5: {  	v63 =	vadd.s32 $0xC, v4;
	v17 =	vld.idx.msk [tilespmem:v60+s3+$0x0], $0xffff;
	[tilespmem:s1+$0xC900] =	vst v18  }
0x2b6: {  	v24 =	vadd.s32 $0xC, v5;
	v19 =	vld.idx.msk [tilespmem:v61+s3+$0x0], $0xffff;
	[tilespmem:s31+$0xC900] =	vst v20  }
0x2b7: {  	v25 =	vadd.s32 $0xC, v7;
	v21 =	vld.idx.msk [tilespmem:v62+s3+$0x0], $0xffff  }
0x2b8: {  	v22 =	vadd.s32 $0xC, v8  }
0x2b9: {  	[tilespmem:s28+$0xC980] =	vst v15  }
0x2ba: {  	v15 =	vld.idx.msk [tilespmem:v63+s3+$0x0], $0xffff;
	[tilespmem:s30+$0xC980] =	vst v17  }
0x2bb: {  	v26 =	vadd.s32 $0xD, v4;
	v17 =	vld.idx.msk [tilespmem:v24+s3+$0x0], $0xffff;
	[tilespmem:s1+$0xC980] =	vst v19  }
0x2bc: {  	v27 =	vadd.s32 $0xD, v5;
	v19 =	vld.idx.msk [tilespmem:v25+s3+$0x0], $0xffff;
	[tilespmem:s31+$0xC980] =	vst v21  }
0x2bd: {  	v28 =	vadd.s32 $0xD, v7;
	v21 =	vld.idx.msk [tilespmem:v22+s3+$0x0], $0xffff  }
0x2be: {  	v29 =	vadd.s32 $0xD, v8  }
0x2bf: {  	[tilespmem:s28+$0xCA00] =	vst v15  }
0x2c0: {  	v15 =	vld.idx.msk [tilespmem:v26+s3+$0x0], $0xffff;
	[tilespmem:s30+$0xCA00] =	vst v17  }
0x2c1: {  	v30 =	vadd.s32 $0xE, v4;
	v17 =	vld.idx.msk [tilespmem:v27+s3+$0x0], $0xffff;
	[tilespmem:s1+$0xCA00] =	vst v19  }
0x2c2: {  	v31 =	vadd.s32 $0xE, v5;
	v19 =	vld.idx.msk [tilespmem:v28+s3+$0x0], $0xffff;
	[tilespmem:s31+$0xCA00] =	vst v21  }
0x2c3: {  	[tilespmem:s26+$0xCB80] =	vst v12;
	v32 =	vadd.s32 $0xE, v7;
	v33 =	vld.idx.msk [tilespmem:v29+s3+$0x0], $0xffff  }
0x2c4: {  	[tilespmem:s24+$0xCE00] =	vst v13;
	v34 =	vadd.s32 $0xE, v8  }
0x2c5: {  	v14 =	vld.idx.msk [tilespmem:v14+s3+$0x0], $0xffff;
	[tilespmem:s28+$0xCA80] =	vst v15  }
0x2c6: {  	v15 =	vld.idx.msk [tilespmem:v30+s3+$0x0], $0xffff;
	[tilespmem:s30+$0xCA80] =	vst v17  }
0x2c7: {  	v35 =	vadd.s32 $0xF, v4;
	v17 =	vld.idx.msk [tilespmem:v31+s3+$0x0], $0xffff;
	[tilespmem:s1+$0xCA80] =	vst v19  }
0x2c8: {  	v36 =	vadd.s32 $0xF, v5;
	v12 =	vld.idx.msk [tilespmem:v32+s3+$0x0], $0xffff;
	[tilespmem:s31+$0xCA80] =	vst v33  }
0x2c9: {  	v37 =	vadd.s32 $0xF, v7;
	[tilespmem:s25+$0xD080] =	vst v9;
	v13 =	vld.idx.msk [tilespmem:v34+s3+$0x0], $0xffff  }
0x2ca: {  	v11 =	vld.idx.msk [tilespmem:v11+s3+$0x0], $0xffff;
	v38 =	vadd.s32 $0xF, v8;
	[tilespmem:s29+$0xD300] =	vst v14  }
0x2cb: {  	v6 =	vadd.s32 $0x1F, v6;
	v10 =	vld.idx.msk [tilespmem:v10+s3+$0x0], $0xffff;
	[tilespmem:s28+$0xCB00] =	vst v15  }
0x2cc: {  	v39 =	vadd.s32 $0x1A, v3;
	v15 =	vld.idx.msk [tilespmem:v35+s3+$0x0], $0xffff;
	[tilespmem:s30+$0xCB00] =	vst v17  }
0x2cd: {  	v40 =	vadd.s32 $0x10, v4;
	v17 =	vld.idx.msk [tilespmem:v36+s3+$0x0], $0xffff;
	[tilespmem:s1+$0xCB00] =	vst v12  }
0x2ce: {  	v41 =	vadd.s32 $0x10, v5;
	v9 =	vld.idx.msk [tilespmem:v37+s3+$0x0], $0xffff;
	[tilespmem:s31+$0xCB00] =	vst v13  }
0x2cf: {  	[tilespmem:s26+$0xCC00] =	vst v11;
	v42 =	vadd.s32 $0x10, v7;
	v13 =	vld.idx.msk [tilespmem:v38+s3+$0x0], $0xffff  }
0x2d0: {  	v6 =	vld.idx.msk [tilespmem:v6+s3+$0x0], $0xffff;
	[tilespmem:s24+$0xCE80] =	vst v10;
	v44 =	vadd.s32 $0x10, v8  }
0x2d1: {  	v43 =	vld.idx.msk [tilespmem:v39+s3+$0x0], $0xffff;
	[tilespmem:s28+$0xCB80] =	vst v15;
	v46 =	vadd.s32 $0x16, v1  }
0x2d2: {  	v45 =	vadd.s32 $0x11, v2;
	v16 =	vld.idx.msk [tilespmem:v40+s3+$0x0], $0xffff;
	[tilespmem:s30+$0xCB80] =	vst v17  }
0x2d3: {  	v47 =	vadd.s32 $0x11, v4;
	v12 =	vld.idx.msk [tilespmem:v41+s3+$0x0], $0xffff;
	[tilespmem:s1+$0xCB80] =	vst v9  }
0x2d4: {  	v48 =	vadd.s32 $0x11, v5;
	v11 =	vld.idx.msk [tilespmem:v42+s3+$0x0], $0xffff;
	[tilespmem:s31+$0xCB80] =	vst v13  }
0x2d5: {  	[tilespmem:s29+$0xD380] =	vst v6;
	v49 =	vadd.s32 $0x11, v7;
	v10 =	vld.idx.msk [tilespmem:v44+s3+$0x0], $0xffff  }
0x2d6: {  	v51 =	vadd.s32 $0x11, v8;
	[tilespmem:s25+$0xD100] =	vst v43;
	v15 =	vld.idx.msk [tilespmem:v46+s3+$0x0], $0xffff  }
0x2d7: {  	[tilespmem:s28+$0xCC00] =	vst v16;
	v52 =	vadd.s32 $0x1B, v3;
	v50 =	vld.idx.msk [tilespmem:v45+s3+$0x0], $0xffff  }
0x2d8: {  	v53 =	vadd.s32 $0x12, v2;
	v17 =	vld.idx.msk [tilespmem:v47+s3+$0x0], $0xffff;
	[tilespmem:s30+$0xCC00] =	vst v12  }
0x2d9: {  	v54 =	vadd.s32 $0x12, v4;
	v9 =	vld.idx.msk [tilespmem:v48+s3+$0x0], $0xffff;
	[tilespmem:s1+$0xCC00] =	vst v11  }
0x2da: {  	v55 =	vadd.s32 $0x12, v5;
	v13 =	vld.idx.msk [tilespmem:v49+s3+$0x0], $0xffff;
	[tilespmem:s31+$0xCC00] =	vst v10  }
0x2db: {  	[tilespmem:s24+$0xCF00] =	vst v15;
	v56 =	vadd.s32 $0x12, v7;
	v6 =	vld.idx.msk [tilespmem:v51+s3+$0x0], $0xffff  }
0x2dc: {  	v57 =	vld.idx.msk [tilespmem:v52+s3+$0x0], $0xffff;
	v58 =	vadd.s32 $0x12, v8;
	[tilespmem:s26+$0xCC80] =	vst v50  }
0x2dd: {  	v24 =	vadd.s32 $0x1C, v3;
	v16 =	vld.idx.msk [tilespmem:v53+s3+$0x0], $0xffff;
	[tilespmem:s28+$0xCC80] =	vst v17  }
0x2de: {  	v60 =	vadd.s32 $0x13, v2;
	v12 =	vld.idx.msk [tilespmem:v54+s3+$0x0], $0xffff;
	[tilespmem:s30+$0xCC80] =	vst v9  }
0x2df: {  	v61 =	vadd.s32 $0x13, v4;
	v11 =	vld.idx.msk [tilespmem:v55+s3+$0x0], $0xffff;
	[tilespmem:s1+$0xCC80] =	vst v13  }
0x2e0: {  	v62 =	vadd.s32 $0x13, v5;
	v10 =	vld.idx.msk [tilespmem:v56+s3+$0x0], $0xffff;
	[tilespmem:s31+$0xCC80] =	vst v6  }
0x2e1: {  	v63 =	vadd.s32 $0x13, v7;
	[tilespmem:s25+$0xD180] =	vst v57;
	v21 =	vld.idx.msk [tilespmem:v58+s3+$0x0], $0xffff  }
0x2e2: {  	v23 =	vadd.s32 $0x13, v8;
	v30 =	vld.idx.msk [tilespmem:v24+s3+$0x0], $0xffff;
	[tilespmem:s26+$0xCD00] =	vst v16  }
0x2e3: {  	v40 =	vadd.s32 $0x1D, v3;
	v17 =	vld.idx.msk [tilespmem:v60+s3+$0x0], $0xffff;
	[tilespmem:s28+$0xCD00] =	vst v12  }
0x2e4: {  	v25 =	vadd.s32 $0x14, v2;
	v9 =	vld.idx.msk [tilespmem:v61+s3+$0x0], $0xffff;
	[tilespmem:s30+$0xCD00] =	vst v11  }
0x2e5: {  	v26 =	vadd.s32 $0x14, v4;
	v13 =	vld.idx.msk [tilespmem:v62+s3+$0x0], $0xffff;
	[tilespmem:s1+$0xCD00] =	vst v10  }
0x2e6: {  	v27 =	vadd.s32 $0x14, v5;
	v6 =	vld.idx.msk [tilespmem:v63+s3+$0x0], $0xffff;
	[tilespmem:s31+$0xCD00] =	vst v21  }
0x2e7: {  	[tilespmem:s25+$0xD200] =	vst v30;
	v28 =	vadd.s32 $0x14, v7;
	v29 =	vld.idx.msk [tilespmem:v23+s3+$0x0], $0xffff  }
0x2e8: {  	v31 =	vadd.s32 $0x14, v8;
	v45 =	vld.idx.msk [tilespmem:v40+s3+$0x0], $0xffff;
	[tilespmem:s26+$0xCD80] =	vst v17  }
0x2e9: {  	v59 =	vadd.s32 $0x17, v1;
	v12 =	vld.idx.msk [tilespmem:v25+s3+$0x0], $0xffff;
	[tilespmem:s28+$0xCD80] =	vst v9  }
0x2ea: {  	v33 =	vadd.s32 $0x15, v2;
	v11 =	vld.idx.msk [tilespmem:v26+s3+$0x0], $0xffff;
	[tilespmem:s30+$0xCD80] =	vst v13  }
0x2eb: {  	v34 =	vadd.s32 $0x15, v4;
	v10 =	vld.idx.msk [tilespmem:v27+s3+$0x0], $0xffff;
	[tilespmem:s1+$0xCD80] =	vst v6  }
0x2ec: {  	v35 =	vadd.s32 $0x15, v5;
	v14 =	vld.idx.msk [tilespmem:v28+s3+$0x0], $0xffff;
	[tilespmem:s31+$0xCD80] =	vst v29  }
0x2ed: {  	v36 =	vadd.s32 $0x15, v7;
	[tilespmem:s25+$0xD280] =	vst v45;
	v37 =	vld.idx.msk [tilespmem:v31+s3+$0x0], $0xffff  }
0x2ee: {  	v39 =	vadd.s32 $0x15, v8;
	v22 =	vld.idx.msk [tilespmem:v59+s3+$0x0], $0xffff;
	[tilespmem:s26+$0xCE00] =	vst v12  }
0x2ef: {  	v54 =	vadd.s32 $0x1E, v3;
	v9 =	vld.idx.msk [tilespmem:v33+s3+$0x0], $0xffff;
	[tilespmem:s28+$0xCE00] =	vst v11  }
0x2f0: {  	v41 =	vadd.s32 $0x16, v2;
	v13 =	vld.idx.msk [tilespmem:v34+s3+$0x0], $0xffff;
	[tilespmem:s30+$0xCE00] =	vst v10  }
0x2f1: {  	v42 =	vadd.s32 $0x16, v4;
	v6 =	vld.idx.msk [tilespmem:v35+s3+$0x0], $0xffff;
	[tilespmem:s1+$0xCE00] =	vst v14  }
0x2f2: {  	v43 =	vadd.s32 $0x16, v5;
	v15 =	vld.idx.msk [tilespmem:v36+s3+$0x0], $0xffff;
	[tilespmem:s31+$0xCE00] =	vst v37  }
0x2f3: {  	[tilespmem:s24+$0xCF80] =	vst v22;
	v44 =	vadd.s32 $0x16, v7;
	v12 =	vld.idx.msk [tilespmem:v39+s3+$0x0], $0xffff  }
0x2f4: {  	v46 =	vadd.s32 $0x16, v8;
	v59 =	vld.idx.msk [tilespmem:v54+s3+$0x0], $0xffff;
	[tilespmem:s26+$0xCE80] =	vst v9  }
0x2f5: {  	v3 =	vadd.s32 $0x1F, v3;
	v11 =	vld.idx.msk [tilespmem:v41+s3+$0x0], $0xffff;
	[tilespmem:s28+$0xCE80] =	vst v13  }
0x2f6: {  	v48 =	vadd.s32 $0x17, v2;
	v10 =	vld.idx.msk [tilespmem:v42+s3+$0x0], $0xffff;
	[tilespmem:s30+$0xCE80] =	vst v6  }
0x2f7: {  	v49 =	vadd.s32 $0x17, v4;
	v14 =	vld.idx.msk [tilespmem:v43+s3+$0x0], $0xffff;
	[tilespmem:s1+$0xCE80] =	vst v15  }
0x2f8: {  	v50 =	vadd.s32 $0x17, v5;
	v16 =	vld.idx.msk [tilespmem:v44+s3+$0x0], $0xffff;
	[tilespmem:s31+$0xCE80] =	vst v12  }
0x2f9: {  	[tilespmem:s25+$0xD300] =	vst v59;
	v51 =	vadd.s32 $0x17, v7;
	v9 =	vld.idx.msk [tilespmem:v46+s3+$0x0], $0xffff  }
0x2fa: {  	v53 =	vadd.s32 $0x17, v8;
	v3 =	vld.idx.msk [tilespmem:v3+s3+$0x0], $0xffff;
	[tilespmem:s26+$0xCF00] =	vst v11  }
0x2fb: {  	v32 =	vadd.s32 $0x18, v1;
	v13 =	vld.idx.msk [tilespmem:v48+s3+$0x0], $0xffff;
	[tilespmem:s28+$0xCF00] =	vst v10  }
0x2fc: {  	v55 =	vadd.s32 $0x18, v2;
	v6 =	vld.idx.msk [tilespmem:v49+s3+$0x0], $0xffff;
	[tilespmem:s30+$0xCF00] =	vst v14  }
0x2fd: {  	v56 =	vadd.s32 $0x18, v4;
	v15 =	vld.idx.msk [tilespmem:v50+s3+$0x0], $0xffff;
	[tilespmem:s1+$0xCF00] =	vst v16  }
0x2fe: {  	v57 =	vadd.s32 $0x18, v5;
	v12 =	vld.idx.msk [tilespmem:v51+s3+$0x0], $0xffff;
	[tilespmem:s31+$0xCF00] =	vst v9  }
0x2ff: {  	[tilespmem:s25+$0xD380] =	vst v3;
	v58 =	vadd.s32 $0x18, v7;
	v11 =	vld.idx.msk [tilespmem:v53+s3+$0x0], $0xffff  }
0x300: {  	v60 =	vadd.s32 $0x18, v8;
	v38 =	vld.idx.msk [tilespmem:v32+s3+$0x0], $0xffff;
	[tilespmem:s26+$0xCF80] =	vst v13  }
0x301: {  	v47 =	vadd.s32 $0x19, v1;
	v10 =	vld.idx.msk [tilespmem:v55+s3+$0x0], $0xffff;
	[tilespmem:s28+$0xCF80] =	vst v6  }
0x302: {  	v62 =	vadd.s32 $0x19, v2;
	v14 =	vld.idx.msk [tilespmem:v56+s3+$0x0], $0xffff;
	[tilespmem:s30+$0xCF80] =	vst v15  }
0x303: {  	v63 =	vadd.s32 $0x19, v4;
	v16 =	vld.idx.msk [tilespmem:v57+s3+$0x0], $0xffff;
	[tilespmem:s1+$0xCF80] =	vst v12  }
0x304: {  	v20 =	vadd.s32 $0x19, v5;
	v9 =	vld.idx.msk [tilespmem:v58+s3+$0x0], $0xffff;
	[tilespmem:s31+$0xCF80] =	vst v11  }
0x305: {  	[tilespmem:s24+$0xD000] =	vst v38;
	v21 =	vadd.s32 $0x19, v7;
	v13 =	vld.idx.msk [tilespmem:v60+s3+$0x0], $0xffff  }
0x306: {  	v52 =	vld.idx.msk [tilespmem:v47+s3+$0x0], $0xffff;
	v23 =	vadd.s32 $0x19, v8;
	[tilespmem:s26+$0xD000] =	vst v10  }
0x307: {  	v61 =	vadd.s32 $0x1A, v1;
	v6 =	vld.idx.msk [tilespmem:v62+s3+$0x0], $0xffff;
	[tilespmem:s28+$0xD000] =	vst v14  }
0x308: {  	v24 =	vadd.s32 $0x1A, v2;
	v15 =	vld.idx.msk [tilespmem:v63+s3+$0x0], $0xffff;
	[tilespmem:s30+$0xD000] =	vst v16  }
0x309: {  	v25 =	vadd.s32 $0x1A, v4;
	v12 =	vld.idx.msk [tilespmem:v20+s3+$0x0], $0xffff;
	[tilespmem:s1+$0xD000] =	vst v9  }
0x30a: {  	v26 =	vadd.s32 $0x1A, v5;
	v11 =	vld.idx.msk [tilespmem:v21+s3+$0x0], $0xffff;
	[tilespmem:s31+$0xD000] =	vst v13  }
0x30b: {  	[tilespmem:s24+$0xD080] =	vst v52;
	v27 =	vadd.s32 $0x1A, v7;
	v10 =	vld.idx.msk [tilespmem:v23+s3+$0x0], $0xffff  }
0x30c: {  	v22 =	vld.idx.msk [tilespmem:v61+s3+$0x0], $0xffff;
	v28 =	vadd.s32 $0x1A, v8;
	[tilespmem:s26+$0xD080] =	vst v6  }
0x30d: {  	v29 =	vadd.s32 $0x1B, v1;
	v14 =	vld.idx.msk [tilespmem:v24+s3+$0x0], $0xffff;
	[tilespmem:s28+$0xD080] =	vst v15  }
0x30e: {  	v30 =	vadd.s32 $0x1B, v2;
	v16 =	vld.idx.msk [tilespmem:v25+s3+$0x0], $0xffff;
	[tilespmem:s30+$0xD080] =	vst v12  }
0x30f: {  	v31 =	vadd.s32 $0x1B, v4;
	v9 =	vld.idx.msk [tilespmem:v26+s3+$0x0], $0xffff;
	[tilespmem:s1+$0xD080] =	vst v11  }
0x310: {  	v32 =	vadd.s32 $0x1B, v5;
	v13 =	vld.idx.msk [tilespmem:v27+s3+$0x0], $0xffff;
	[tilespmem:s31+$0xD080] =	vst v10  }
0x311: {  	v3 =	vadd.s32 $0x1B, v7;
	[tilespmem:s24+$0xD100] =	vst v22;
	v6 =	vld.idx.msk [tilespmem:v28+s3+$0x0], $0xffff  }
0x312: {  	v34 =	vadd.s32 $0x1B, v8;
	v33 =	vld.idx.msk [tilespmem:v29+s3+$0x0], $0xffff;
	[tilespmem:s26+$0xD100] =	vst v14  }
0x313: {  	v35 =	vadd.s32 $0x1C, v1;
	v15 =	vld.idx.msk [tilespmem:v30+s3+$0x0], $0xffff;
	[tilespmem:s28+$0xD100] =	vst v16  }
0x314: {  	v36 =	vadd.s32 $0x1C, v2;
	v12 =	vld.idx.msk [tilespmem:v31+s3+$0x0], $0xffff;
	[tilespmem:s30+$0xD100] =	vst v9  }
0x315: {  	v37 =	vadd.s32 $0x1C, v4;
	v11 =	vld.idx.msk [tilespmem:v32+s3+$0x0], $0xffff;
	[tilespmem:s1+$0xD100] =	vst v13  }
0x316: {  	v38 =	vadd.s32 $0x1C, v5;
	v3 =	vld.idx.msk [tilespmem:v3+s3+$0x0], $0xffff;
	[tilespmem:s31+$0xD100] =	vst v6  }
0x317: {  	v39 =	vadd.s32 $0x1C, v7;
	[tilespmem:s24+$0xD180] =	vst v33;
	v40 =	vld.idx.msk [tilespmem:v34+s3+$0x0], $0xffff  }
0x318: {  	v42 =	vadd.s32 $0x1C, v8;
	v41 =	vld.idx.msk [tilespmem:v35+s3+$0x0], $0xffff;
	[tilespmem:s26+$0xD180] =	vst v15  }
0x319: {  	v43 =	vadd.s32 $0x1D, v1;
	v16 =	vld.idx.msk [tilespmem:v36+s3+$0x0], $0xffff;
	[tilespmem:s28+$0xD180] =	vst v12  }
0x31a: {  	v44 =	vadd.s32 $0x1D, v2;
	v9 =	vld.idx.msk [tilespmem:v37+s3+$0x0], $0xffff;
	[tilespmem:s30+$0xD180] =	vst v11  }
0x31b: {  	v45 =	vadd.s32 $0x1D, v4;
	v13 =	vld.idx.msk [tilespmem:v38+s3+$0x0], $0xffff;
	[tilespmem:s1+$0xD180] =	vst v3  }
0x31c: {  	v3 =	vadd.s32 $0x1D, v5;
	v6 =	vld.idx.msk [tilespmem:v39+s3+$0x0], $0xffff;
	[tilespmem:s31+$0xD180] =	vst v40  }
0x31d: {  	v46 =	vadd.s32 $0x1D, v7;
	[tilespmem:s24+$0xD200] =	vst v41;
	v47 =	vld.idx.msk [tilespmem:v42+s3+$0x0], $0xffff  }
0x31e: {  	v49 =	vadd.s32 $0x1D, v8;
	v48 =	vld.idx.msk [tilespmem:v43+s3+$0x0], $0xffff;
	[tilespmem:s26+$0xD200] =	vst v16  }
0x31f: {  	v50 =	vadd.s32 $0x1E, v1;
	v12 =	vld.idx.msk [tilespmem:v44+s3+$0x0], $0xffff;
	[tilespmem:s28+$0xD200] =	vst v9  }
0x320: {  	v51 =	vadd.s32 $0x1E, v2;
	v11 =	vld.idx.msk [tilespmem:v45+s3+$0x0], $0xffff;
	[tilespmem:s30+$0xD200] =	vst v13  }
0x321: {  	v52 =	vadd.s32 $0x1E, v4;
	v3 =	vld.idx.msk [tilespmem:v3+s3+$0x0], $0xffff;
	[tilespmem:s1+$0xD200] =	vst v6  }
0x322: {  	v53 =	vadd.s32 $0x1E, v5;
	v10 =	vld.idx.msk [tilespmem:v46+s3+$0x0], $0xffff;
	[tilespmem:s31+$0xD200] =	vst v47  }
0x323: {  	v54 =	vadd.s32 $0x1E, v7;
	[tilespmem:s24+$0xD280] =	vst v48;
	v55 =	vld.idx.msk [tilespmem:v49+s3+$0x0], $0xffff  }
0x324: {  	v57 =	vadd.s32 $0x1E, v8;
	v56 =	vld.idx.msk [tilespmem:v50+s3+$0x0], $0xffff;
	[tilespmem:s26+$0xD280] =	vst v12  }
0x325: {  	v1 =	vadd.s32 $0x1F, v1;
	v9 =	vld.idx.msk [tilespmem:v51+s3+$0x0], $0xffff;
	[tilespmem:s28+$0xD280] =	vst v11  }
0x326: {  	v2 =	vadd.s32 $0x1F, v2;
	v11 =	vld.idx.msk [tilespmem:v52+s3+$0x0], $0xffff;
	[tilespmem:s30+$0xD280] =	vst v3  }
0x327: {  	v3 =	vadd.s32 $0x1F, v4;
	v58 =	vld.idx.msk [tilespmem:v53+s3+$0x0], $0xffff;
	[tilespmem:s1+$0xD280] =	vst v10  }
0x328: {  	v59 =	vadd.s32 $0x1F, v5;
	v60 =	vld.idx.msk [tilespmem:v54+s3+$0x0], $0xffff;
	[tilespmem:s31+$0xD280] =	vst v55  }
0x329: {  	v61 =	vadd.s32 $0x1F, v7;
	[tilespmem:s24+$0xD300] =	vst v56;
	v62 =	vld.idx.msk [tilespmem:v57+s3+$0x0], $0xffff  }
0x32a: {  	v8 =	vadd.s32 $0x1F, v8;
	v1 =	vld.idx.msk [tilespmem:v1+s3+$0x0], $0xffff;
	[tilespmem:s26+$0xD300] =	vst v9  }
0x32b: {  	v2 =	vld.idx.msk [tilespmem:v2+s3+$0x0], $0xffff;
	[tilespmem:s28+$0xD300] =	vst v11  }
0x32c: {  	v3 =	vld.idx.msk [tilespmem:v3+s3+$0x0], $0xffff;
	[tilespmem:s30+$0xD300] =	vst v58  }
0x32d: {  	v4 =	vld.idx.msk [tilespmem:v59+s3+$0x0], $0xffff;
	[tilespmem:s1+$0xD300] =	vst v60  }
0x32e: {  	v63 =	vld.idx.msk [tilespmem:v61+s3+$0x0], $0xffff;
	[tilespmem:s31+$0xD300] =	vst v62  }
0x32f: {  	s22 =	sadd.s32 $0x1, s22;
	[tilespmem:s24+$0xD380] =	vst v1;
	v1 =	vld.idx.msk [tilespmem:v8+s3+$0x0], $0xffff  }
0x330: {  	p0 =	sne.s32 s22, $0x5;
	s29 =	smul.u32 $0x280000, s23;
	[tilespmem:s26+$0xD380] =	vst v2  }
.Ltmp2:
0x331: {  	[tilespmem:s28+$0xD380] =	vst v3;
	(pc) =	sbr.rel @p0 .LBB2_3-.Ltmp2, $4  }
0x332: {  	s0 =	sadd.s32 s20, s29;
	[tilespmem:s30+$0xD380] =	vst v4  }
0x333: {  	s0 =	sshrl.u32 s0, $0x3;
	[tilespmem:s1+$0xD380] =	vst v63  }
0x334: {  	s0 =	sadd.s32 s2, s0;
	[tilespmem:s31+$0xD380] =	vst v1  }
0x335: {  	[hbm4b:s0+s11] =	stream.strided.scatter [tilespmem:s14], [sflag:$0x4], $0x5000, s12, s11, $0x38;
	[tilespmem:$0x11400] =	vst v63  }
0x336: {  	s18 =	sadd.s32 $0x1, s18  }
0x337: {  	p0 =	sne.s32 s18, $0x4  }
.Ltmp3:
0x338: {  	_ = 	snop;
	(pc) =	sbr.rel @p0 .LBB2_2-.Ltmp3, $1  }
0x339: {  	_ =	sdelay $0x3  }
0x33a: {  	s0 =	simm.s32 $0x3  }
0x33b: {  	_ =	swait.ge [sflag:s0], $0x5000  }
0x33c: {  	[sflag:s0] =	ssyncset.done $0x0  }
0x33d: {  	[sflag:s0] =	ssyncadd.s32 $0xFFFFB000  }
0x33e: {  	_ =	swait.ge [sflag:s16], $0x5000  }
0x33f: {  	s17 =	sadd.s32 $0x1, s17;
	s31 =	rddreg [dreg:$0x5]  }
0x340: {  	p0 =	sne.s32 s17, s31  }
.Ltmp4:
0x341: {  	_ = 	snop;
	(pc) =	sbr.rel @p0 .LBB2_1-.Ltmp4, $3  }
0x342: {  	_ =	sdelay $0x1  }
0x343: {  	[sflag:s16] =	ssyncset.done $0x0  }
0x344: {  	[sflag:s16] =	ssyncadd.s32 $0xFFFFB000  }
0x345: {  	_ =	sfence.sel $0x180000  }
0x346: {  	[bflag:$0x0] =	sbarrier.arrive $0xFFFF  }
0x347: {  	_ =	strace $0x90000047  }
0x348: {  	s0 =	stileid.u32;
	[bflag:$0x2] =	sbarrier.arrive $0xFFFF  }
0x349: {  	p0 =	sne.s32 s0, $0x0;
	s0 =	rddreg [dreg:$0x2]  }
0x34a: {  	s0 =	sadd.s32 @!p0 $0x100000, s0  }
0x34b: {  	[sflag:s0] =	ssyncadd.tile.s32 @!p0 $0x1;
	_ =	shalt  }
.Lfunc_end2:
_tile_overlayer_lowered:
.L_overlay_start_2:
0x34c: {  	(tag) =	ssettag $0x2  }
0x34d: {  	s0 =	rddreg [dreg:$0x0];
	s2 =	stileid.u32  }
0x34e: {  	s1 =	rddreg [dreg:$0x1];
	p0 =	sne.s32 s2, $0x0  }
0x34f: {  	s3 =	rddreg [dreg:$0x2];
	[bflag:$0x3] =	sbarrier.arrive $0xFFFF;
	s2 =	simm.s32 @!p0 $0x1C05  }
0x350: {  	[timem:s3], [sflag:s2] =	dma.local @!p0 [hbm:s0], s1  }
0x351: {  	s0 =	simm.s32 @!p0 $0x5  }
0x352: {  	_ =	swait.ge @!p0 [sflag:s0], s1  }
0x353: {  	s1 =	ssub.s32 @!p0 $0x0, s1;
	[sflag:s0] =	ssyncset.done @!p0 $0x0  }
0x354: {  	[sflag:s0] =	ssyncadd.s32 @!p0 s1  }
0x355: {  	[bflag:$0x3] =	sbarrier.arrive $0xFFFF  }
0x356: {  	_ =	shalt  }

</sc_bundles>
